<compile_context>
chip_gen: v7x
topology: tpu7x:2x2x1
jax: 0.10.2.dev20260603
libtpu: 0.0.44.dev20260713+nightly
codegen_flags: <defaults>
</compile_context>

<pallas_src>
import functools

import jax
import jax.numpy as jnp
from jax import lax
from jax.experimental import pallas as pl
from jax.experimental.pallas import tpu as pltpu
from jax.experimental.pallas import tpu_sc as plsc




def _prep_body(x_ref, u_ref, wx_ref, wu_ref, b1_ref, dstt_ref, srct_ref, *, npg):
    xp = jnp.dot(x_ref[...], wx_ref[...], preferred_element_type=jnp.float32)
    ub = jnp.dot(u_ref[...], wu_ref[...], preferred_element_type=jnp.float32)
    ub = ub + b1_ref[...]
    g = u_ref.shape[0]
    h = xp.shape[1]
    ubb = jnp.broadcast_to(ub[:, None, :], (g, npg, h)).reshape(g * npg, h)
    dstt_ref[...] = xp
    srct_ref[...] = ubb - xp


def _prep_tables(x, u, wx, wu, b1, npg):
    n, fx = x.shape
    b, fu = u.shape
    h = wx.shape[1]
    gblk = 8
    grid = (b // gblk,)
    return pl.pallas_call(
        functools.partial(_prep_body, npg=npg),
        grid=grid,
        in_specs=[
            pl.BlockSpec((gblk * npg, fx), lambda i: (i, 0)),
            pl.BlockSpec((gblk, fu), lambda i: (i, 0)),
            pl.BlockSpec((fx, h), lambda i: (0, 0)),
            pl.BlockSpec((fu, h), lambda i: (0, 0)),
            pl.BlockSpec((1, h), lambda i: (0, 0)),
        ],
        out_specs=[
            pl.BlockSpec((gblk * npg, h), lambda i: (i, 0)),
            pl.BlockSpec((gblk * npg, h), lambda i: (i, 0)),
        ],
        out_shape=[
            jax.ShapeDtypeStruct((n, h), jnp.float32),
            jax.ShapeDtypeStruct((n, h), jnp.float32),
        ],
    )(x, u, wx, wu, b1)


def _edge_body(d_ref, e_ref, src_ref, we_ref, w2_ref, b2_ref, w3_ref, b3_ref,
               eo_ref, cnt_ref, *, nb, shift):
    h1 = d_ref[...] + jnp.dot(e_ref[...], we_ref[...],
                              preferred_element_type=jnp.float32)
    h1 = jnp.maximum(h1, 0.0)
    h2 = jnp.dot(h1, w2_ref[...], preferred_element_type=jnp.float32) + b2_ref[...]
    h2 = jnp.maximum(h2, 0.0)
    eo_ref[...] = jnp.dot(h2, w3_ref[...],
                          preferred_element_type=jnp.float32) + b3_ref[...]
    blk = d_ref.shape[0]
    eb = src_ref[0, 0, :] >> shift
    onehot = (lax.broadcasted_iota(jnp.int32, (nb, blk), 0)
              == eb[None, :]).astype(jnp.float32)
    counts = jnp.broadcast_to(jnp.sum(onehot, axis=1, keepdims=True),
                              (nb, cnt_ref.shape[1]))

    @pl.when(pl.program_id(0) == 0)
    def _():
        cnt_ref[...] = jnp.zeros_like(cnt_ref)

    cnt_ref[...] += counts


def _edge_mlp(d, e, src3, we, w2, b2, w3, b3, nb, npg_shift):
    ecnt, h = d.shape
    fe = e.shape[1]
    blk = 512
    grid = (ecnt // blk,)
    return pl.pallas_call(
        functools.partial(_edge_body, nb=nb, shift=npg_shift),
        grid=grid,
        in_specs=[
            pl.BlockSpec((blk, h), lambda i: (i, 0)),
            pl.BlockSpec((blk, fe), lambda i: (i, 0)),
            pl.BlockSpec((1, 1, blk), lambda i: (i, 0, 0)),
            pl.BlockSpec((fe, h), lambda i: (0, 0)),
            pl.BlockSpec((h, h), lambda i: (0, 0)),
            pl.BlockSpec((1, h), lambda i: (0, 0)),
            pl.BlockSpec((h, h), lambda i: (0, 0)),
            pl.BlockSpec((1, h), lambda i: (0, 0)),
        ],
        out_specs=[
            pl.BlockSpec((blk, h), lambda i: (i, 0)),
            pl.BlockSpec((nb, h), lambda i: (0, 0)),
        ],
        out_shape=[
            jax.ShapeDtypeStruct((ecnt, h), jnp.float32),
            jax.ShapeDtypeStruct((nb, h), jnp.float32),
        ],
    )(d, e, src3, we, w2, b2, w3, b3)


def _att_body(xd_ref, xo_ref, att_ref, *, npg):
    xd = xd_ref[...]
    xo = xo_ref[...]
    rows = xd.shape[0]
    nd = jnp.sqrt(jnp.sum(xd * xd, axis=1, keepdims=True))
    no = jnp.sqrt(jnp.sum(xo * xo, axis=1, keepdims=True))
    s = lax.dot_general(xd, xo, (((1,), (1,)), ((), ())),
                        preferred_element_type=jnp.float32)
    denom = nd * jnp.transpose(no) + 1e-9
    gi = lax.broadcasted_iota(jnp.int32, (rows, rows), 0) // npg
    gj = lax.broadcasted_iota(jnp.int32, (rows, rows), 1) // npg
    s = jnp.where(gi == gj, s / denom, -1e30)
    m = jnp.max(s, axis=1, keepdims=True)
    ex = jnp.exp(s - m)
    den = jnp.sum(ex, axis=1, keepdims=True)
    a = ex / (den + 1e-9)
    att_ref[...] = jnp.dot(a, xo, preferred_element_type=jnp.float32)


def _attention(xd, xo, npg):
    n, fx = xd.shape
    b = n // npg
    gblk = 8
    rows = gblk * npg
    return pl.pallas_call(
        functools.partial(_att_body, npg=npg),
        grid=(b // gblk,),
        in_specs=[
            pl.BlockSpec((rows, fx), lambda i: (i, 0)),
            pl.BlockSpec((rows, fx), lambda i: (i, 0)),
        ],
        out_specs=pl.BlockSpec((rows, fx), lambda i: (i, 0)),
        out_shape=jax.ShapeDtypeStruct((n, fx), jnp.float32),
    )(xd, xo)


def _node_body(x_ref, agg_ref, att_ref, u_ref,
               w1_ref, b1_ref, w2_ref, b2_ref, w3_ref, b3_ref,
               xn_ref, xsum_ref, asum_ref, *, npg, fx, h, fu):
    agg = agg_ref[...]
    gblk = u_ref.shape[0]
    rows = gblk * npg
    ubb = jnp.broadcast_to(u_ref[...][:, None, :], (gblk, npg, fu)).reshape(rows, fu)
    h1 = (jnp.dot(x_ref[...], w1_ref[0:fx, :], preferred_element_type=jnp.float32)
          + jnp.dot(agg, w1_ref[fx:fx + h, :], preferred_element_type=jnp.float32)
          + jnp.dot(att_ref[...], w1_ref[fx + h:fx + h + fx, :],
                    preferred_element_type=jnp.float32)
          + jnp.dot(ubb, w1_ref[fx + h + fx:, :], preferred_element_type=jnp.float32)
          + b1_ref[...])
    h1 = jnp.maximum(h1, 0.0)
    h2 = jnp.maximum(
        jnp.dot(h1, w2_ref[...], preferred_element_type=jnp.float32) + b2_ref[...],
        0.0)
    xn = jnp.dot(h2, w3_ref[...], preferred_element_type=jnp.float32) + b3_ref[...]
    xn_ref[...] = xn
    hout = xn.shape[1]
    xsum_ref[...] = jnp.sum(xn.reshape(gblk, npg, hout), axis=1)
    asum_ref[...] = jnp.sum(agg.reshape(gblk, npg, h), axis=1)


def _node_mlp(x, agg, att, u, w1, b1, w2, b2, w3, b3, npg):
    n, fx = x.shape
    b, fu = u.shape
    h = agg.shape[1]
    hout = w3.shape[1]
    gblk = 8
    rows = gblk * npg
    return pl.pallas_call(
        functools.partial(_node_body, npg=npg, fx=fx, h=h, fu=fu),
        grid=(b // gblk,),
        in_specs=[
            pl.BlockSpec((rows, fx), lambda i: (i, 0)),
            pl.BlockSpec((rows, h), lambda i: (i, 0)),
            pl.BlockSpec((rows, fx), lambda i: (i, 0)),
            pl.BlockSpec((gblk, fu), lambda i: (i, 0)),
            pl.BlockSpec(w1.shape, lambda i: (0, 0)),
            pl.BlockSpec((1, w1.shape[1]), lambda i: (0, 0)),
            pl.BlockSpec(w2.shape, lambda i: (0, 0)),
            pl.BlockSpec((1, w2.shape[1]), lambda i: (0, 0)),
            pl.BlockSpec(w3.shape, lambda i: (0, 0)),
            pl.BlockSpec((1, w3.shape[1]), lambda i: (0, 0)),
        ],
        out_specs=[
            pl.BlockSpec((rows, hout), lambda i: (i, 0)),
            pl.BlockSpec((gblk, hout), lambda i: (i, 0)),
            pl.BlockSpec((gblk, h), lambda i: (i, 0)),
        ],
        out_shape=[
            jax.ShapeDtypeStruct((n, hout), jnp.float32),
            jax.ShapeDtypeStruct((b, hout), jnp.float32),
            jax.ShapeDtypeStruct((b, h), jnp.float32),
        ],
    )(x, agg, att, u, w1, b1, w2, b2, w3, b3)


def _glob_body(xsum_ref, asum_ref, csum_ref, u_ref,
               w1_ref, b1_ref, w2_ref, b2_ref, w3_ref, b3_ref, un_ref,
               *, npg, h):
    xm = xsum_ref[...] * jnp.float32(1.0 / (npg + 1e-9))
    ecnt = csum_ref[...][:, 0:1]
    emn = asum_ref[...] / (ecnt + 1e-9)
    u = u_ref[...]
    fu = u.shape[1]
    h1 = (jnp.dot(xm, w1_ref[0:h, :], preferred_element_type=jnp.float32)
          + jnp.dot(emn, w1_ref[h:2 * h, :], preferred_element_type=jnp.float32)
          + jnp.dot(u, w1_ref[2 * h:, :], preferred_element_type=jnp.float32)
          + b1_ref[...])
    h1 = jnp.maximum(h1, 0.0)
    h2 = jnp.maximum(
        jnp.dot(h1, w2_ref[...], preferred_element_type=jnp.float32) + b2_ref[...],
        0.0)
    un_ref[...] = jnp.dot(h2, w3_ref[...],
                          preferred_element_type=jnp.float32) + b3_ref[...]


def _glob_mlp(xsum, asum, csum, u, w1, b1, w2, b2, w3, b3, npg):
    b, h = xsum.shape
    hout = w3.shape[1]
    return pl.pallas_call(
        functools.partial(_glob_body, npg=npg, h=h),
        grid=(1,),
        in_specs=[
            pl.BlockSpec(xsum.shape, lambda i: (0, 0)),
            pl.BlockSpec(asum.shape, lambda i: (0, 0)),
            pl.BlockSpec(csum.shape, lambda i: (0, 0)),
            pl.BlockSpec(u.shape, lambda i: (0, 0)),
            pl.BlockSpec(w1.shape, lambda i: (0, 0)),
            pl.BlockSpec((1, w1.shape[1]), lambda i: (0, 0)),
            pl.BlockSpec(w2.shape, lambda i: (0, 0)),
            pl.BlockSpec((1, w2.shape[1]), lambda i: (0, 0)),
            pl.BlockSpec(w3.shape, lambda i: (0, 0)),
            pl.BlockSpec((1, w3.shape[1]), lambda i: (0, 0)),
        ],
        out_specs=pl.BlockSpec((b, hout), lambda i: (0, 0)),
        out_shape=jax.ShapeDtypeStruct((b, hout), jnp.float32),
    )(xsum, asum, csum, u, w1, b1, w2, b2, w3, b3)


def _final_body(u1_ref, u2_ref, w1_ref, b1_ref, w2_ref, b2_ref, w3_ref, b3_ref,
                o_ref, *, h):
    h1 = (jnp.dot(u1_ref[...], w1_ref[0:h, :], preferred_element_type=jnp.float32)
          + jnp.dot(u2_ref[...], w1_ref[h:, :], preferred_element_type=jnp.float32)
          + b1_ref[...])
    h1 = jnp.maximum(h1, 0.0)
    h2 = jnp.maximum(
        jnp.dot(h1, w2_ref[...], preferred_element_type=jnp.float32) + b2_ref[...],
        0.0)
    o_ref[...] = jnp.dot(h2, w3_ref[...],
                         preferred_element_type=jnp.float32) + b3_ref[...]


def _final_mlp(u1n, u2n, w1, b1, w2, b2, w3, b3):
    b, h = u1n.shape
    fout = w3.shape[1]
    return pl.pallas_call(
        functools.partial(_final_body, h=h),
        grid=(1,),
        in_specs=[
            pl.BlockSpec(u1n.shape, lambda i: (0, 0)),
            pl.BlockSpec(u2n.shape, lambda i: (0, 0)),
            pl.BlockSpec(w1.shape, lambda i: (0, 0)),
            pl.BlockSpec((1, w1.shape[1]), lambda i: (0, 0)),
            pl.BlockSpec(w2.shape, lambda i: (0, 0)),
            pl.BlockSpec((1, w2.shape[1]), lambda i: (0, 0)),
            pl.BlockSpec(w3.shape, lambda i: (0, 0)),
            pl.BlockSpec((1, w3.shape[1]), lambda i: (0, 0)),
        ],
        out_specs=pl.BlockSpec((b, fout), lambda i: (0, 0)),
        out_shape=jax.ShapeDtypeStruct((b, fout), jnp.float32),
    )(u1n, u2n, w1, b1, w2, b2, w3, b3)



_C = 128


def _sc_gather(dsttab, srctab, dsti3, srci3):
    info = plsc.get_sparse_core_info()
    nc, ns = info.num_cores, info.num_subcores
    nw = nc * ns
    _, ch, c = dsti3.shape
    n, h = dsttab.shape
    e_total = nw * ch * c
    eperw = ch * c

    @functools.partial(
        pl.kernel,
        mesh=plsc.VectorSubcoreMesh(core_axis_name="c", subcore_axis_name="s"),
        out_type=jax.ShapeDtypeStruct((e_total, h), jnp.float32),
        scratch_types=[
            pltpu.VMEM((ch, c), jnp.int32),
            pltpu.VMEM((ch, c), jnp.int32),
            pltpu.VMEM((c,), jnp.int32),
            pltpu.VMEM((2, c, h), jnp.float32),
            pltpu.VMEM((2, c, h), jnp.float32),
            pltpu.VMEM_SHARED((ns * c, h), jnp.float32),
            pltpu.SemaphoreType.DMA,
            pltpu.SemaphoreType.DMA,
        ],
    )
    def k(dstt_h, srct_h, dsti_h, srci_h, d_h,
          dsti_v, srci_v, iden_v, bufa_v, bufb_v, dacc_s, sema, semb):
        cid = lax.axis_index("c")
        sid = lax.axis_index("s")
        wid = sid * nc + cid
        base_e = wid * eperw
        pltpu.sync_copy(dsti_h.at[wid], dsti_v)
        pltpu.sync_copy(srci_h.at[wid], srci_v)
        for j in range(c // 16):
            iden_v[pl.ds(j * 16, 16)] = (
                lax.iota(jnp.int32, 16) + (sid * c + j * 16))
        pltpu.async_copy(dstt_h.at[dsti_v.at[0]], bufa_v.at[0], sema)
        pltpu.async_copy(srct_h.at[srci_v.at[0]], bufb_v.at[0], semb)

        def chunk(kk, carry):
            cur = lax.rem(kk, 2)
            nxt = lax.rem(kk + 1, 2)

            @pl.when(kk + 1 < ch)
            def _():
                pltpu.async_copy(dstt_h.at[dsti_v.at[kk + 1]], bufa_v.at[nxt],
                                 sema)
                pltpu.async_copy(srct_h.at[srci_v.at[kk + 1]], bufb_v.at[nxt],
                                 semb)

            pltpu.make_async_copy(dstt_h.at[dsti_v.at[kk]], bufa_v.at[cur],
                                  sema).wait()
            pltpu.sync_copy(bufa_v.at[cur], dacc_s.at[pl.ds(sid * c, c), :])
            pltpu.make_async_copy(srct_h.at[srci_v.at[kk]], bufb_v.at[cur],
                                  semb).wait()
            pltpu.sync_copy(bufb_v.at[cur], dacc_s.at[iden_v], add=True)
            pltpu.sync_copy(dacc_s.at[pl.ds(sid * c, c), :],
                            d_h.at[pl.ds(base_e + kk * c, c), :])
            return carry

        lax.fori_loop(0, ch, chunk, 0)

    return k(dsttab, srctab, dsti3, srci3)


def _sc_scatter(eout, dsti3, zeros):
    info = plsc.get_sparse_core_info()
    nc, ns = info.num_cores, info.num_subcores
    ns_, cht, c = dsti3.shape
    e_total, h = eout.shape
    rowspt = zeros.shape[0]
    n = rowspt * ns * nc
    half = n // nc
    epert = cht * c

    @functools.partial(
        pl.kernel,
        mesh=plsc.VectorSubcoreMesh(core_axis_name="c", subcore_axis_name="s"),
        out_type=jax.ShapeDtypeStruct((n, h), jnp.float32),
        scratch_types=[
            pltpu.VMEM((cht, c), jnp.int32),
            pltpu.VMEM((c,), jnp.int32),
            pltpu.VMEM((2, c, h), jnp.float32),
            pltpu.VMEM_SHARED((half + 8, h), jnp.float32),
            pltpu.SemaphoreType.DMA,
        ],
    )
    def k(eout_h, dsti_h, zeros_h, agg_h, dsti_v, idx2_v, buf_v, agg_s, sem):
        cid = lax.axis_index("c")
        sid = lax.axis_index("s")
        base_e = sid * epert
        rbase = sid * rowspt
        nbase = cid * half
        pltpu.sync_copy(dsti_h.at[sid], dsti_v)
        pltpu.sync_copy(zeros_h, agg_s.at[pl.ds(rbase, rowspt), :])
        plsc.subcore_barrier()
        pltpu.async_copy(eout_h.at[pl.ds(base_e, c), :], buf_v.at[0], sem)

        def chunk(kk, carry):
            cur = lax.rem(kk, 2)
            nxt = lax.rem(kk + 1, 2)

            @pl.when(kk + 1 < cht)
            def _():
                pltpu.async_copy(
                    eout_h.at[pl.ds(base_e + (kk + 1) * c, c), :],
                    buf_v.at[nxt], sem)

            for j in range(c // 16):
                dv = dsti_v[kk, pl.ds(j * 16, 16)] - nbase
                ok = (dv >= 0) & (dv < half)
                idx2_v[pl.ds(j * 16, 16)] = jnp.where(ok, dv, half)
            pltpu.make_async_copy(eout_h.at[pl.ds(base_e + kk * c, c), :],
                                  buf_v.at[cur], sem).wait()
            pltpu.sync_copy(buf_v.at[cur], agg_s.at[idx2_v], add=True)
            return carry

        lax.fori_loop(0, cht, chunk, 0)
        plsc.subcore_barrier()
        pltpu.sync_copy(agg_s.at[pl.ds(rbase, rowspt), :],
                        agg_h.at[pl.ds(nbase + rbase, rowspt), :])

    return k(eout, dsti3, zeros)




def _gnn_step(x, x_att_other, e, u, srce3, src3, dst3, dstt3, em, nm, gm,
              zeros, npg, npg_shift):
    (w1e, b1e), (w2e, b2e), (w3e, b3e) = em
    fx = x.shape[1]
    fu = u.shape[1]
    fe = w1e.shape[0] - fx - fu
    we = w1e[0:fe]
    wx = w1e[fe:fe + fx]
    wu = w1e[fe + fx:]
    b = u.shape[0]
    dsttab, srctab = _prep_tables(x, u, wx, wu, b1e.reshape(1, -1), npg)
    d = _sc_gather(dsttab, srctab, dst3, src3)
    eout, cnt = _edge_mlp(d, e, srce3, we, w2e, b2e.reshape(1, -1), w3e,
                          b3e.reshape(1, -1), b, npg_shift)
    agg = _sc_scatter(eout, dstt3, zeros)
    att = _attention(x, x_att_other, npg)
    (w1n, b1n), (w2n, b2n), (w3n, b3n) = nm
    xn, xsum, asum = _node_mlp(
        x, agg, att, u, w1n, b1n.reshape(1, -1), w2n, b2n.reshape(1, -1),
        w3n, b3n.reshape(1, -1), npg)
    (w1g, b1g), (w2g, b2g), (w3g, b3g) = gm
    un = _glob_mlp(xsum, asum, cnt, u, w1g, b1g.reshape(1, -1), w2g,
                   b2g.reshape(1, -1), w3g, b3g.reshape(1, -1), npg)
    return xn, un


def kernel(x1, e1, u1, x2, e2, u2, em, nm, gm, om, edge_index1, batch1,
           edge_index2, batch2, cross_ei):
    n, fx = x1.shape
    b, fu = u1.shape
    e_total = e1.shape[0]
    npg = n // b
    info = plsc.get_sparse_core_info()
    nw = info.num_cores * info.num_subcores
    ch = e_total // (nw * _C)
    assert nw * ch * _C == e_total

    ns = info.num_subcores
    nc = info.num_cores
    cht = e_total // (ns * _C)
    npg_shift = npg.bit_length() - 1
    assert (1 << npg_shift) == npg
    eblk = 512
    src1 = edge_index1[0].reshape(nw, ch, _C)
    dst1 = edge_index1[1].reshape(nw, ch, _C)
    src2 = edge_index2[0].reshape(nw, ch, _C)
    dst2 = edge_index2[1].reshape(nw, ch, _C)
    dstt1 = edge_index1[1].reshape(ns, cht, _C)
    dstt2 = edge_index2[1].reshape(ns, cht, _C)
    srce1 = edge_index1[0].reshape(e_total // eblk, 1, eblk)
    srce2 = edge_index2[0].reshape(e_total // eblk, 1, eblk)
    zeros = jnp.zeros((n // (ns * nc), 128), jnp.float32)

    x1n, u1n = _gnn_step(x1, x2, e1, u1, srce1, src1, dst1, dstt1, em, nm, gm,
                         zeros, npg, npg_shift)
    _, u2n = _gnn_step(x2, x1n, e2, u2, srce2, src2, dst2, dstt2, em, nm, gm,
                       zeros, npg, npg_shift)

    (w1o, b1o), (w2o, b2o), (w3o, b3o) = om
    return _final_mlp(u1n, u2n, w1o, b1o.reshape(1, -1), w2o, b2o.reshape(1, -1),
                      w3o, b3o.reshape(1, -1))

# --- scband reference (transcript-rebuilt; emitter-appended) ---
"""Pipeline reference for scband-graph-matching-simple-12953621365076 (READ-ONLY COPY).

The authoritative reference and input builder live on the scoring server;
editing this copy changes nothing except your own understanding.
"""

import jax, jax.numpy as jnp
import numpy as np

B = 512
NPG = 32
N = B * NPG
DEG = 16
E = N * DEG
FX = 128
FE = 16
FU = 128
H = 128
FOUT = 64
LAYERS = [128, 128]


def init_mlp(key, dims):
    params = []
    for i in range(len(dims) - 1):
        key, k = jax.random.split(key)
        W = jax.random.normal(k, (dims[i], dims[i + 1]), dtype=jnp.float32) / np.sqrt(dims[i])
        b = jnp.zeros((dims[i + 1],), dtype=jnp.float32)
        params.append((W, b))
    return params


def mlp_apply(params, x):
    for W, b in params[:-1]:
        x = jax.nn.relu(x @ W + b)
    W, b = params[-1]
    return x @ W + b


def segment_softmax(logits, seg, num):
    m = jax.ops.segment_max(logits, seg, num_segments=num)
    ex = jnp.exp(logits - m[seg])
    s = jax.ops.segment_sum(ex, seg, num_segments=num)
    return ex / (s[seg] + 1e-9)


def gnn_step(x, x_other, edge_index, cross_ei, e, u, batch, em, nm, gm):
    # EdgeModelDiff: mlp([e, x_dst - x_src, u[batch_edge]])
    src = edge_index[0]
    dst = edge_index[1]
    eb = batch[src]
    e_out = mlp_apply(em, jnp.concatenate([e, x[dst] - x[src], u[eb]], axis=1))
    # CosineAttention: cross-graph cosine-similarity attention, softmax per dst node
    cs = cross_ei[0]
    cd = cross_ei[1]
    xo = x_other[cs]
    xd = x[cd]
    sim = jnp.sum(xo * xd, axis=1) / (jnp.linalg.norm(xo, axis=1) * jnp.linalg.norm(xd, axis=1) + 1e-9)
    a = segment_softmax(sim, cd, x.shape[0])
    att = jax.ops.segment_sum(a[:, None] * xo, cd, num_segments=x.shape[0])
    # CosineSimNodeModel: mlp([x, scatter_sum(e_out, dst), attended, u[batch]])
    agg = jax.ops.segment_sum(e_out, dst, num_segments=x.shape[0])
    x_new = mlp_apply(nm, jnp.concatenate([x, agg, att, u[batch]], axis=1))
    # GlobalModel: mlp([mean_x, mean_e, u])
    nb = u.shape[0]
    ncnt = jax.ops.segment_sum(jnp.ones((x.shape[0],), jnp.float32), batch, num_segments=nb)
    ecnt = jax.ops.segment_sum(jnp.ones((e_out.shape[0],), jnp.float32), eb, num_segments=nb)
    xm = jax.ops.segment_sum(x_new, batch, num_segments=nb) / (ncnt[:, None] + 1e-9)
    emn = jax.ops.segment_sum(e_out, eb, num_segments=nb) / (ecnt[:, None] + 1e-9)
    u_new = mlp_apply(gm, jnp.concatenate([xm, emn, u], axis=1))
    return x_new, e_out, u_new


def _forward(x1, e1, u1, x2, e2, u2, em, nm, gm, om, edge_index1, batch1, edge_index2, batch2, cross_ei):
    cg_flip = jnp.flip(cross_ei, axis=0)
    x1n, e1n, u1n = gnn_step(x1, x2, edge_index1, cg_flip, e1, u1, batch1, em, nm, gm)
    x2n, e2n, u2n = gnn_step(x2, x1n, edge_index2, cross_ei, e2, u2, batch2, em, nm, gm)
    return mlp_apply(om, jnp.concatenate([u1n, u2n], axis=1))


def setup_inputs(seed: int = 0):
    key = jax.random.key(seed)
    ks = jax.random.split(key, 16)
    x1 = jax.random.normal(ks[0], (N, FX), dtype=jnp.float32)
    x2 = jax.random.normal(ks[1], (N, FX), dtype=jnp.float32)
    e1 = jax.random.normal(ks[2], (E, FE), dtype=jnp.float32)
    e2 = jax.random.normal(ks[3], (E, FE), dtype=jnp.float32)
    u1 = jax.random.normal(ks[4], (B, FU), dtype=jnp.float32)
    u2 = jax.random.normal(ks[5], (B, FU), dtype=jnp.float32)
    src1 = jax.random.randint(ks[6], (E,), 0, N)
    dst1 = (src1 // NPG) * NPG + jax.random.randint(ks[7], (E,), 0, NPG)
    src2 = jax.random.randint(ks[8], (E,), 0, N)
    dst2 = (src2 // NPG) * NPG + jax.random.randint(ks[9], (E,), 0, NPG)
    edge_index1 = jnp.stack([src1, dst1]).astype(jnp.int32)
    edge_index2 = jnp.stack([src2, dst2]).astype(jnp.int32)
    batch1 = jnp.repeat(jnp.arange(B, dtype=jnp.int32), NPG)
    batch2 = batch1
    base = jnp.arange(B, dtype=jnp.int32) * NPG
    g1 = jnp.broadcast_to(base[:, None, None] + jnp.arange(NPG, dtype=jnp.int32)[None, :, None], (B, NPG, NPG)).reshape(-1)
    g2 = jnp.broadcast_to(base[:, None, None] + jnp.arange(NPG, dtype=jnp.int32)[None, None, :], (B, NPG, NPG)).reshape(-1)
    cross_ei = jnp.stack([g1, g2])
    em = init_mlp(ks[10], [FE + FX + FU] + LAYERS + [H])
    nm = init_mlp(ks[11], [FX + H + FX + FU] + LAYERS + [H])
    gm = init_mlp(ks[12], [H + H + FU] + LAYERS + [H])
    om = init_mlp(ks[13], [2 * H] + LAYERS + [FOUT])
    return {"x1": x1, "e1": e1, "u1": u1, "x2": x2, "e2": e2, "u2": u2,
            "em": em, "nm": nm, "gm": gm, "om": om,
            "edge_index1": edge_index1, "batch1": batch1,
            "edge_index2": edge_index2, "batch2": batch2, "cross_ei": cross_ei}


def reference(x1, e1, u1, x2, e2, u2, em, nm, gm, om, edge_index1, batch1, edge_index2, batch2, cross_ei):
    return _forward(x1, e1, u1, x2, e2, u2, em, nm, gm, om, edge_index1, batch1, edge_index2, batch2, cross_ei)

if __name__ == "__main__":
    import jax
    _d = setup_inputs()
    print(jax.jit(kernel)(*tuple(_d.values())))

</pallas_src>

<mosaic_0001>
#map = affine_map<(d0, d1) -> (0, 0)>
#map1 = affine_map<(d0, d1) -> (0, 0, 0)>
module attributes {stable_mosaic.version = 14 : i64} {
  func.func @k(%arg0: i32, %arg1: i32, %arg2: memref<262144x128xf32, #tpu.memory_space<hbm>>, %arg3: memref<16x128x128xi32, #tpu.memory_space<hbm>>, %arg4: memref<512x128xf32, #tpu.memory_space<hbm>>, %arg5: memref<16384x128xf32, #tpu.memory_space<hbm>>, %arg6: memref<128x128xi32, #tpu.memory_space<vmem>>, %arg7: memref<128xi32, #tpu.memory_space<vmem>>, %arg8: memref<2x128x128xf32, #tpu.memory_space<vmem>>, %arg9: memref<8200x128xf32, #tpu.memory_space<vmem_shared>>, %arg10: memref<!tpu.dma_semaphore, #tpu.memory_space<semaphore_mem>>) attributes {dimension_semantics = [#tpu.dimension_semantics<core_parallel>, #tpu.dimension_semantics<subcore_parallel>], iteration_bounds = array<i64: 2, 16>, scalar_prefetch = 0 : i64, scratch_operands = 5 : i64, tpu.core_type = #tpu.core_type<sc_vector_subcore>, window_params = [{transform_indices = #map}, {transform_indices = #map1}, {transform_indices = #map}, {transform_indices = #map}]} {
    %mul3A = arith.constant 16384 : i32
    %mul3A_0 = arith.muli %arg1, %mul3A : i32
    %mul3A_1 = arith.constant 512 : i32
    %mul3A_2 = arith.muli %arg1, %mul3A_1 : i32
    %mul3A_3 = arith.constant 8192 : i32
    %mul3A_4 = arith.muli %arg0, %mul3A_3 : i32
    "tpu.region"() ({
      %run_scoped3A = tpu.sem_alloc : memref<!tpu.dma_semaphore, #tpu.memory_space<semaphore_mem>>
      %dma_start3A_23 = arith.constant 0 : i32
      %dma_start3A_24 = arith.constant 0 : i32
      %dma_start3A_25 = tpu.memref_slice %arg3[%arg1, %dma_start3A_23, %dma_start3A_24] : memref<16x128x128xi32, #tpu.memory_space<hbm>> -> memref<1x128x128xi32, #tpu.memory_space<hbm>>
      %dma_start3A_26 = tpu.memref_squeeze %dma_start3A_25 : memref<1x128x128xi32, #tpu.memory_space<hbm>> -> memref<128x128xi32, #tpu.memory_space<hbm>>
      %dma_start3A_27 = arith.constant 0 : i32
      %dma_start3A_28 = arith.constant 0 : i32
      %dma_start3A_29 = tpu.memref_slice %arg3[%arg1, %dma_start3A_27, %dma_start3A_28] : memref<16x128x128xi32, #tpu.memory_space<hbm>> -> memref<1x128x128xi32, #tpu.memory_space<hbm>>
      %dma_start3A_30 = tpu.memref_squeeze %dma_start3A_29 : memref<1x128x128xi32, #tpu.memory_space<hbm>> -> memref<128x128xi32, #tpu.memory_space<hbm>>
      tpu.enqueue_dma source(%dma_start3A_30 : memref<128x128xi32, #tpu.memory_space<hbm>>) target(%arg6 : memref<128x128xi32, #tpu.memory_space<vmem>>) target_semaphore(%run_scoped3A : memref<!tpu.dma_semaphore, #tpu.memory_space<semaphore_mem>>)
      %dma_wait3A = arith.constant 0 : i32
      %dma_wait3A_31 = arith.constant 0 : i32
      %dma_wait3A_32 = tpu.memref_slice %arg3[%arg1, %dma_wait3A, %dma_wait3A_31] : memref<16x128x128xi32, #tpu.memory_space<hbm>> -> memref<1x128x128xi32, #tpu.memory_space<hbm>>
      %dma_wait3A_33 = tpu.memref_squeeze %dma_wait3A_32 : memref<1x128x128xi32, #tpu.memory_space<hbm>> -> memref<128x128xi32, #tpu.memory_space<hbm>>
      %dma_wait3A_34 = arith.constant 0 : i32
      %dma_wait3A_35 = arith.constant 0 : i32
      %dma_wait3A_36 = tpu.memref_slice %arg3[%arg1, %dma_wait3A_34, %dma_wait3A_35] : memref<16x128x128xi32, #tpu.memory_space<hbm>> -> memref<1x128x128xi32, #tpu.memory_space<hbm>>
      %dma_wait3A_37 = tpu.memref_squeeze %dma_wait3A_36 : memref<1x128x128xi32, #tpu.memory_space<hbm>> -> memref<128x128xi32, #tpu.memory_space<hbm>>
      tpu.wait_dma2 semaphore(%run_scoped3A : memref<!tpu.dma_semaphore, #tpu.memory_space<semaphore_mem>>) src(%dma_wait3A_37 : memref<128x128xi32, #tpu.memory_space<hbm>>) dst(%arg6 : memref<128x128xi32, #tpu.memory_space<vmem>>)
      tpu.yield
    }) : () -> ()
    "tpu.region"() ({
      %run_scoped3A = tpu.sem_alloc : memref<!tpu.dma_semaphore, #tpu.memory_space<semaphore_mem>>
      %dma_start3A_23 = arith.constant 0 : i32
      %dma_start3A_24 = tpu.memref_slice %arg9[%mul3A_2, %dma_start3A_23] : memref<8200x128xf32, #tpu.memory_space<vmem_shared>> -> memref<512x128xf32, #tpu.memory_space<vmem_shared>>
      tpu.enqueue_dma source(%arg4 : memref<512x128xf32, #tpu.memory_space<hbm>>) target(%dma_start3A_24 : memref<512x128xf32, #tpu.memory_space<vmem_shared>>) target_semaphore(%run_scoped3A : memref<!tpu.dma_semaphore, #tpu.memory_space<semaphore_mem>>)
      %dma_wait3A = arith.constant 0 : i32
      %dma_wait3A_25 = tpu.memref_slice %arg9[%mul3A_2, %dma_wait3A] : memref<8200x128xf32, #tpu.memory_space<vmem_shared>> -> memref<512x128xf32, #tpu.memory_space<vmem_shared>>
      tpu.wait_dma2 semaphore(%run_scoped3A : memref<!tpu.dma_semaphore, #tpu.memory_space<semaphore_mem>>) src(%arg4 : memref<512x128xf32, #tpu.memory_space<hbm>>) dst(%dma_wait3A_25 : memref<512x128xf32, #tpu.memory_space<vmem_shared>>)
      tpu.yield
    }) : () -> ()
    %barrier3A = arith.constant 0 : index
    tpu.barrier barrier_id(%barrier3A)
    %dma_start3A = arith.constant 0 : i32
    %dma_start3A_5 = arith.constant 0 : i32
    %dma_start3A_6 = arith.constant 0 : i32
    %dma_start3A_7 = tpu.memref_slice %arg8[%dma_start3A, %dma_start3A_5, %dma_start3A_6] : memref<2x128x128xf32, #tpu.memory_space<vmem>> -> memref<1x128x128xf32, #tpu.memory_space<vmem>>
    %dma_start3A_8 = tpu.memref_squeeze %dma_start3A_7 : memref<1x128x128xf32, #tpu.memory_space<vmem>> -> memref<128x128xf32, #tpu.memory_space<vmem>>
    %dma_start3A_9 = arith.constant 0 : i32
    %dma_start3A_10 = tpu.memref_slice %arg2[%mul3A_0, %dma_start3A_9] : memref<262144x128xf32, #tpu.memory_space<hbm>> -> memref<128x128xf32, #tpu.memory_space<hbm>>
    %dma_start3A_11 = arith.constant 0 : i32
    %dma_start3A_12 = arith.constant 0 : i32
    %dma_start3A_13 = tpu.memref_slice %arg8[%dma_start3A, %dma_start3A_11, %dma_start3A_12] : memref<2x128x128xf32, #tpu.memory_space<vmem>> -> memref<1x128x128xf32, #tpu.memory_space<vmem>>
    %dma_start3A_14 = tpu.memref_squeeze %dma_start3A_13 : memref<1x128x128xf32, #tpu.memory_space<vmem>> -> memref<128x128xf32, #tpu.memory_space<vmem>>
    %dma_start3A_15 = arith.constant 0 : i32
    %dma_start3A_16 = tpu.memref_slice %arg2[%mul3A_0, %dma_start3A_15] : memref<262144x128xf32, #tpu.memory_space<hbm>> -> memref<128x128xf32, #tpu.memory_space<hbm>>
    tpu.enqueue_dma source(%dma_start3A_16 : memref<128x128xf32, #tpu.memory_space<hbm>>) target(%dma_start3A_14 : memref<128x128xf32, #tpu.memory_space<vmem>>) target_semaphore(%arg10 : memref<!tpu.dma_semaphore, #tpu.memory_space<semaphore_mem>>)
    %scan3A = arith.constant 0 : i32
    %scan3A_17 = arith.constant 0 : i32
    %scan3A_18 = arith.constant 128 : i32
    %scan3A_19 = arith.addi %scan3A_17, %scan3A_18 : i32
    %scan3A_20 = arith.constant 1 : i32
    scf.for %scan3A_23 = %scan3A_17 to %scan3A_19 step %scan3A_20  : i32 {
      %rem3A = arith.constant 2 : i32
      %rem3A_24 = arith.remsi %scan3A_23, %rem3A : i32
      %add3A_25 = arith.constant 1 : i32
      %add3A_26 = arith.addi %scan3A_23, %add3A_25 : i32
      %rem3A_27 = arith.constant 2 : i32
      %rem3A_28 = arith.remsi %add3A_26, %rem3A_27 : i32
      %add3A_29 = arith.constant 1 : i32
      %add3A_30 = arith.addi %scan3A_23, %add3A_29 : i32
      %lt3A = arith.constant 128 : i32
      %lt3A_31 = arith.cmpi slt, %add3A_30, %lt3A : i32
      %convert_element_type3A = arith.extui %lt3A_31 : i1 to i32
      %cond3A = arith.constant 0 : i32
      %cond3A_32 = arith.cmpi ne, %convert_element_type3A, %cond3A : i32
      scf.if %cond3A_32 {
        %add3A_199 = arith.constant 1 : i32
        %add3A_200 = arith.addi %scan3A_23, %add3A_199 : i32
        %mul3A_201 = arith.constant 128 : i32
        %mul3A_202 = arith.muli %add3A_200, %mul3A_201 : i32
        %add3A_203 = arith.addi %mul3A_0, %mul3A_202 : i32
        %dma_start3A_204 = arith.constant 0 : i32
        %dma_start3A_205 = arith.constant 0 : i32
        %dma_start3A_206 = tpu.memref_slice %arg8[%rem3A_28, %dma_start3A_204, %dma_start3A_205] : memref<2x128x128xf32, #tpu.memory_space<vmem>> -> memref<1x128x128xf32, #tpu.memory_space<vmem>>
        %dma_start3A_207 = tpu.memref_squeeze %dma_start3A_206 : memref<1x128x128xf32, #tpu.memory_space<vmem>> -> memref<128x128xf32, #tpu.memory_space<vmem>>
        %dma_start3A_208 = arith.constant 0 : i32
        %dma_start3A_209 = tpu.memref_slice %arg2[%add3A_203, %dma_start3A_208] : memref<262144x128xf32, #tpu.memory_space<hbm>> -> memref<128x128xf32, #tpu.memory_space<hbm>>
        %dma_start3A_210 = arith.constant 0 : i32
        %dma_start3A_211 = arith.constant 0 : i32
        %dma_start3A_212 = tpu.memref_slice %arg8[%rem3A_28, %dma_start3A_210, %dma_start3A_211] : memref<2x128x128xf32, #tpu.memory_space<vmem>> -> memref<1x128x128xf32, #tpu.memory_space<vmem>>
        %dma_start3A_213 = tpu.memref_squeeze %dma_start3A_212 : memref<1x128x128xf32, #tpu.memory_space<vmem>> -> memref<128x128xf32, #tpu.memory_space<vmem>>
        %dma_start3A_214 = arith.constant 0 : i32
        %dma_start3A_215 = tpu.memref_slice %arg2[%add3A_203, %dma_start3A_214] : memref<262144x128xf32, #tpu.memory_space<hbm>> -> memref<128x128xf32, #tpu.memory_space<hbm>>
        tpu.enqueue_dma source(%dma_start3A_215 : memref<128x128xf32, #tpu.memory_space<hbm>>) target(%dma_start3A_213 : memref<128x128xf32, #tpu.memory_space<vmem>>) target_semaphore(%arg10 : memref<!tpu.dma_semaphore, #tpu.memory_space<semaphore_mem>>)
      } else {
      }
      %get3A = arith.index_cast %scan3A_23 : i32 to index
      %get3A_33 = arith.constant 0 : index
      %get3A_34 = tpu.vector_load %arg6[%get3A, %get3A_33] {strides = array<i32>} : memref<128x128xi32, #tpu.memory_space<vmem>>, vector<1x16xi32>,
      %get3A_35 = vector.shape_cast %get3A_34 : vector<1x16xi32> to vector<16xi32>
      %sub3A = vector.broadcast %mul3A_4 : i32 to vector<16xi32>
      %sub3A_36 = arith.subi %get3A_35, %sub3A : vector<16xi32>
      %ge3A = arith.constant 0 : i32
      %ge3A_37 = vector.broadcast %ge3A : i32 to vector<16xi32>
      %ge3A_38 = arith.cmpi sge, %sub3A_36, %ge3A_37 : vector<16xi32>
      %lt3A_39 = arith.constant 8192 : i32
      %lt3A_40 = vector.broadcast %lt3A_39 : i32 to vector<16xi32>
      %lt3A_41 = arith.cmpi slt, %sub3A_36, %lt3A_40 : vector<16xi32>
      %and3A = arith.andi %ge3A_38, %lt3A_41 : vector<16xi1>
      %jit3A = arith.constant 8192 : i32
      %broadcast_in_dim3A = vector.broadcast %jit3A : i32 to vector<16xi32>
      %select_n3A = arith.select %and3A, %sub3A_36, %broadcast_in_dim3A : vector<16xi1>, vector<16xi32>
      %swap3A = arith.constant 0 : index
      %swap3A_42 = tpu.vector_load %arg7[%swap3A] {strides = array<i32>} : memref<128xi32, #tpu.memory_space<vmem>>, vector<16xi32>,
      %swap3A_43 = vector.shape_cast %swap3A_42 : vector<16xi32> to vector<16xi32>
      %swap3A_44 = vector.shape_cast %select_n3A : vector<16xi32> to vector<16xi32>
      tpu.vector_store %arg7[%swap3A], %swap3A_44 {strides = array<i32>} : memref<128xi32, #tpu.memory_space<vmem>>, vector<16xi32>,
      %get3A_45 = arith.index_cast %scan3A_23 : i32 to index
      %get3A_46 = arith.constant 16 : index
      %get3A_47 = tpu.vector_load %arg6[%get3A_45, %get3A_46] {strides = array<i32>} : memref<128x128xi32, #tpu.memory_space<vmem>>, vector<1x16xi32>,
      %get3A_48 = vector.shape_cast %get3A_47 : vector<1x16xi32> to vector<16xi32>
      %sub3A_49 = vector.broadcast %mul3A_4 : i32 to vector<16xi32>
      %sub3A_50 = arith.subi %get3A_48, %sub3A_49 : vector<16xi32>
      %ge3A_51 = arith.constant 0 : i32
      %ge3A_52 = vector.broadcast %ge3A_51 : i32 to vector<16xi32>
      %ge3A_53 = arith.cmpi sge, %sub3A_50, %ge3A_52 : vector<16xi32>
      %lt3A_54 = arith.constant 8192 : i32
      %lt3A_55 = vector.broadcast %lt3A_54 : i32 to vector<16xi32>
      %lt3A_56 = arith.cmpi slt, %sub3A_50, %lt3A_55 : vector<16xi32>
      %and3A_57 = arith.andi %ge3A_53, %lt3A_56 : vector<16xi1>
      %jit3A_58 = arith.constant 8192 : i32
      %broadcast_in_dim3A_59 = vector.broadcast %jit3A_58 : i32 to vector<16xi32>
      %select_n3A_60 = arith.select %and3A_57, %sub3A_50, %broadcast_in_dim3A_59 : vector<16xi1>, vector<16xi32>
      %swap3A_61 = arith.constant 16 : index
      %swap3A_62 = tpu.vector_load %arg7[%swap3A_61] {strides = array<i32>} : memref<128xi32, #tpu.memory_space<vmem>>, vector<16xi32>,
      %swap3A_63 = vector.shape_cast %swap3A_62 : vector<16xi32> to vector<16xi32>
      %swap3A_64 = vector.shape_cast %select_n3A_60 : vector<16xi32> to vector<16xi32>
      tpu.vector_store %arg7[%swap3A_61], %swap3A_64 {strides = array<i32>} : memref<128xi32, #tpu.memory_space<vmem>>, vector<16xi32>,
      %get3A_65 = arith.index_cast %scan3A_23 : i32 to index
      %get3A_66 = arith.constant 32 : index
      %get3A_67 = tpu.vector_load %arg6[%get3A_65, %get3A_66] {strides = array<i32>} : memref<128x128xi32, #tpu.memory_space<vmem>>, vector<1x16xi32>,
      %get3A_68 = vector.shape_cast %get3A_67 : vector<1x16xi32> to vector<16xi32>
      %sub3A_69 = vector.broadcast %mul3A_4 : i32 to vector<16xi32>
      %sub3A_70 = arith.subi %get3A_68, %sub3A_69 : vector<16xi32>
      %ge3A_71 = arith.constant 0 : i32
      %ge3A_72 = vector.broadcast %ge3A_71 : i32 to vector<16xi32>
      %ge3A_73 = arith.cmpi sge, %sub3A_70, %ge3A_72 : vector<16xi32>
      %lt3A_74 = arith.constant 8192 : i32
      %lt3A_75 = vector.broadcast %lt3A_74 : i32 to vector<16xi32>
      %lt3A_76 = arith.cmpi slt, %sub3A_70, %lt3A_75 : vector<16xi32>
      %and3A_77 = arith.andi %ge3A_73, %lt3A_76 : vector<16xi1>
      %jit3A_78 = arith.constant 8192 : i32
      %broadcast_in_dim3A_79 = vector.broadcast %jit3A_78 : i32 to vector<16xi32>
      %select_n3A_80 = arith.select %and3A_77, %sub3A_70, %broadcast_in_dim3A_79 : vector<16xi1>, vector<16xi32>
      %swap3A_81 = arith.constant 32 : index
      %swap3A_82 = tpu.vector_load %arg7[%swap3A_81] {strides = array<i32>} : memref<128xi32, #tpu.memory_space<vmem>>, vector<16xi32>,
      %swap3A_83 = vector.shape_cast %swap3A_82 : vector<16xi32> to vector<16xi32>
      %swap3A_84 = vector.shape_cast %select_n3A_80 : vector<16xi32> to vector<16xi32>
      tpu.vector_store %arg7[%swap3A_81], %swap3A_84 {strides = array<i32>} : memref<128xi32, #tpu.memory_space<vmem>>, vector<16xi32>,
      %get3A_85 = arith.index_cast %scan3A_23 : i32 to index
      %get3A_86 = arith.constant 48 : index
      %get3A_87 = tpu.vector_load %arg6[%get3A_85, %get3A_86] {strides = array<i32>} : memref<128x128xi32, #tpu.memory_space<vmem>>, vector<1x16xi32>,
      %get3A_88 = vector.shape_cast %get3A_87 : vector<1x16xi32> to vector<16xi32>
      %sub3A_89 = vector.broadcast %mul3A_4 : i32 to vector<16xi32>
      %sub3A_90 = arith.subi %get3A_88, %sub3A_89 : vector<16xi32>
      %ge3A_91 = arith.constant 0 : i32
      %ge3A_92 = vector.broadcast %ge3A_91 : i32 to vector<16xi32>
      %ge3A_93 = arith.cmpi sge, %sub3A_90, %ge3A_92 : vector<16xi32>
      %lt3A_94 = arith.constant 8192 : i32
      %lt3A_95 = vector.broadcast %lt3A_94 : i32 to vector<16xi32>
      %lt3A_96 = arith.cmpi slt, %sub3A_90, %lt3A_95 : vector<16xi32>
      %and3A_97 = arith.andi %ge3A_93, %lt3A_96 : vector<16xi1>
      %jit3A_98 = arith.constant 8192 : i32
      %broadcast_in_dim3A_99 = vector.broadcast %jit3A_98 : i32 to vector<16xi32>
      %select_n3A_100 = arith.select %and3A_97, %sub3A_90, %broadcast_in_dim3A_99 : vector<16xi1>, vector<16xi32>
      %swap3A_101 = arith.constant 48 : index
      %swap3A_102 = tpu.vector_load %arg7[%swap3A_101] {strides = array<i32>} : memref<128xi32, #tpu.memory_space<vmem>>, vector<16xi32>,
      %swap3A_103 = vector.shape_cast %swap3A_102 : vector<16xi32> to vector<16xi32>
      %swap3A_104 = vector.shape_cast %select_n3A_100 : vector<16xi32> to vector<16xi32>
      tpu.vector_store %arg7[%swap3A_101], %swap3A_104 {strides = array<i32>} : memref<128xi32, #tpu.memory_space<vmem>>, vector<16xi32>,
      %get3A_105 = arith.index_cast %scan3A_23 : i32 to index
      %get3A_106 = arith.constant 64 : index
      %get3A_107 = tpu.vector_load %arg6[%get3A_105, %get3A_106] {strides = array<i32>} : memref<128x128xi32, #tpu.memory_space<vmem>>, vector<1x16xi32>,
      %get3A_108 = vector.shape_cast %get3A_107 : vector<1x16xi32> to vector<16xi32>
      %sub3A_109 = vector.broadcast %mul3A_4 : i32 to vector<16xi32>
      %sub3A_110 = arith.subi %get3A_108, %sub3A_109 : vector<16xi32>
      %ge3A_111 = arith.constant 0 : i32
      %ge3A_112 = vector.broadcast %ge3A_111 : i32 to vector<16xi32>
      %ge3A_113 = arith.cmpi sge, %sub3A_110, %ge3A_112 : vector<16xi32>
      %lt3A_114 = arith.constant 8192 : i32
      %lt3A_115 = vector.broadcast %lt3A_114 : i32 to vector<16xi32>
      %lt3A_116 = arith.cmpi slt, %sub3A_110, %lt3A_115 : vector<16xi32>
      %and3A_117 = arith.andi %ge3A_113, %lt3A_116 : vector<16xi1>
      %jit3A_118 = arith.constant 8192 : i32
      %broadcast_in_dim3A_119 = vector.broadcast %jit3A_118 : i32 to vector<16xi32>
      %select_n3A_120 = arith.select %and3A_117, %sub3A_110, %broadcast_in_dim3A_119 : vector<16xi1>, vector<16xi32>
      %swap3A_121 = arith.constant 64 : index
      %swap3A_122 = tpu.vector_load %arg7[%swap3A_121] {strides = array<i32>} : memref<128xi32, #tpu.memory_space<vmem>>, vector<16xi32>,
      %swap3A_123 = vector.shape_cast %swap3A_122 : vector<16xi32> to vector<16xi32>
      %swap3A_124 = vector.shape_cast %select_n3A_120 : vector<16xi32> to vector<16xi32>
      tpu.vector_store %arg7[%swap3A_121], %swap3A_124 {strides = array<i32>} : memref<128xi32, #tpu.memory_space<vmem>>, vector<16xi32>,
      %get3A_125 = arith.index_cast %scan3A_23 : i32 to index
      %get3A_126 = arith.constant 80 : index
      %get3A_127 = tpu.vector_load %arg6[%get3A_125, %get3A_126] {strides = array<i32>} : memref<128x128xi32, #tpu.memory_space<vmem>>, vector<1x16xi32>,
      %get3A_128 = vector.shape_cast %get3A_127 : vector<1x16xi32> to vector<16xi32>
      %sub3A_129 = vector.broadcast %mul3A_4 : i32 to vector<16xi32>
      %sub3A_130 = arith.subi %get3A_128, %sub3A_129 : vector<16xi32>
      %ge3A_131 = arith.constant 0 : i32
      %ge3A_132 = vector.broadcast %ge3A_131 : i32 to vector<16xi32>
      %ge3A_133 = arith.cmpi sge, %sub3A_130, %ge3A_132 : vector<16xi32>
      %lt3A_134 = arith.constant 8192 : i32
      %lt3A_135 = vector.broadcast %lt3A_134 : i32 to vector<16xi32>
      %lt3A_136 = arith.cmpi slt, %sub3A_130, %lt3A_135 : vector<16xi32>
      %and3A_137 = arith.andi %ge3A_133, %lt3A_136 : vector<16xi1>
      %jit3A_138 = arith.constant 8192 : i32
      %broadcast_in_dim3A_139 = vector.broadcast %jit3A_138 : i32 to vector<16xi32>
      %select_n3A_140 = arith.select %and3A_137, %sub3A_130, %broadcast_in_dim3A_139 : vector<16xi1>, vector<16xi32>
      %swap3A_141 = arith.constant 80 : index
      %swap3A_142 = tpu.vector_load %arg7[%swap3A_141] {strides = array<i32>} : memref<128xi32, #tpu.memory_space<vmem>>, vector<16xi32>,
      %swap3A_143 = vector.shape_cast %swap3A_142 : vector<16xi32> to vector<16xi32>
      %swap3A_144 = vector.shape_cast %select_n3A_140 : vector<16xi32> to vector<16xi32>
      tpu.vector_store %arg7[%swap3A_141], %swap3A_144 {strides = array<i32>} : memref<128xi32, #tpu.memory_space<vmem>>, vector<16xi32>,
      %get3A_145 = arith.index_cast %scan3A_23 : i32 to index
      %get3A_146 = arith.constant 96 : index
      %get3A_147 = tpu.vector_load %arg6[%get3A_145, %get3A_146] {strides = array<i32>} : memref<128x128xi32, #tpu.memory_space<vmem>>, vector<1x16xi32>,
      %get3A_148 = vector.shape_cast %get3A_147 : vector<1x16xi32> to vector<16xi32>
      %sub3A_149 = vector.broadcast %mul3A_4 : i32 to vector<16xi32>
      %sub3A_150 = arith.subi %get3A_148, %sub3A_149 : vector<16xi32>
      %ge3A_151 = arith.constant 0 : i32
      %ge3A_152 = vector.broadcast %ge3A_151 : i32 to vector<16xi32>
      %ge3A_153 = arith.cmpi sge, %sub3A_150, %ge3A_152 : vector<16xi32>
      %lt3A_154 = arith.constant 8192 : i32
      %lt3A_155 = vector.broadcast %lt3A_154 : i32 to vector<16xi32>
      %lt3A_156 = arith.cmpi slt, %sub3A_150, %lt3A_155 : vector<16xi32>
      %and3A_157 = arith.andi %ge3A_153, %lt3A_156 : vector<16xi1>
      %jit3A_158 = arith.constant 8192 : i32
      %broadcast_in_dim3A_159 = vector.broadcast %jit3A_158 : i32 to vector<16xi32>
      %select_n3A_160 = arith.select %and3A_157, %sub3A_150, %broadcast_in_dim3A_159 : vector<16xi1>, vector<16xi32>
      %swap3A_161 = arith.constant 96 : index
      %swap3A_162 = tpu.vector_load %arg7[%swap3A_161] {strides = array<i32>} : memref<128xi32, #tpu.memory_space<vmem>>, vector<16xi32>,
      %swap3A_163 = vector.shape_cast %swap3A_162 : vector<16xi32> to vector<16xi32>
      %swap3A_164 = vector.shape_cast %select_n3A_160 : vector<16xi32> to vector<16xi32>
      tpu.vector_store %arg7[%swap3A_161], %swap3A_164 {strides = array<i32>} : memref<128xi32, #tpu.memory_space<vmem>>, vector<16xi32>,
      %get3A_165 = arith.index_cast %scan3A_23 : i32 to index
      %get3A_166 = arith.constant 112 : index
      %get3A_167 = tpu.vector_load %arg6[%get3A_165, %get3A_166] {strides = array<i32>} : memref<128x128xi32, #tpu.memory_space<vmem>>, vector<1x16xi32>,
      %get3A_168 = vector.shape_cast %get3A_167 : vector<1x16xi32> to vector<16xi32>
      %sub3A_169 = vector.broadcast %mul3A_4 : i32 to vector<16xi32>
      %sub3A_170 = arith.subi %get3A_168, %sub3A_169 : vector<16xi32>
      %ge3A_171 = arith.constant 0 : i32
      %ge3A_172 = vector.broadcast %ge3A_171 : i32 to vector<16xi32>
      %ge3A_173 = arith.cmpi sge, %sub3A_170, %ge3A_172 : vector<16xi32>
      %lt3A_174 = arith.constant 8192 : i32
      %lt3A_175 = vector.broadcast %lt3A_174 : i32 to vector<16xi32>
      %lt3A_176 = arith.cmpi slt, %sub3A_170, %lt3A_175 : vector<16xi32>
      %and3A_177 = arith.andi %ge3A_173, %lt3A_176 : vector<16xi1>
      %jit3A_178 = arith.constant 8192 : i32
      %broadcast_in_dim3A_179 = vector.broadcast %jit3A_178 : i32 to vector<16xi32>
      %select_n3A_180 = arith.select %and3A_177, %sub3A_170, %broadcast_in_dim3A_179 : vector<16xi1>, vector<16xi32>
      %swap3A_181 = arith.constant 112 : index
      %swap3A_182 = tpu.vector_load %arg7[%swap3A_181] {strides = array<i32>} : memref<128xi32, #tpu.memory_space<vmem>>, vector<16xi32>,
      %swap3A_183 = vector.shape_cast %swap3A_182 : vector<16xi32> to vector<16xi32>
      %swap3A_184 = vector.shape_cast %select_n3A_180 : vector<16xi32> to vector<16xi32>
      tpu.vector_store %arg7[%swap3A_181], %swap3A_184 {strides = array<i32>} : memref<128xi32, #tpu.memory_space<vmem>>, vector<16xi32>,
      %mul3A_185 = arith.constant 128 : i32
      %mul3A_186 = arith.muli %scan3A_23, %mul3A_185 : i32
      %add3A_187 = arith.addi %mul3A_0, %mul3A_186 : i32
      %dma_wait3A = arith.constant 0 : i32
      %dma_wait3A_188 = arith.constant 0 : i32
      %dma_wait3A_189 = tpu.memref_slice %arg8[%rem3A_24, %dma_wait3A, %dma_wait3A_188] : memref<2x128x128xf32, #tpu.memory_space<vmem>> -> memref<1x128x128xf32, #tpu.memory_space<vmem>>
      %dma_wait3A_190 = tpu.memref_squeeze %dma_wait3A_189 : memref<1x128x128xf32, #tpu.memory_space<vmem>> -> memref<128x128xf32, #tpu.memory_space<vmem>>
      %dma_wait3A_191 = arith.constant 0 : i32
      %dma_wait3A_192 = tpu.memref_slice %arg2[%add3A_187, %dma_wait3A_191] : memref<262144x128xf32, #tpu.memory_space<hbm>> -> memref<128x128xf32, #tpu.memory_space<hbm>>
      %dma_wait3A_193 = arith.constant 0 : i32
      %dma_wait3A_194 = arith.constant 0 : i32
      %dma_wait3A_195 = tpu.memref_slice %arg8[%rem3A_24, %dma_wait3A_193, %dma_wait3A_194] : memref<2x128x128xf32, #tpu.memory_space<vmem>> -> memref<1x128x128xf32, #tpu.memory_space<vmem>>
      %dma_wait3A_196 = tpu.memref_squeeze %dma_wait3A_195 : memref<1x128x128xf32, #tpu.memory_space<vmem>> -> memref<128x128xf32, #tpu.memory_space<vmem>>
      %dma_wait3A_197 = arith.constant 0 : i32
      %dma_wait3A_198 = tpu.memref_slice %arg2[%add3A_187, %dma_wait3A_197] : memref<262144x128xf32, #tpu.memory_space<hbm>> -> memref<128x128xf32, #tpu.memory_space<hbm>>
      tpu.wait_dma2 semaphore(%arg10 : memref<!tpu.dma_semaphore, #tpu.memory_space<semaphore_mem>>) src(%dma_wait3A_198 : memref<128x128xf32, #tpu.memory_space<hbm>>) dst(%dma_wait3A_196 : memref<128x128xf32, #tpu.memory_space<vmem>>)
      "tpu.region"() ({
        %run_scoped3A = tpu.sem_alloc : memref<!tpu.dma_semaphore, #tpu.memory_space<semaphore_mem>>
        %dma_start3A_199 = arith.constant 0 : i32
        %dma_start3A_200 = arith.constant 0 : i32
        %dma_start3A_201 = tpu.memref_slice %arg8[%rem3A_24, %dma_start3A_199, %dma_start3A_200] : memref<2x128x128xf32, #tpu.memory_space<vmem>> -> memref<1x128x128xf32, #tpu.memory_space<vmem>>
        %dma_start3A_202 = tpu.memref_squeeze %dma_start3A_201 : memref<1x128x128xf32, #tpu.memory_space<vmem>> -> memref<128x128xf32, #tpu.memory_space<vmem>>
        %dma_start3A_203 = arith.constant 0 : i32
        %dma_start3A_204 = arith.constant 0 : i32
        %dma_start3A_205 = tpu.memref_slice %arg9[%dma_start3A_203, %dma_start3A_204] : memref<8200x128xf32, #tpu.memory_space<vmem_shared>> -> memref<8200x128xf32, #tpu.memory_space<vmem_shared>>
        tpu.enqueue_indirect_dma source(%dma_start3A_202 : memref<128x128xf32, #tpu.memory_space<vmem>>) target(%dma_start3A_205 : memref<8200x128xf32, #tpu.memory_space<vmem_shared>>) offsets(%arg7 : memref<128xi32, #tpu.memory_space<vmem>>) semaphore(%run_scoped3A : memref<!tpu.dma_semaphore, #tpu.memory_space<semaphore_mem>>) {add = true}
        %dma_wait3A_206 = arith.constant 0 : i32
        %dma_wait3A_207 = arith.constant 0 : i32
        %dma_wait3A_208 = tpu.memref_slice %arg8[%rem3A_24, %dma_wait3A_206, %dma_wait3A_207] : memref<2x128x128xf32, #tpu.memory_space<vmem>> -> memref<1x128x128xf32, #tpu.memory_space<vmem>>
        %dma_wait3A_209 = tpu.memref_squeeze %dma_wait3A_208 : memref<1x128x128xf32, #tpu.memory_space<vmem>> -> memref<128x128xf32, #tpu.memory_space<vmem>>
        %dma_wait3A_210 = arith.constant 0 : i32
        %dma_wait3A_211 = arith.constant 0 : i32
        %dma_wait3A_212 = tpu.memref_slice %arg9[%dma_wait3A_210, %dma_wait3A_211] : memref<8200x128xf32, #tpu.memory_space<vmem_shared>> -> memref<8200x128xf32, #tpu.memory_space<vmem_shared>>
        tpu.wait_indirect_dma semaphore(%run_scoped3A : memref<!tpu.dma_semaphore, #tpu.memory_space<semaphore_mem>>) src(%dma_wait3A_209 : memref<128x128xf32, #tpu.memory_space<vmem>>) dst(%dma_wait3A_212 : memref<8200x128xf32, #tpu.memory_space<vmem_shared>>)
        tpu.yield
      }) : () -> ()
    }
    %scan3A_21 = arith.constant 128 : i32
    %barrier3A_22 = arith.constant 0 : index
    tpu.barrier barrier_id(%barrier3A_22)
    %add3A = arith.addi %mul3A_4, %mul3A_2 : i32
    "tpu.region"() ({
      %run_scoped3A = tpu.sem_alloc : memref<!tpu.dma_semaphore, #tpu.memory_space<semaphore_mem>>
      %dma_start3A_23 = arith.constant 0 : i32
      %dma_start3A_24 = tpu.memref_slice %arg5[%add3A, %dma_start3A_23] : memref<16384x128xf32, #tpu.memory_space<hbm>> -> memref<512x128xf32, #tpu.memory_space<hbm>>
      %dma_start3A_25 = arith.constant 0 : i32
      %dma_start3A_26 = tpu.memref_slice %arg9[%mul3A_2, %dma_start3A_25] : memref<8200x128xf32, #tpu.memory_space<vmem_shared>> -> memref<512x128xf32, #tpu.memory_space<vmem_shared>>
      tpu.enqueue_dma source(%dma_start3A_26 : memref<512x128xf32, #tpu.memory_space<vmem_shared>>) target(%dma_start3A_24 : memref<512x128xf32, #tpu.memory_space<hbm>>) target_semaphore(%run_scoped3A : memref<!tpu.dma_semaphore, #tpu.memory_space<semaphore_mem>>)
      %dma_wait3A = arith.constant 0 : i32
      %dma_wait3A_27 = tpu.memref_slice %arg5[%add3A, %dma_wait3A] : memref<16384x128xf32, #tpu.memory_space<hbm>> -> memref<512x128xf32, #tpu.memory_space<hbm>>
      %dma_wait3A_28 = arith.constant 0 : i32
      %dma_wait3A_29 = tpu.memref_slice %arg9[%mul3A_2, %dma_wait3A_28] : memref<8200x128xf32, #tpu.memory_space<vmem_shared>> -> memref<512x128xf32, #tpu.memory_space<vmem_shared>>
      tpu.wait_dma2 semaphore(%run_scoped3A : memref<!tpu.dma_semaphore, #tpu.memory_space<semaphore_mem>>) src(%dma_wait3A_29 : memref<512x128xf32, #tpu.memory_space<vmem_shared>>) dst(%dma_wait3A_27 : memref<512x128xf32, #tpu.memory_space<hbm>>)
      tpu.yield
    }) : () -> ()
    return
  }
}

#map = affine_map<(d0, d1) -> (0, 0)>
#map1 = affine_map<(d0, d1) -> (0, 0, 0)>
module attributes {stable_mosaic.version = 14 : i64} {
  func.func @k(%arg0: i32, %arg1: i32, %arg2: memref<16384x128xf32, #tpu.memory_space<hbm>>, %arg3: memref<16384x128xf32, #tpu.memory_space<hbm>>, %arg4: memref<32x64x128xi32, #tpu.memory_space<hbm>>, %arg5: memref<32x64x128xi32, #tpu.memory_space<hbm>>, %arg6: memref<262144x128xf32, #tpu.memory_space<hbm>>, %arg7: memref<64x128xi32, #tpu.memory_space<vmem>>, %arg8: memref<64x128xi32, #tpu.memory_space<vmem>>, %arg9: memref<128xi32, #tpu.memory_space<vmem>>, %arg10: memref<2x128x128xf32, #tpu.memory_space<vmem>>, %arg11: memref<2x128x128xf32, #tpu.memory_space<vmem>>, %arg12: memref<2048x128xf32, #tpu.memory_space<vmem_shared>>, %arg13: memref<!tpu.dma_semaphore, #tpu.memory_space<semaphore_mem>>, %arg14: memref<!tpu.dma_semaphore, #tpu.memory_space<semaphore_mem>>) attributes {dimension_semantics = [#tpu.dimension_semantics<core_parallel>, #tpu.dimension_semantics<subcore_parallel>], iteration_bounds = array<i64: 2, 16>, scalar_prefetch = 0 : i64, scratch_operands = 8 : i64, tpu.core_type = #tpu.core_type<sc_vector_subcore>, window_params = [{transform_indices = #map}, {transform_indices = #map}, {transform_indices = #map1}, {transform_indices = #map1}, {transform_indices = #map}]} {
    %mul3A = arith.constant 2 : i32
    %mul3A_0 = arith.muli %arg1, %mul3A : i32
    %add3A = arith.addi %mul3A_0, %arg0 : i32
    %mul3A_1 = arith.constant 8192 : i32
    %mul3A_2 = arith.muli %add3A, %mul3A_1 : i32
    "tpu.region"() ({
      %run_scoped3A = tpu.sem_alloc : memref<!tpu.dma_semaphore, #tpu.memory_space<semaphore_mem>>
      %dma_start3A_117 = arith.constant 0 : i32
      %dma_start3A_118 = arith.constant 0 : i32
      %dma_start3A_119 = tpu.memref_slice %arg4[%add3A, %dma_start3A_117, %dma_start3A_118] : memref<32x64x128xi32, #tpu.memory_space<hbm>> -> memref<1x64x128xi32, #tpu.memory_space<hbm>>
      %dma_start3A_120 = tpu.memref_squeeze %dma_start3A_119 : memref<1x64x128xi32, #tpu.memory_space<hbm>> -> memref<64x128xi32, #tpu.memory_space<hbm>>
      %dma_start3A_121 = arith.constant 0 : i32
      %dma_start3A_122 = arith.constant 0 : i32
      %dma_start3A_123 = tpu.memref_slice %arg4[%add3A, %dma_start3A_121, %dma_start3A_122] : memref<32x64x128xi32, #tpu.memory_space<hbm>> -> memref<1x64x128xi32, #tpu.memory_space<hbm>>
      %dma_start3A_124 = tpu.memref_squeeze %dma_start3A_123 : memref<1x64x128xi32, #tpu.memory_space<hbm>> -> memref<64x128xi32, #tpu.memory_space<hbm>>
      tpu.enqueue_dma source(%dma_start3A_124 : memref<64x128xi32, #tpu.memory_space<hbm>>) target(%arg7 : memref<64x128xi32, #tpu.memory_space<vmem>>) target_semaphore(%run_scoped3A : memref<!tpu.dma_semaphore, #tpu.memory_space<semaphore_mem>>)
      %dma_wait3A = arith.constant 0 : i32
      %dma_wait3A_125 = arith.constant 0 : i32
      %dma_wait3A_126 = tpu.memref_slice %arg4[%add3A, %dma_wait3A, %dma_wait3A_125] : memref<32x64x128xi32, #tpu.memory_space<hbm>> -> memref<1x64x128xi32, #tpu.memory_space<hbm>>
      %dma_wait3A_127 = tpu.memref_squeeze %dma_wait3A_126 : memref<1x64x128xi32, #tpu.memory_space<hbm>> -> memref<64x128xi32, #tpu.memory_space<hbm>>
      %dma_wait3A_128 = arith.constant 0 : i32
      %dma_wait3A_129 = arith.constant 0 : i32
      %dma_wait3A_130 = tpu.memref_slice %arg4[%add3A, %dma_wait3A_128, %dma_wait3A_129] : memref<32x64x128xi32, #tpu.memory_space<hbm>> -> memref<1x64x128xi32, #tpu.memory_space<hbm>>
      %dma_wait3A_131 = tpu.memref_squeeze %dma_wait3A_130 : memref<1x64x128xi32, #tpu.memory_space<hbm>> -> memref<64x128xi32, #tpu.memory_space<hbm>>
      tpu.wait_dma2 semaphore(%run_scoped3A : memref<!tpu.dma_semaphore, #tpu.memory_space<semaphore_mem>>) src(%dma_wait3A_131 : memref<64x128xi32, #tpu.memory_space<hbm>>) dst(%arg7 : memref<64x128xi32, #tpu.memory_space<vmem>>)
      tpu.yield
    }) : () -> ()
    "tpu.region"() ({
      %run_scoped3A = tpu.sem_alloc : memref<!tpu.dma_semaphore, #tpu.memory_space<semaphore_mem>>
      %dma_start3A_117 = arith.constant 0 : i32
      %dma_start3A_118 = arith.constant 0 : i32
      %dma_start3A_119 = tpu.memref_slice %arg5[%add3A, %dma_start3A_117, %dma_start3A_118] : memref<32x64x128xi32, #tpu.memory_space<hbm>> -> memref<1x64x128xi32, #tpu.memory_space<hbm>>
      %dma_start3A_120 = tpu.memref_squeeze %dma_start3A_119 : memref<1x64x128xi32, #tpu.memory_space<hbm>> -> memref<64x128xi32, #tpu.memory_space<hbm>>
      %dma_start3A_121 = arith.constant 0 : i32
      %dma_start3A_122 = arith.constant 0 : i32
      %dma_start3A_123 = tpu.memref_slice %arg5[%add3A, %dma_start3A_121, %dma_start3A_122] : memref<32x64x128xi32, #tpu.memory_space<hbm>> -> memref<1x64x128xi32, #tpu.memory_space<hbm>>
      %dma_start3A_124 = tpu.memref_squeeze %dma_start3A_123 : memref<1x64x128xi32, #tpu.memory_space<hbm>> -> memref<64x128xi32, #tpu.memory_space<hbm>>
      tpu.enqueue_dma source(%dma_start3A_124 : memref<64x128xi32, #tpu.memory_space<hbm>>) target(%arg8 : memref<64x128xi32, #tpu.memory_space<vmem>>) target_semaphore(%run_scoped3A : memref<!tpu.dma_semaphore, #tpu.memory_space<semaphore_mem>>)
      %dma_wait3A = arith.constant 0 : i32
      %dma_wait3A_125 = arith.constant 0 : i32
      %dma_wait3A_126 = tpu.memref_slice %arg5[%add3A, %dma_wait3A, %dma_wait3A_125] : memref<32x64x128xi32, #tpu.memory_space<hbm>> -> memref<1x64x128xi32, #tpu.memory_space<hbm>>
      %dma_wait3A_127 = tpu.memref_squeeze %dma_wait3A_126 : memref<1x64x128xi32, #tpu.memory_space<hbm>> -> memref<64x128xi32, #tpu.memory_space<hbm>>
      %dma_wait3A_128 = arith.constant 0 : i32
      %dma_wait3A_129 = arith.constant 0 : i32
      %dma_wait3A_130 = tpu.memref_slice %arg5[%add3A, %dma_wait3A_128, %dma_wait3A_129] : memref<32x64x128xi32, #tpu.memory_space<hbm>> -> memref<1x64x128xi32, #tpu.memory_space<hbm>>
      %dma_wait3A_131 = tpu.memref_squeeze %dma_wait3A_130 : memref<1x64x128xi32, #tpu.memory_space<hbm>> -> memref<64x128xi32, #tpu.memory_space<hbm>>
      tpu.wait_dma2 semaphore(%run_scoped3A : memref<!tpu.dma_semaphore, #tpu.memory_space<semaphore_mem>>) src(%dma_wait3A_131 : memref<64x128xi32, #tpu.memory_space<hbm>>) dst(%arg8 : memref<64x128xi32, #tpu.memory_space<vmem>>)
      tpu.yield
    }) : () -> ()
    %iota3A = tpu.iota {dimensions = array<i32: 0>} : vector<16xi32>
    %mul3A_3 = arith.constant 128 : i32
    %mul3A_4 = arith.muli %arg1, %mul3A_3 : i32
    %add3A_5 = arith.constant 0 : i32
    %add3A_6 = arith.addi %mul3A_4, %add3A_5 : i32
    %add3A_7 = vector.broadcast %add3A_6 : i32 to vector<16xi32>
    %add3A_8 = arith.addi %iota3A, %add3A_7 : vector<16xi32>
    %swap3A = arith.constant 0 : index
    %swap3A_9 = tpu.vector_load %arg9[%swap3A] {strides = array<i32>} : memref<128xi32, #tpu.memory_space<vmem>>, vector<16xi32>,
    %swap3A_10 = vector.shape_cast %swap3A_9 : vector<16xi32> to vector<16xi32>
    %swap3A_11 = vector.shape_cast %add3A_8 : vector<16xi32> to vector<16xi32>
    tpu.vector_store %arg9[%swap3A], %swap3A_11 {strides = array<i32>} : memref<128xi32, #tpu.memory_space<vmem>>, vector<16xi32>,
    %iota3A_12 = tpu.iota {dimensions = array<i32: 0>} : vector<16xi32>
    %mul3A_13 = arith.constant 128 : i32
    %mul3A_14 = arith.muli %arg1, %mul3A_13 : i32
    %add3A_15 = arith.constant 16 : i32
    %add3A_16 = arith.addi %mul3A_14, %add3A_15 : i32
    %add3A_17 = vector.broadcast %add3A_16 : i32 to vector<16xi32>
    %add3A_18 = arith.addi %iota3A_12, %add3A_17 : vector<16xi32>
    %swap3A_19 = arith.constant 16 : index
    %swap3A_20 = tpu.vector_load %arg9[%swap3A_19] {strides = array<i32>} : memref<128xi32, #tpu.memory_space<vmem>>, vector<16xi32>,
    %swap3A_21 = vector.shape_cast %swap3A_20 : vector<16xi32> to vector<16xi32>
    %swap3A_22 = vector.shape_cast %add3A_18 : vector<16xi32> to vector<16xi32>
    tpu.vector_store %arg9[%swap3A_19], %swap3A_22 {strides = array<i32>} : memref<128xi32, #tpu.memory_space<vmem>>, vector<16xi32>,
    %iota3A_23 = tpu.iota {dimensions = array<i32: 0>} : vector<16xi32>
    %mul3A_24 = arith.constant 128 : i32
    %mul3A_25 = arith.muli %arg1, %mul3A_24 : i32
    %add3A_26 = arith.constant 32 : i32
    %add3A_27 = arith.addi %mul3A_25, %add3A_26 : i32
    %add3A_28 = vector.broadcast %add3A_27 : i32 to vector<16xi32>
    %add3A_29 = arith.addi %iota3A_23, %add3A_28 : vector<16xi32>
    %swap3A_30 = arith.constant 32 : index
    %swap3A_31 = tpu.vector_load %arg9[%swap3A_30] {strides = array<i32>} : memref<128xi32, #tpu.memory_space<vmem>>, vector<16xi32>,
    %swap3A_32 = vector.shape_cast %swap3A_31 : vector<16xi32> to vector<16xi32>
    %swap3A_33 = vector.shape_cast %add3A_29 : vector<16xi32> to vector<16xi32>
    tpu.vector_store %arg9[%swap3A_30], %swap3A_33 {strides = array<i32>} : memref<128xi32, #tpu.memory_space<vmem>>, vector<16xi32>,
    %iota3A_34 = tpu.iota {dimensions = array<i32: 0>} : vector<16xi32>
    %mul3A_35 = arith.constant 128 : i32
    %mul3A_36 = arith.muli %arg1, %mul3A_35 : i32
    %add3A_37 = arith.constant 48 : i32
    %add3A_38 = arith.addi %mul3A_36, %add3A_37 : i32
    %add3A_39 = vector.broadcast %add3A_38 : i32 to vector<16xi32>
    %add3A_40 = arith.addi %iota3A_34, %add3A_39 : vector<16xi32>
    %swap3A_41 = arith.constant 48 : index
    %swap3A_42 = tpu.vector_load %arg9[%swap3A_41] {strides = array<i32>} : memref<128xi32, #tpu.memory_space<vmem>>, vector<16xi32>,
    %swap3A_43 = vector.shape_cast %swap3A_42 : vector<16xi32> to vector<16xi32>
    %swap3A_44 = vector.shape_cast %add3A_40 : vector<16xi32> to vector<16xi32>
    tpu.vector_store %arg9[%swap3A_41], %swap3A_44 {strides = array<i32>} : memref<128xi32, #tpu.memory_space<vmem>>, vector<16xi32>,
    %iota3A_45 = tpu.iota {dimensions = array<i32: 0>} : vector<16xi32>
    %mul3A_46 = arith.constant 128 : i32
    %mul3A_47 = arith.muli %arg1, %mul3A_46 : i32
    %add3A_48 = arith.constant 64 : i32
    %add3A_49 = arith.addi %mul3A_47, %add3A_48 : i32
    %add3A_50 = vector.broadcast %add3A_49 : i32 to vector<16xi32>
    %add3A_51 = arith.addi %iota3A_45, %add3A_50 : vector<16xi32>
    %swap3A_52 = arith.constant 64 : index
    %swap3A_53 = tpu.vector_load %arg9[%swap3A_52] {strides = array<i32>} : memref<128xi32, #tpu.memory_space<vmem>>, vector<16xi32>,
    %swap3A_54 = vector.shape_cast %swap3A_53 : vector<16xi32> to vector<16xi32>
    %swap3A_55 = vector.shape_cast %add3A_51 : vector<16xi32> to vector<16xi32>
    tpu.vector_store %arg9[%swap3A_52], %swap3A_55 {strides = array<i32>} : memref<128xi32, #tpu.memory_space<vmem>>, vector<16xi32>,
    %iota3A_56 = tpu.iota {dimensions = array<i32: 0>} : vector<16xi32>
    %mul3A_57 = arith.constant 128 : i32
    %mul3A_58 = arith.muli %arg1, %mul3A_57 : i32
    %add3A_59 = arith.constant 80 : i32
    %add3A_60 = arith.addi %mul3A_58, %add3A_59 : i32
    %add3A_61 = vector.broadcast %add3A_60 : i32 to vector<16xi32>
    %add3A_62 = arith.addi %iota3A_56, %add3A_61 : vector<16xi32>
    %swap3A_63 = arith.constant 80 : index
    %swap3A_64 = tpu.vector_load %arg9[%swap3A_63] {strides = array<i32>} : memref<128xi32, #tpu.memory_space<vmem>>, vector<16xi32>,
    %swap3A_65 = vector.shape_cast %swap3A_64 : vector<16xi32> to vector<16xi32>
    %swap3A_66 = vector.shape_cast %add3A_62 : vector<16xi32> to vector<16xi32>
    tpu.vector_store %arg9[%swap3A_63], %swap3A_66 {strides = array<i32>} : memref<128xi32, #tpu.memory_space<vmem>>, vector<16xi32>,
    %iota3A_67 = tpu.iota {dimensions = array<i32: 0>} : vector<16xi32>
    %mul3A_68 = arith.constant 128 : i32
    %mul3A_69 = arith.muli %arg1, %mul3A_68 : i32
    %add3A_70 = arith.constant 96 : i32
    %add3A_71 = arith.addi %mul3A_69, %add3A_70 : i32
    %add3A_72 = vector.broadcast %add3A_71 : i32 to vector<16xi32>
    %add3A_73 = arith.addi %iota3A_67, %add3A_72 : vector<16xi32>
    %swap3A_74 = arith.constant 96 : index
    %swap3A_75 = tpu.vector_load %arg9[%swap3A_74] {strides = array<i32>} : memref<128xi32, #tpu.memory_space<vmem>>, vector<16xi32>,
    %swap3A_76 = vector.shape_cast %swap3A_75 : vector<16xi32> to vector<16xi32>
    %swap3A_77 = vector.shape_cast %add3A_73 : vector<16xi32> to vector<16xi32>
    tpu.vector_store %arg9[%swap3A_74], %swap3A_77 {strides = array<i32>} : memref<128xi32, #tpu.memory_space<vmem>>, vector<16xi32>,
    %iota3A_78 = tpu.iota {dimensions = array<i32: 0>} : vector<16xi32>
    %mul3A_79 = arith.constant 128 : i32
    %mul3A_80 = arith.muli %arg1, %mul3A_79 : i32
    %add3A_81 = arith.constant 112 : i32
    %add3A_82 = arith.addi %mul3A_80, %add3A_81 : i32
    %add3A_83 = vector.broadcast %add3A_82 : i32 to vector<16xi32>
    %add3A_84 = arith.addi %iota3A_78, %add3A_83 : vector<16xi32>
    %swap3A_85 = arith.constant 112 : index
    %swap3A_86 = tpu.vector_load %arg9[%swap3A_85] {strides = array<i32>} : memref<128xi32, #tpu.memory_space<vmem>>, vector<16xi32>,
    %swap3A_87 = vector.shape_cast %swap3A_86 : vector<16xi32> to vector<16xi32>
    %swap3A_88 = vector.shape_cast %add3A_84 : vector<16xi32> to vector<16xi32>
    tpu.vector_store %arg9[%swap3A_85], %swap3A_88 {strides = array<i32>} : memref<128xi32, #tpu.memory_space<vmem>>, vector<16xi32>,
    %dma_start3A = arith.constant 0 : i32
    %dma_start3A_89 = arith.constant 0 : i32
    %dma_start3A_90 = arith.constant 0 : i32
    %dma_start3A_91 = arith.constant 0 : i32
    %dma_start3A_92 = tpu.memref_slice %arg10[%dma_start3A_89, %dma_start3A_90, %dma_start3A_91] : memref<2x128x128xf32, #tpu.memory_space<vmem>> -> memref<1x128x128xf32, #tpu.memory_space<vmem>>
    %dma_start3A_93 = tpu.memref_squeeze %dma_start3A_92 : memref<1x128x128xf32, #tpu.memory_space<vmem>> -> memref<128x128xf32, #tpu.memory_space<vmem>>
    %dma_start3A_94 = arith.constant 0 : i32
    %dma_start3A_95 = tpu.memref_slice %arg7[%dma_start3A, %dma_start3A_94] : memref<64x128xi32, #tpu.memory_space<vmem>> -> memref<1x128xi32, #tpu.memory_space<vmem>>
    %dma_start3A_96 = tpu.memref_squeeze %dma_start3A_95 : memref<1x128xi32, #tpu.memory_space<vmem>> -> memref<128xi32, #tpu.memory_space<vmem>>
    %dma_start3A_97 = arith.constant 0 : i32
    %dma_start3A_98 = arith.constant 0 : i32
    %dma_start3A_99 = tpu.memref_slice %arg2[%dma_start3A_97, %dma_start3A_98] : memref<16384x128xf32, #tpu.memory_space<hbm>> -> memref<16384x128xf32, #tpu.memory_space<hbm>>
    tpu.enqueue_indirect_dma source(%dma_start3A_99 : memref<16384x128xf32, #tpu.memory_space<hbm>>) target(%dma_start3A_93 : memref<128x128xf32, #tpu.memory_space<vmem>>) offsets(%dma_start3A_96 : memref<128xi32, #tpu.memory_space<vmem>>) semaphore(%arg13 : memref<!tpu.dma_semaphore, #tpu.memory_space<semaphore_mem>>)
    %dma_start3A_100 = arith.constant 0 : i32
    %dma_start3A_101 = arith.constant 0 : i32
    %dma_start3A_102 = arith.constant 0 : i32
    %dma_start3A_103 = arith.constant 0 : i32
    %dma_start3A_104 = tpu.memref_slice %arg11[%dma_start3A_101, %dma_start3A_102, %dma_start3A_103] : memref<2x128x128xf32, #tpu.memory_space<vmem>> -> memref<1x128x128xf32, #tpu.memory_space<vmem>>
    %dma_start3A_105 = tpu.memref_squeeze %dma_start3A_104 : memref<1x128x128xf32, #tpu.memory_space<vmem>> -> memref<128x128xf32, #tpu.memory_space<vmem>>
    %dma_start3A_106 = arith.constant 0 : i32
    %dma_start3A_107 = tpu.memref_slice %arg8[%dma_start3A_100, %dma_start3A_106] : memref<64x128xi32, #tpu.memory_space<vmem>> -> memref<1x128xi32, #tpu.memory_space<vmem>>
    %dma_start3A_108 = tpu.memref_squeeze %dma_start3A_107 : memref<1x128xi32, #tpu.memory_space<vmem>> -> memref<128xi32, #tpu.memory_space<vmem>>
    %dma_start3A_109 = arith.constant 0 : i32
    %dma_start3A_110 = arith.constant 0 : i32
    %dma_start3A_111 = tpu.memref_slice %arg3[%dma_start3A_109, %dma_start3A_110] : memref<16384x128xf32, #tpu.memory_space<hbm>> -> memref<16384x128xf32, #tpu.memory_space<hbm>>
    tpu.enqueue_indirect_dma source(%dma_start3A_111 : memref<16384x128xf32, #tpu.memory_space<hbm>>) target(%dma_start3A_105 : memref<128x128xf32, #tpu.memory_space<vmem>>) offsets(%dma_start3A_108 : memref<128xi32, #tpu.memory_space<vmem>>) semaphore(%arg14 : memref<!tpu.dma_semaphore, #tpu.memory_space<semaphore_mem>>)
    %scan3A = arith.constant 0 : i32
    %scan3A_112 = arith.constant 0 : i32
    %scan3A_113 = arith.constant 64 : i32
    %scan3A_114 = arith.addi %scan3A_112, %scan3A_113 : i32
    %scan3A_115 = arith.constant 1 : i32
    scf.for %scan3A_117 = %scan3A_112 to %scan3A_114 step %scan3A_115  : i32 {
      %rem3A = arith.constant 2 : i32
      %rem3A_118 = arith.remsi %scan3A_117, %rem3A : i32
      %add3A_119 = arith.constant 1 : i32
      %add3A_120 = arith.addi %scan3A_117, %add3A_119 : i32
      %rem3A_121 = arith.constant 2 : i32
      %rem3A_122 = arith.remsi %add3A_120, %rem3A_121 : i32
      %add3A_123 = arith.constant 1 : i32
      %add3A_124 = arith.addi %scan3A_117, %add3A_123 : i32
      %lt3A = arith.constant 64 : i32
      %lt3A_125 = arith.cmpi slt, %add3A_124, %lt3A : i32
      %convert_element_type3A = arith.extui %lt3A_125 : i1 to i32
      %cond3A = arith.constant 0 : i32
      %cond3A_126 = arith.cmpi ne, %convert_element_type3A, %cond3A : i32
      scf.if %cond3A_126 {
        %add3A_153 = arith.constant 1 : i32
        %add3A_154 = arith.addi %scan3A_117, %add3A_153 : i32
        %dma_start3A_155 = arith.constant 0 : i32
        %dma_start3A_156 = arith.constant 0 : i32
        %dma_start3A_157 = tpu.memref_slice %arg10[%rem3A_122, %dma_start3A_155, %dma_start3A_156] : memref<2x128x128xf32, #tpu.memory_space<vmem>> -> memref<1x128x128xf32, #tpu.memory_space<vmem>>
        %dma_start3A_158 = tpu.memref_squeeze %dma_start3A_157 : memref<1x128x128xf32, #tpu.memory_space<vmem>> -> memref<128x128xf32, #tpu.memory_space<vmem>>
        %dma_start3A_159 = arith.constant 0 : i32
        %dma_start3A_160 = tpu.memref_slice %arg7[%add3A_154, %dma_start3A_159] : memref<64x128xi32, #tpu.memory_space<vmem>> -> memref<1x128xi32, #tpu.memory_space<vmem>>
        %dma_start3A_161 = tpu.memref_squeeze %dma_start3A_160 : memref<1x128xi32, #tpu.memory_space<vmem>> -> memref<128xi32, #tpu.memory_space<vmem>>
        %dma_start3A_162 = arith.constant 0 : i32
        %dma_start3A_163 = arith.constant 0 : i32
        %dma_start3A_164 = tpu.memref_slice %arg2[%dma_start3A_162, %dma_start3A_163] : memref<16384x128xf32, #tpu.memory_space<hbm>> -> memref<16384x128xf32, #tpu.memory_space<hbm>>
        tpu.enqueue_indirect_dma source(%dma_start3A_164 : memref<16384x128xf32, #tpu.memory_space<hbm>>) target(%dma_start3A_158 : memref<128x128xf32, #tpu.memory_space<vmem>>) offsets(%dma_start3A_161 : memref<128xi32, #tpu.memory_space<vmem>>) semaphore(%arg13 : memref<!tpu.dma_semaphore, #tpu.memory_space<semaphore_mem>>)
        %add3A_165 = arith.constant 1 : i32
        %add3A_166 = arith.addi %scan3A_117, %add3A_165 : i32
        %dma_start3A_167 = arith.constant 0 : i32
        %dma_start3A_168 = arith.constant 0 : i32
        %dma_start3A_169 = tpu.memref_slice %arg11[%rem3A_122, %dma_start3A_167, %dma_start3A_168] : memref<2x128x128xf32, #tpu.memory_space<vmem>> -> memref<1x128x128xf32, #tpu.memory_space<vmem>>
        %dma_start3A_170 = tpu.memref_squeeze %dma_start3A_169 : memref<1x128x128xf32, #tpu.memory_space<vmem>> -> memref<128x128xf32, #tpu.memory_space<vmem>>
        %dma_start3A_171 = arith.constant 0 : i32
        %dma_start3A_172 = tpu.memref_slice %arg8[%add3A_166, %dma_start3A_171] : memref<64x128xi32, #tpu.memory_space<vmem>> -> memref<1x128xi32, #tpu.memory_space<vmem>>
        %dma_start3A_173 = tpu.memref_squeeze %dma_start3A_172 : memref<1x128xi32, #tpu.memory_space<vmem>> -> memref<128xi32, #tpu.memory_space<vmem>>
        %dma_start3A_174 = arith.constant 0 : i32
        %dma_start3A_175 = arith.constant 0 : i32
        %dma_start3A_176 = tpu.memref_slice %arg3[%dma_start3A_174, %dma_start3A_175] : memref<16384x128xf32, #tpu.memory_space<hbm>> -> memref<16384x128xf32, #tpu.memory_space<hbm>>
        tpu.enqueue_indirect_dma source(%dma_start3A_176 : memref<16384x128xf32, #tpu.memory_space<hbm>>) target(%dma_start3A_170 : memref<128x128xf32, #tpu.memory_space<vmem>>) offsets(%dma_start3A_173 : memref<128xi32, #tpu.memory_space<vmem>>) semaphore(%arg14 : memref<!tpu.dma_semaphore, #tpu.memory_space<semaphore_mem>>)
      } else {
      }
      %dma_wait3A = arith.constant 0 : i32
      %dma_wait3A_127 = arith.constant 0 : i32
      %dma_wait3A_128 = tpu.memref_slice %arg10[%rem3A_118, %dma_wait3A, %dma_wait3A_127] : memref<2x128x128xf32, #tpu.memory_space<vmem>> -> memref<1x128x128xf32, #tpu.memory_space<vmem>>
      %dma_wait3A_129 = tpu.memref_squeeze %dma_wait3A_128 : memref<1x128x128xf32, #tpu.memory_space<vmem>> -> memref<128x128xf32, #tpu.memory_space<vmem>>
      %dma_wait3A_130 = arith.constant 0 : i32
      %dma_wait3A_131 = tpu.memref_slice %arg7[%scan3A_117, %dma_wait3A_130] : memref<64x128xi32, #tpu.memory_space<vmem>> -> memref<1x128xi32, #tpu.memory_space<vmem>>
      %dma_wait3A_132 = tpu.memref_squeeze %dma_wait3A_131 : memref<1x128xi32, #tpu.memory_space<vmem>> -> memref<128xi32, #tpu.memory_space<vmem>>
      %dma_wait3A_133 = arith.constant 0 : i32
      %dma_wait3A_134 = arith.constant 0 : i32
      %dma_wait3A_135 = tpu.memref_slice %arg2[%dma_wait3A_133, %dma_wait3A_134] : memref<16384x128xf32, #tpu.memory_space<hbm>> -> memref<16384x128xf32, #tpu.memory_space<hbm>>
      tpu.wait_indirect_dma semaphore(%arg13 : memref<!tpu.dma_semaphore, #tpu.memory_space<semaphore_mem>>) src(%dma_wait3A_135 : memref<16384x128xf32, #tpu.memory_space<hbm>>) dst(%dma_wait3A_129 : memref<128x128xf32, #tpu.memory_space<vmem>>)
      %mul3A_136 = arith.constant 128 : i32
      %mul3A_137 = arith.muli %arg1, %mul3A_136 : i32
      "tpu.region"() ({
        %run_scoped3A = tpu.sem_alloc : memref<!tpu.dma_semaphore, #tpu.memory_space<semaphore_mem>>
        %dma_start3A_153 = arith.constant 0 : i32
        %dma_start3A_154 = arith.constant 0 : i32
        %dma_start3A_155 = tpu.memref_slice %arg10[%rem3A_118, %dma_start3A_153, %dma_start3A_154] : memref<2x128x128xf32, #tpu.memory_space<vmem>> -> memref<1x128x128xf32, #tpu.memory_space<vmem>>
        %dma_start3A_156 = tpu.memref_squeeze %dma_start3A_155 : memref<1x128x128xf32, #tpu.memory_space<vmem>> -> memref<128x128xf32, #tpu.memory_space<vmem>>
        %dma_start3A_157 = arith.constant 0 : i32
        %dma_start3A_158 = tpu.memref_slice %arg12[%mul3A_137, %dma_start3A_157] : memref<2048x128xf32, #tpu.memory_space<vmem_shared>> -> memref<128x128xf32, #tpu.memory_space<vmem_shared>>
        %dma_start3A_159 = arith.constant 0 : i32
        %dma_start3A_160 = tpu.memref_slice %arg12[%mul3A_137, %dma_start3A_159] : memref<2048x128xf32, #tpu.memory_space<vmem_shared>> -> memref<128x128xf32, #tpu.memory_space<vmem_shared>>
        %dma_start3A_161 = arith.constant 0 : i32
        %dma_start3A_162 = arith.constant 0 : i32
        %dma_start3A_163 = tpu.memref_slice %arg10[%rem3A_118, %dma_start3A_161, %dma_start3A_162] : memref<2x128x128xf32, #tpu.memory_space<vmem>> -> memref<1x128x128xf32, #tpu.memory_space<vmem>>
        %dma_start3A_164 = tpu.memref_squeeze %dma_start3A_163 : memref<1x128x128xf32, #tpu.memory_space<vmem>> -> memref<128x128xf32, #tpu.memory_space<vmem>>
        tpu.enqueue_dma source(%dma_start3A_164 : memref<128x128xf32, #tpu.memory_space<vmem>>) target(%dma_start3A_160 : memref<128x128xf32, #tpu.memory_space<vmem_shared>>) target_semaphore(%run_scoped3A : memref<!tpu.dma_semaphore, #tpu.memory_space<semaphore_mem>>)
        %dma_wait3A_165 = arith.constant 0 : i32
        %dma_wait3A_166 = arith.constant 0 : i32
        %dma_wait3A_167 = tpu.memref_slice %arg10[%rem3A_118, %dma_wait3A_165, %dma_wait3A_166] : memref<2x128x128xf32, #tpu.memory_space<vmem>> -> memref<1x128x128xf32, #tpu.memory_space<vmem>>
        %dma_wait3A_168 = tpu.memref_squeeze %dma_wait3A_167 : memref<1x128x128xf32, #tpu.memory_space<vmem>> -> memref<128x128xf32, #tpu.memory_space<vmem>>
        %dma_wait3A_169 = arith.constant 0 : i32
        %dma_wait3A_170 = tpu.memref_slice %arg12[%mul3A_137, %dma_wait3A_169] : memref<2048x128xf32, #tpu.memory_space<vmem_shared>> -> memref<128x128xf32, #tpu.memory_space<vmem_shared>>
        %dma_wait3A_171 = arith.constant 0 : i32
        %dma_wait3A_172 = tpu.memref_slice %arg12[%mul3A_137, %dma_wait3A_171] : memref<2048x128xf32, #tpu.memory_space<vmem_shared>> -> memref<128x128xf32, #tpu.memory_space<vmem_shared>>
        %dma_wait3A_173 = arith.constant 0 : i32
        %dma_wait3A_174 = arith.constant 0 : i32
        %dma_wait3A_175 = tpu.memref_slice %arg10[%rem3A_118, %dma_wait3A_173, %dma_wait3A_174] : memref<2x128x128xf32, #tpu.memory_space<vmem>> -> memref<1x128x128xf32, #tpu.memory_space<vmem>>
        %dma_wait3A_176 = tpu.memref_squeeze %dma_wait3A_175 : memref<1x128x128xf32, #tpu.memory_space<vmem>> -> memref<128x128xf32, #tpu.memory_space<vmem>>
        tpu.wait_dma2 semaphore(%run_scoped3A : memref<!tpu.dma_semaphore, #tpu.memory_space<semaphore_mem>>) src(%dma_wait3A_176 : memref<128x128xf32, #tpu.memory_space<vmem>>) dst(%dma_wait3A_172 : memref<128x128xf32, #tpu.memory_space<vmem_shared>>)
        tpu.yield
      }) : () -> ()
      %dma_wait3A_138 = arith.constant 0 : i32
      %dma_wait3A_139 = arith.constant 0 : i32
      %dma_wait3A_140 = tpu.memref_slice %arg11[%rem3A_118, %dma_wait3A_138, %dma_wait3A_139] : memref<2x128x128xf32, #tpu.memory_space<vmem>> -> memref<1x128x128xf32, #tpu.memory_space<vmem>>
      %dma_wait3A_141 = tpu.memref_squeeze %dma_wait3A_140 : memref<1x128x128xf32, #tpu.memory_space<vmem>> -> memref<128x128xf32, #tpu.memory_space<vmem>>
      %dma_wait3A_142 = arith.constant 0 : i32
      %dma_wait3A_143 = tpu.memref_slice %arg8[%scan3A_117, %dma_wait3A_142] : memref<64x128xi32, #tpu.memory_space<vmem>> -> memref<1x128xi32, #tpu.memory_space<vmem>>
      %dma_wait3A_144 = tpu.memref_squeeze %dma_wait3A_143 : memref<1x128xi32, #tpu.memory_space<vmem>> -> memref<128xi32, #tpu.memory_space<vmem>>
      %dma_wait3A_145 = arith.constant 0 : i32
      %dma_wait3A_146 = arith.constant 0 : i32
      %dma_wait3A_147 = tpu.memref_slice %arg3[%dma_wait3A_145, %dma_wait3A_146] : memref<16384x128xf32, #tpu.memory_space<hbm>> -> memref<16384x128xf32, #tpu.memory_space<hbm>>
      tpu.wait_indirect_dma semaphore(%arg14 : memref<!tpu.dma_semaphore, #tpu.memory_space<semaphore_mem>>) src(%dma_wait3A_147 : memref<16384x128xf32, #tpu.memory_space<hbm>>) dst(%dma_wait3A_141 : memref<128x128xf32, #tpu.memory_space<vmem>>)
      "tpu.region"() ({
        %run_scoped3A = tpu.sem_alloc : memref<!tpu.dma_semaphore, #tpu.memory_space<semaphore_mem>>
        %dma_start3A_153 = arith.constant 0 : i32
        %dma_start3A_154 = arith.constant 0 : i32
        %dma_start3A_155 = tpu.memref_slice %arg11[%rem3A_118, %dma_start3A_153, %dma_start3A_154] : memref<2x128x128xf32, #tpu.memory_space<vmem>> -> memref<1x128x128xf32, #tpu.memory_space<vmem>>
        %dma_start3A_156 = tpu.memref_squeeze %dma_start3A_155 : memref<1x128x128xf32, #tpu.memory_space<vmem>> -> memref<128x128xf32, #tpu.memory_space<vmem>>
        %dma_start3A_157 = arith.constant 0 : i32
        %dma_start3A_158 = arith.constant 0 : i32
        %dma_start3A_159 = tpu.memref_slice %arg12[%dma_start3A_157, %dma_start3A_158] : memref<2048x128xf32, #tpu.memory_space<vmem_shared>> -> memref<2048x128xf32, #tpu.memory_space<vmem_shared>>
        tpu.enqueue_indirect_dma source(%dma_start3A_156 : memref<128x128xf32, #tpu.memory_space<vmem>>) target(%dma_start3A_159 : memref<2048x128xf32, #tpu.memory_space<vmem_shared>>) offsets(%arg9 : memref<128xi32, #tpu.memory_space<vmem>>) semaphore(%run_scoped3A : memref<!tpu.dma_semaphore, #tpu.memory_space<semaphore_mem>>) {add = true}
        %dma_wait3A_160 = arith.constant 0 : i32
        %dma_wait3A_161 = arith.constant 0 : i32
        %dma_wait3A_162 = tpu.memref_slice %arg11[%rem3A_118, %dma_wait3A_160, %dma_wait3A_161] : memref<2x128x128xf32, #tpu.memory_space<vmem>> -> memref<1x128x128xf32, #tpu.memory_space<vmem>>
        %dma_wait3A_163 = tpu.memref_squeeze %dma_wait3A_162 : memref<1x128x128xf32, #tpu.memory_space<vmem>> -> memref<128x128xf32, #tpu.memory_space<vmem>>
        %dma_wait3A_164 = arith.constant 0 : i32
        %dma_wait3A_165 = arith.constant 0 : i32
        %dma_wait3A_166 = tpu.memref_slice %arg12[%dma_wait3A_164, %dma_wait3A_165] : memref<2048x128xf32, #tpu.memory_space<vmem_shared>> -> memref<2048x128xf32, #tpu.memory_space<vmem_shared>>
        tpu.wait_indirect_dma semaphore(%run_scoped3A : memref<!tpu.dma_semaphore, #tpu.memory_space<semaphore_mem>>) src(%dma_wait3A_163 : memref<128x128xf32, #tpu.memory_space<vmem>>) dst(%dma_wait3A_166 : memref<2048x128xf32, #tpu.memory_space<vmem_shared>>)
        tpu.yield
      }) : () -> ()
      %mul3A_148 = arith.constant 128 : i32
      %mul3A_149 = arith.muli %arg1, %mul3A_148 : i32
      %mul3A_150 = arith.constant 128 : i32
      %mul3A_151 = arith.muli %scan3A_117, %mul3A_150 : i32
      %add3A_152 = arith.addi %mul3A_2, %mul3A_151 : i32
      "tpu.region"() ({
        %run_scoped3A = tpu.sem_alloc : memref<!tpu.dma_semaphore, #tpu.memory_space<semaphore_mem>>
        %dma_start3A_153 = arith.constant 0 : i32
        %dma_start3A_154 = tpu.memref_slice %arg6[%add3A_152, %dma_start3A_153] : memref<262144x128xf32, #tpu.memory_space<hbm>> -> memref<128x128xf32, #tpu.memory_space<hbm>>
        %dma_start3A_155 = arith.constant 0 : i32
        %dma_start3A_156 = tpu.memref_slice %arg12[%mul3A_149, %dma_start3A_155] : memref<2048x128xf32, #tpu.memory_space<vmem_shared>> -> memref<128x128xf32, #tpu.memory_space<vmem_shared>>
        tpu.enqueue_dma source(%dma_start3A_156 : memref<128x128xf32, #tpu.memory_space<vmem_shared>>) target(%dma_start3A_154 : memref<128x128xf32, #tpu.memory_space<hbm>>) target_semaphore(%run_scoped3A : memref<!tpu.dma_semaphore, #tpu.memory_space<semaphore_mem>>)
        %dma_wait3A_157 = arith.constant 0 : i32
        %dma_wait3A_158 = tpu.memref_slice %arg6[%add3A_152, %dma_wait3A_157] : memref<262144x128xf32, #tpu.memory_space<hbm>> -> memref<128x128xf32, #tpu.memory_space<hbm>>
        %dma_wait3A_159 = arith.constant 0 : i32
        %dma_wait3A_160 = tpu.memref_slice %arg12[%mul3A_149, %dma_wait3A_159] : memref<2048x128xf32, #tpu.memory_space<vmem_shared>> -> memref<128x128xf32, #tpu.memory_space<vmem_shared>>
        tpu.wait_dma2 semaphore(%run_scoped3A : memref<!tpu.dma_semaphore, #tpu.memory_space<semaphore_mem>>) src(%dma_wait3A_160 : memref<128x128xf32, #tpu.memory_space<vmem_shared>>) dst(%dma_wait3A_158 : memref<128x128xf32, #tpu.memory_space<hbm>>)
        tpu.yield
      }) : () -> ()
    }
    %scan3A_116 = arith.constant 64 : i32
    return
  }
}

#map = affine_map<(d0, d1) -> (0, 0)>
#map1 = affine_map<(d0, d1) -> (0, 0, 0)>
module attributes {stable_mosaic.version = 14 : i64} {
  func.func @k(%arg0: i32, %arg1: i32, %arg2: memref<16384x128xf32, #tpu.memory_space<hbm>>, %arg3: memref<16384x128xf32, #tpu.memory_space<hbm>>, %arg4: memref<32x64x128xi32, #tpu.memory_space<hbm>>, %arg5: memref<32x64x128xi32, #tpu.memory_space<hbm>>, %arg6: memref<262144x128xf32, #tpu.memory_space<hbm>>, %arg7: memref<64x128xi32, #tpu.memory_space<vmem>>, %arg8: memref<64x128xi32, #tpu.memory_space<vmem>>, %arg9: memref<128xi32, #tpu.memory_space<vmem>>, %arg10: memref<2x128x128xf32, #tpu.memory_space<vmem>>, %arg11: memref<2x128x128xf32, #tpu.memory_space<vmem>>, %arg12: memref<2048x128xf32, #tpu.memory_space<vmem_shared>>, %arg13: memref<!tpu.dma_semaphore, #tpu.memory_space<semaphore_mem>>, %arg14: memref<!tpu.dma_semaphore, #tpu.memory_space<semaphore_mem>>) attributes {dimension_semantics = [#tpu.dimension_semantics<core_parallel>, #tpu.dimension_semantics<subcore_parallel>], iteration_bounds = array<i64: 2, 16>, scalar_prefetch = 0 : i64, scratch_operands = 8 : i64, tpu.core_type = #tpu.core_type<sc_vector_subcore>, window_params = [{transform_indices = #map}, {transform_indices = #map}, {transform_indices = #map1}, {transform_indices = #map1}, {transform_indices = #map}]} {
    %mul3A = arith.constant 2 : i32
    %mul3A_0 = arith.muli %arg1, %mul3A : i32
    %add3A = arith.addi %mul3A_0, %arg0 : i32
    %mul3A_1 = arith.constant 8192 : i32
    %mul3A_2 = arith.muli %add3A, %mul3A_1 : i32
    "tpu.region"() ({
      %run_scoped3A = tpu.sem_alloc : memref<!tpu.dma_semaphore, #tpu.memory_space<semaphore_mem>>
      %dma_start3A_117 = arith.constant 0 : i32
      %dma_start3A_118 = arith.constant 0 : i32
      %dma_start3A_119 = tpu.memref_slice %arg4[%add3A, %dma_start3A_117, %dma_start3A_118] : memref<32x64x128xi32, #tpu.memory_space<hbm>> -> memref<1x64x128xi32, #tpu.memory_space<hbm>>
      %dma_start3A_120 = tpu.memref_squeeze %dma_start3A_119 : memref<1x64x128xi32, #tpu.memory_space<hbm>> -> memref<64x128xi32, #tpu.memory_space<hbm>>
      %dma_start3A_121 = arith.constant 0 : i32
      %dma_start3A_122 = arith.constant 0 : i32
      %dma_start3A_123 = tpu.memref_slice %arg4[%add3A, %dma_start3A_121, %dma_start3A_122] : memref<32x64x128xi32, #tpu.memory_space<hbm>> -> memref<1x64x128xi32, #tpu.memory_space<hbm>>
      %dma_start3A_124 = tpu.memref_squeeze %dma_start3A_123 : memref<1x64x128xi32, #tpu.memory_space<hbm>> -> memref<64x128xi32, #tpu.memory_space<hbm>>
      tpu.enqueue_dma source(%dma_start3A_124 : memref<64x128xi32, #tpu.memory_space<hbm>>) target(%arg7 : memref<64x128xi32, #tpu.memory_space<vmem>>) target_semaphore(%run_scoped3A : memref<!tpu.dma_semaphore, #tpu.memory_space<semaphore_mem>>)
      %dma_wait3A = arith.constant 0 : i32
      %dma_wait3A_125 = arith.constant 0 : i32
      %dma_wait3A_126 = tpu.memref_slice %arg4[%add3A, %dma_wait3A, %dma_wait3A_125] : memref<32x64x128xi32, #tpu.memory_space<hbm>> -> memref<1x64x128xi32, #tpu.memory_space<hbm>>
      %dma_wait3A_127 = tpu.memref_squeeze %dma_wait3A_126 : memref<1x64x128xi32, #tpu.memory_space<hbm>> -> memref<64x128xi32, #tpu.memory_space<hbm>>
      %dma_wait3A_128 = arith.constant 0 : i32
      %dma_wait3A_129 = arith.constant 0 : i32
      %dma_wait3A_130 = tpu.memref_slice %arg4[%add3A, %dma_wait3A_128, %dma_wait3A_129] : memref<32x64x128xi32, #tpu.memory_space<hbm>> -> memref<1x64x128xi32, #tpu.memory_space<hbm>>
      %dma_wait3A_131 = tpu.memref_squeeze %dma_wait3A_130 : memref<1x64x128xi32, #tpu.memory_space<hbm>> -> memref<64x128xi32, #tpu.memory_space<hbm>>
      tpu.wait_dma2 semaphore(%run_scoped3A : memref<!tpu.dma_semaphore, #tpu.memory_space<semaphore_mem>>) src(%dma_wait3A_131 : memref<64x128xi32, #tpu.memory_space<hbm>>) dst(%arg7 : memref<64x128xi32, #tpu.memory_space<vmem>>)
      tpu.yield
    }) : () -> ()
    "tpu.region"() ({
      %run_scoped3A = tpu.sem_alloc : memref<!tpu.dma_semaphore, #tpu.memory_space<semaphore_mem>>
      %dma_start3A_117 = arith.constant 0 : i32
      %dma_start3A_118 = arith.constant 0 : i32
      %dma_start3A_119 = tpu.memref_slice %arg5[%add3A, %dma_start3A_117, %dma_start3A_118] : memref<32x64x128xi32, #tpu.memory_space<hbm>> -> memref<1x64x128xi32, #tpu.memory_space<hbm>>
      %dma_start3A_120 = tpu.memref_squeeze %dma_start3A_119 : memref<1x64x128xi32, #tpu.memory_space<hbm>> -> memref<64x128xi32, #tpu.memory_space<hbm>>
      %dma_start3A_121 = arith.constant 0 : i32
      %dma_start3A_122 = arith.constant 0 : i32
      %dma_start3A_123 = tpu.memref_slice %arg5[%add3A, %dma_start3A_121, %dma_start3A_122] : memref<32x64x128xi32, #tpu.memory_space<hbm>> -> memref<1x64x128xi32, #tpu.memory_space<hbm>>
      %dma_start3A_124 = tpu.memref_squeeze %dma_start3A_123 : memref<1x64x128xi32, #tpu.memory_space<hbm>> -> memref<64x128xi32, #tpu.memory_space<hbm>>
      tpu.enqueue_dma source(%dma_start3A_124 : memref<64x128xi32, #tpu.memory_space<hbm>>) target(%arg8 : memref<64x128xi32, #tpu.memory_space<vmem>>) target_semaphore(%run_scoped3A : memref<!tpu.dma_semaphore, #tpu.memory_space<semaphore_mem>>)
      %dma_wait3A = arith.constant 0 : i32
      %dma_wait3A_125 = arith.constant 0 : i32
      %dma_wait3A_126 = tpu.memref_slice %arg5[%add3A, %dma_wait3A, %dma_wait3A_125] : memref<32x64x128xi32, #tpu.memory_space<hbm>> -> memref<1x64x128xi32, #tpu.memory_space<hbm>>
      %dma_wait3A_127 = tpu.memref_squeeze %dma_wait3A_126 : memref<1x64x128xi32, #tpu.memory_space<hbm>> -> memref<64x128xi32, #tpu.memory_space<hbm>>
      %dma_wait3A_128 = arith.constant 0 : i32
      %dma_wait3A_129 = arith.constant 0 : i32
      %dma_wait3A_130 = tpu.memref_slice %arg5[%add3A, %dma_wait3A_128, %dma_wait3A_129] : memref<32x64x128xi32, #tpu.memory_space<hbm>> -> memref<1x64x128xi32, #tpu.memory_space<hbm>>
      %dma_wait3A_131 = tpu.memref_squeeze %dma_wait3A_130 : memref<1x64x128xi32, #tpu.memory_space<hbm>> -> memref<64x128xi32, #tpu.memory_space<hbm>>
      tpu.wait_dma2 semaphore(%run_scoped3A : memref<!tpu.dma_semaphore, #tpu.memory_space<semaphore_mem>>) src(%dma_wait3A_131 : memref<64x128xi32, #tpu.memory_space<hbm>>) dst(%arg8 : memref<64x128xi32, #tpu.memory_space<vmem>>)
      tpu.yield
    }) : () -> ()
    %iota3A = tpu.iota {dimensions = array<i32: 0>} : vector<16xi32>
    %mul3A_3 = arith.constant 128 : i32
    %mul3A_4 = arith.muli %arg1, %mul3A_3 : i32
    %add3A_5 = arith.constant 0 : i32
    %add3A_6 = arith.addi %mul3A_4, %add3A_5 : i32
    %add3A_7 = vector.broadcast %add3A_6 : i32 to vector<16xi32>
    %add3A_8 = arith.addi %iota3A, %add3A_7 : vector<16xi32>
    %swap3A = arith.constant 0 : index
    %swap3A_9 = tpu.vector_load %arg9[%swap3A] {strides = array<i32>} : memref<128xi32, #tpu.memory_space<vmem>>, vector<16xi32>,
    %swap3A_10 = vector.shape_cast %swap3A_9 : vector<16xi32> to vector<16xi32>
    %swap3A_11 = vector.shape_cast %add3A_8 : vector<16xi32> to vector<16xi32>
    tpu.vector_store %arg9[%swap3A], %swap3A_11 {strides = array<i32>} : memref<128xi32, #tpu.memory_space<vmem>>, vector<16xi32>,
    %iota3A_12 = tpu.iota {dimensions = array<i32: 0>} : vector<16xi32>
    %mul3A_13 = arith.constant 128 : i32
    %mul3A_14 = arith.muli %arg1, %mul3A_13 : i32
    %add3A_15 = arith.constant 16 : i32
    %add3A_16 = arith.addi %mul3A_14, %add3A_15 : i32
    %add3A_17 = vector.broadcast %add3A_16 : i32 to vector<16xi32>
    %add3A_18 = arith.addi %iota3A_12, %add3A_17 : vector<16xi32>
    %swap3A_19 = arith.constant 16 : index
    %swap3A_20 = tpu.vector_load %arg9[%swap3A_19] {strides = array<i32>} : memref<128xi32, #tpu.memory_space<vmem>>, vector<16xi32>,
    %swap3A_21 = vector.shape_cast %swap3A_20 : vector<16xi32> to vector<16xi32>
    %swap3A_22 = vector.shape_cast %add3A_18 : vector<16xi32> to vector<16xi32>
    tpu.vector_store %arg9[%swap3A_19], %swap3A_22 {strides = array<i32>} : memref<128xi32, #tpu.memory_space<vmem>>, vector<16xi32>,
    %iota3A_23 = tpu.iota {dimensions = array<i32: 0>} : vector<16xi32>
    %mul3A_24 = arith.constant 128 : i32
    %mul3A_25 = arith.muli %arg1, %mul3A_24 : i32
    %add3A_26 = arith.constant 32 : i32
    %add3A_27 = arith.addi %mul3A_25, %add3A_26 : i32
    %add3A_28 = vector.broadcast %add3A_27 : i32 to vector<16xi32>
    %add3A_29 = arith.addi %iota3A_23, %add3A_28 : vector<16xi32>
    %swap3A_30 = arith.constant 32 : index
    %swap3A_31 = tpu.vector_load %arg9[%swap3A_30] {strides = array<i32>} : memref<128xi32, #tpu.memory_space<vmem>>, vector<16xi32>,
    %swap3A_32 = vector.shape_cast %swap3A_31 : vector<16xi32> to vector<16xi32>
    %swap3A_33 = vector.shape_cast %add3A_29 : vector<16xi32> to vector<16xi32>
    tpu.vector_store %arg9[%swap3A_30], %swap3A_33 {strides = array<i32>} : memref<128xi32, #tpu.memory_space<vmem>>, vector<16xi32>,
    %iota3A_34 = tpu.iota {dimensions = array<i32: 0>} : vector<16xi32>
    %mul3A_35 = arith.constant 128 : i32
    %mul3A_36 = arith.muli %arg1, %mul3A_35 : i32
    %add3A_37 = arith.constant 48 : i32
    %add3A_38 = arith.addi %mul3A_36, %add3A_37 : i32
    %add3A_39 = vector.broadcast %add3A_38 : i32 to vector<16xi32>
    %add3A_40 = arith.addi %iota3A_34, %add3A_39 : vector<16xi32>
    %swap3A_41 = arith.constant 48 : index
    %swap3A_42 = tpu.vector_load %arg9[%swap3A_41] {strides = array<i32>} : memref<128xi32, #tpu.memory_space<vmem>>, vector<16xi32>,
    %swap3A_43 = vector.shape_cast %swap3A_42 : vector<16xi32> to vector<16xi32>
    %swap3A_44 = vector.shape_cast %add3A_40 : vector<16xi32> to vector<16xi32>
    tpu.vector_store %arg9[%swap3A_41], %swap3A_44 {strides = array<i32>} : memref<128xi32, #tpu.memory_space<vmem>>, vector<16xi32>,
    %iota3A_45 = tpu.iota {dimensions = array<i32: 0>} : vector<16xi32>
    %mul3A_46 = arith.constant 128 : i32
    %mul3A_47 = arith.muli %arg1, %mul3A_46 : i32
    %add3A_48 = arith.constant 64 : i32
    %add3A_49 = arith.addi %mul3A_47, %add3A_48 : i32
    %add3A_50 = vector.broadcast %add3A_49 : i32 to vector<16xi32>
    %add3A_51 = arith.addi %iota3A_45, %add3A_50 : vector<16xi32>
    %swap3A_52 = arith.constant 64 : index
    %swap3A_53 = tpu.vector_load %arg9[%swap3A_52] {strides = array<i32>} : memref<128xi32, #tpu.memory_space<vmem>>, vector<16xi32>,
    %swap3A_54 = vector.shape_cast %swap3A_53 : vector<16xi32> to vector<16xi32>
    %swap3A_55 = vector.shape_cast %add3A_51 : vector<16xi32> to vector<16xi32>
    tpu.vector_store %arg9[%swap3A_52], %swap3A_55 {strides = array<i32>} : memref<128xi32, #tpu.memory_space<vmem>>, vector<16xi32>,
    %iota3A_56 = tpu.iota {dimensions = array<i32: 0>} : vector<16xi32>
    %mul3A_57 = arith.constant 128 : i32
    %mul3A_58 = arith.muli %arg1, %mul3A_57 : i32
    %add3A_59 = arith.constant 80 : i32
    %add3A_60 = arith.addi %mul3A_58, %add3A_59 : i32
    %add3A_61 = vector.broadcast %add3A_60 : i32 to vector<16xi32>
    %add3A_62 = arith.addi %iota3A_56, %add3A_61 : vector<16xi32>
    %swap3A_63 = arith.constant 80 : index
    %swap3A_64 = tpu.vector_load %arg9[%swap3A_63] {strides = array<i32>} : memref<128xi32, #tpu.memory_space<vmem>>, vector<16xi32>,
    %swap3A_65 = vector.shape_cast %swap3A_64 : vector<16xi32> to vector<16xi32>
    %swap3A_66 = vector.shape_cast %add3A_62 : vector<16xi32> to vector<16xi32>
    tpu.vector_store %arg9[%swap3A_63], %swap3A_66 {strides = array<i32>} : memref<128xi32, #tpu.memory_space<vmem>>, vector<16xi32>,
    %iota3A_67 = tpu.iota {dimensions = array<i32: 0>} : vector<16xi32>
    %mul3A_68 = arith.constant 128 : i32
    %mul3A_69 = arith.muli %arg1, %mul3A_68 : i32
    %add3A_70 = arith.constant 96 : i32
    %add3A_71 = arith.addi %mul3A_69, %add3A_70 : i32
    %add3A_72 = vector.broadcast %add3A_71 : i32 to vector<16xi32>
    %add3A_73 = arith.addi %iota3A_67, %add3A_72 : vector<16xi32>
    %swap3A_74 = arith.constant 96 : index
    %swap3A_75 = tpu.vector_load %arg9[%swap3A_74] {strides = array<i32>} : memref<128xi32, #tpu.memory_space<vmem>>, vector<16xi32>,
    %swap3A_76 = vector.shape_cast %swap3A_75 : vector<16xi32> to vector<16xi32>
    %swap3A_77 = vector.shape_cast %add3A_73 : vector<16xi32> to vector<16xi32>
    tpu.vector_store %arg9[%swap3A_74], %swap3A_77 {strides = array<i32>} : memref<128xi32, #tpu.memory_space<vmem>>, vector<16xi32>,
    %iota3A_78 = tpu.iota {dimensions = array<i32: 0>} : vector<16xi32>
    %mul3A_79 = arith.constant 128 : i32
    %mul3A_80 = arith.muli %arg1, %mul3A_79 : i32
    %add3A_81 = arith.constant 112 : i32
    %add3A_82 = arith.addi %mul3A_80, %add3A_81 : i32
    %add3A_83 = vector.broadcast %add3A_82 : i32 to vector<16xi32>
    %add3A_84 = arith.addi %iota3A_78, %add3A_83 : vector<16xi32>
    %swap3A_85 = arith.constant 112 : index
    %swap3A_86 = tpu.vector_load %arg9[%swap3A_85] {strides = array<i32>} : memref<128xi32, #tpu.memory_space<vmem>>, vector<16xi32>,
    %swap3A_87 = vector.shape_cast %swap3A_86 : vector<16xi32> to vector<16xi32>
    %swap3A_88 = vector.shape_cast %add3A_84 : vector<16xi32> to vector<16xi32>
    tpu.vector_store %arg9[%swap3A_85], %swap3A_88 {strides = array<i32>} : memref<128xi32, #tpu.memory_space<vmem>>, vector<16xi32>,
    %dma_start3A = arith.constant 0 : i32
    %dma_start3A_89 = arith.constant 0 : i32
    %dma_start3A_90 = arith.constant 0 : i32
    %dma_start3A_91 = arith.constant 0 : i32
    %dma_start3A_92 = tpu.memref_slice %arg10[%dma_start3A_89, %dma_start3A_90, %dma_start3A_91] : memref<2x128x128xf32, #tpu.memory_space<vmem>> -> memref<1x128x128xf32, #tpu.memory_space<vmem>>
    %dma_start3A_93 = tpu.memref_squeeze %dma_start3A_92 : memref<1x128x128xf32, #tpu.memory_space<vmem>> -> memref<128x128xf32, #tpu.memory_space<vmem>>
    %dma_start3A_94 = arith.constant 0 : i32
    %dma_start3A_95 = tpu.memref_slice %arg7[%dma_start3A, %dma_start3A_94] : memref<64x128xi32, #tpu.memory_space<vmem>> -> memref<1x128xi32, #tpu.memory_space<vmem>>
    %dma_start3A_96 = tpu.memref_squeeze %dma_start3A_95 : memref<1x128xi32, #tpu.memory_space<vmem>> -> memref<128xi32, #tpu.memory_space<vmem>>
    %dma_start3A_97 = arith.constant 0 : i32
    %dma_start3A_98 = arith.constant 0 : i32
    %dma_start3A_99 = tpu.memref_slice %arg2[%dma_start3A_97, %dma_start3A_98] : memref<16384x128xf32, #tpu.memory_space<hbm>> -> memref<16384x128xf32, #tpu.memory_space<hbm>>
    tpu.enqueue_indirect_dma source(%dma_start3A_99 : memref<16384x128xf32, #tpu.memory_space<hbm>>) target(%dma_start3A_93 : memref<128x128xf32, #tpu.memory_space<vmem>>) offsets(%dma_start3A_96 : memref<128xi32, #tpu.memory_space<vmem>>) semaphore(%arg13 : memref<!tpu.dma_semaphore, #tpu.memory_space<semaphore_mem>>)
    %dma_start3A_100 = arith.constant 0 : i32
    %dma_start3A_101 = arith.constant 0 : i32
    %dma_start3A_102 = arith.constant 0 : i32
    %dma_start3A_103 = arith.constant 0 : i32
    %dma_start3A_104 = tpu.memref_slice %arg11[%dma_start3A_101, %dma_start3A_102, %dma_start3A_103] : memref<2x128x128xf32, #tpu.memory_space<vmem>> -> memref<1x128x128xf32, #tpu.memory_space<vmem>>
    %dma_start3A_105 = tpu.memref_squeeze %dma_start3A_104 : memref<1x128x128xf32, #tpu.memory_space<vmem>> -> memref<128x128xf32, #tpu.memory_space<vmem>>
    %dma_start3A_106 = arith.constant 0 : i32
    %dma_start3A_107 = tpu.memref_slice %arg8[%dma_start3A_100, %dma_start3A_106] : memref<64x128xi32, #tpu.memory_space<vmem>> -> memref<1x128xi32, #tpu.memory_space<vmem>>
    %dma_start3A_108 = tpu.memref_squeeze %dma_start3A_107 : memref<1x128xi32, #tpu.memory_space<vmem>> -> memref<128xi32, #tpu.memory_space<vmem>>
    %dma_start3A_109 = arith.constant 0 : i32
    %dma_start3A_110 = arith.constant 0 : i32
    %dma_start3A_111 = tpu.memref_slice %arg3[%dma_start3A_109, %dma_start3A_110] : memref<16384x128xf32, #tpu.memory_space<hbm>> -> memref<16384x128xf32, #tpu.memory_space<hbm>>
    tpu.enqueue_indirect_dma source(%dma_start3A_111 : memref<16384x128xf32, #tpu.memory_space<hbm>>) target(%dma_start3A_105 : memref<128x128xf32, #tpu.memory_space<vmem>>) offsets(%dma_start3A_108 : memref<128xi32, #tpu.memory_space<vmem>>) semaphore(%arg14 : memref<!tpu.dma_semaphore, #tpu.memory_space<semaphore_mem>>)
    %scan3A = arith.constant 0 : i32
    %scan3A_112 = arith.constant 0 : i32
    %scan3A_113 = arith.constant 64 : i32
    %scan3A_114 = arith.addi %scan3A_112, %scan3A_113 : i32
    %scan3A_115 = arith.constant 1 : i32
    scf.for %scan3A_117 = %scan3A_112 to %scan3A_114 step %scan3A_115  : i32 {
      %rem3A = arith.constant 2 : i32
      %rem3A_118 = arith.remsi %scan3A_117, %rem3A : i32
      %add3A_119 = arith.constant 1 : i32
      %add3A_120 = arith.addi %scan3A_117, %add3A_119 : i32
      %rem3A_121 = arith.constant 2 : i32
      %rem3A_122 = arith.remsi %add3A_120, %rem3A_121 : i32
      %add3A_123 = arith.constant 1 : i32
      %add3A_124 = arith.addi %scan3A_117, %add3A_123 : i32
      %lt3A = arith.constant 64 : i32
      %lt3A_125 = arith.cmpi slt, %add3A_124, %lt3A : i32
      %convert_element_type3A = arith.extui %lt3A_125 : i1 to i32
      %cond3A = arith.constant 0 : i32
      %cond3A_126 = arith.cmpi ne, %convert_element_type3A, %cond3A : i32
      scf.if %cond3A_126 {
        %add3A_153 = arith.constant 1 : i32
        %add3A_154 = arith.addi %scan3A_117, %add3A_153 : i32
        %dma_start3A_155 = arith.constant 0 : i32
        %dma_start3A_156 = arith.constant 0 : i32
        %dma_start3A_157 = tpu.memref_slice %arg10[%rem3A_122, %dma_start3A_155, %dma_start3A_156] : memref<2x128x128xf32, #tpu.memory_space<vmem>> -> memref<1x128x128xf32, #tpu.memory_space<vmem>>
        %dma_start3A_158 = tpu.memref_squeeze %dma_start3A_157 : memref<1x128x128xf32, #tpu.memory_space<vmem>> -> memref<128x128xf32, #tpu.memory_space<vmem>>
        %dma_start3A_159 = arith.constant 0 : i32
        %dma_start3A_160 = tpu.memref_slice %arg7[%add3A_154, %dma_start3A_159] : memref<64x128xi32, #tpu.memory_space<vmem>> -> memref<1x128xi32, #tpu.memory_space<vmem>>
        %dma_start3A_161 = tpu.memref_squeeze %dma_start3A_160 : memref<1x128xi32, #tpu.memory_space<vmem>> -> memref<128xi32, #tpu.memory_space<vmem>>
        %dma_start3A_162 = arith.constant 0 : i32
        %dma_start3A_163 = arith.constant 0 : i32
        %dma_start3A_164 = tpu.memref_slice %arg2[%dma_start3A_162, %dma_start3A_163] : memref<16384x128xf32, #tpu.memory_space<hbm>> -> memref<16384x128xf32, #tpu.memory_space<hbm>>
        tpu.enqueue_indirect_dma source(%dma_start3A_164 : memref<16384x128xf32, #tpu.memory_space<hbm>>) target(%dma_start3A_158 : memref<128x128xf32, #tpu.memory_space<vmem>>) offsets(%dma_start3A_161 : memref<128xi32, #tpu.memory_space<vmem>>) semaphore(%arg13 : memref<!tpu.dma_semaphore, #tpu.memory_space<semaphore_mem>>)
        %add3A_165 = arith.constant 1 : i32
        %add3A_166 = arith.addi %scan3A_117, %add3A_165 : i32
        %dma_start3A_167 = arith.constant 0 : i32
        %dma_start3A_168 = arith.constant 0 : i32
        %dma_start3A_169 = tpu.memref_slice %arg11[%rem3A_122, %dma_start3A_167, %dma_start3A_168] : memref<2x128x128xf32, #tpu.memory_space<vmem>> -> memref<1x128x128xf32, #tpu.memory_space<vmem>>
        %dma_start3A_170 = tpu.memref_squeeze %dma_start3A_169 : memref<1x128x128xf32, #tpu.memory_space<vmem>> -> memref<128x128xf32, #tpu.memory_space<vmem>>
        %dma_start3A_171 = arith.constant 0 : i32
        %dma_start3A_172 = tpu.memref_slice %arg8[%add3A_166, %dma_start3A_171] : memref<64x128xi32, #tpu.memory_space<vmem>> -> memref<1x128xi32, #tpu.memory_space<vmem>>
        %dma_start3A_173 = tpu.memref_squeeze %dma_start3A_172 : memref<1x128xi32, #tpu.memory_space<vmem>> -> memref<128xi32, #tpu.memory_space<vmem>>
        %dma_start3A_174 = arith.constant 0 : i32
        %dma_start3A_175 = arith.constant 0 : i32
        %dma_start3A_176 = tpu.memref_slice %arg3[%dma_start3A_174, %dma_start3A_175] : memref<16384x128xf32, #tpu.memory_space<hbm>> -> memref<16384x128xf32, #tpu.memory_space<hbm>>
        tpu.enqueue_indirect_dma source(%dma_start3A_176 : memref<16384x128xf32, #tpu.memory_space<hbm>>) target(%dma_start3A_170 : memref<128x128xf32, #tpu.memory_space<vmem>>) offsets(%dma_start3A_173 : memref<128xi32, #tpu.memory_space<vmem>>) semaphore(%arg14 : memref<!tpu.dma_semaphore, #tpu.memory_space<semaphore_mem>>)
      } else {
      }
      %dma_wait3A = arith.constant 0 : i32
      %dma_wait3A_127 = arith.constant 0 : i32
      %dma_wait3A_128 = tpu.memref_slice %arg10[%rem3A_118, %dma_wait3A, %dma_wait3A_127] : memref<2x128x128xf32, #tpu.memory_space<vmem>> -> memref<1x128x128xf32, #tpu.memory_space<vmem>>
      %dma_wait3A_129 = tpu.memref_squeeze %dma_wait3A_128 : memref<1x128x128xf32, #tpu.memory_space<vmem>> -> memref<128x128xf32, #tpu.memory_space<vmem>>
      %dma_wait3A_130 = arith.constant 0 : i32
      %dma_wait3A_131 = tpu.memref_slice %arg7[%scan3A_117, %dma_wait3A_130] : memref<64x128xi32, #tpu.memory_space<vmem>> -> memref<1x128xi32, #tpu.memory_space<vmem>>
      %dma_wait3A_132 = tpu.memref_squeeze %dma_wait3A_131 : memref<1x128xi32, #tpu.memory_space<vmem>> -> memref<128xi32, #tpu.memory_space<vmem>>
      %dma_wait3A_133 = arith.constant 0 : i32
      %dma_wait3A_134 = arith.constant 0 : i32
      %dma_wait3A_135 = tpu.memref_slice %arg2[%dma_wait3A_133, %dma_wait3A_134] : memref<16384x128xf32, #tpu.memory_space<hbm>> -> memref<16384x128xf32, #tpu.memory_space<hbm>>
      tpu.wait_indirect_dma semaphore(%arg13 : memref<!tpu.dma_semaphore, #tpu.memory_space<semaphore_mem>>) src(%dma_wait3A_135 : memref<16384x128xf32, #tpu.memory_space<hbm>>) dst(%dma_wait3A_129 : memref<128x128xf32, #tpu.memory_space<vmem>>)
      %mul3A_136 = arith.constant 128 : i32
      %mul3A_137 = arith.muli %arg1, %mul3A_136 : i32
      "tpu.region"() ({
        %run_scoped3A = tpu.sem_alloc : memref<!tpu.dma_semaphore, #tpu.memory_space<semaphore_mem>>
        %dma_start3A_153 = arith.constant 0 : i32
        %dma_start3A_154 = arith.constant 0 : i32
        %dma_start3A_155 = tpu.memref_slice %arg10[%rem3A_118, %dma_start3A_153, %dma_start3A_154] : memref<2x128x128xf32, #tpu.memory_space<vmem>> -> memref<1x128x128xf32, #tpu.memory_space<vmem>>
        %dma_start3A_156 = tpu.memref_squeeze %dma_start3A_155 : memref<1x128x128xf32, #tpu.memory_space<vmem>> -> memref<128x128xf32, #tpu.memory_space<vmem>>
        %dma_start3A_157 = arith.constant 0 : i32
        %dma_start3A_158 = tpu.memref_slice %arg12[%mul3A_137, %dma_start3A_157] : memref<2048x128xf32, #tpu.memory_space<vmem_shared>> -> memref<128x128xf32, #tpu.memory_space<vmem_shared>>
        %dma_start3A_159 = arith.constant 0 : i32
        %dma_start3A_160 = tpu.memref_slice %arg12[%mul3A_137, %dma_start3A_159] : memref<2048x128xf32, #tpu.memory_space<vmem_shared>> -> memref<128x128xf32, #tpu.memory_space<vmem_shared>>
        %dma_start3A_161 = arith.constant 0 : i32
        %dma_start3A_162 = arith.constant 0 : i32
        %dma_start3A_163 = tpu.memref_slice %arg10[%rem3A_118, %dma_start3A_161, %dma_start3A_162] : memref<2x128x128xf32, #tpu.memory_space<vmem>> -> memref<1x128x128xf32, #tpu.memory_space<vmem>>
        %dma_start3A_164 = tpu.memref_squeeze %dma_start3A_163 : memref<1x128x128xf32, #tpu.memory_space<vmem>> -> memref<128x128xf32, #tpu.memory_space<vmem>>
        tpu.enqueue_dma source(%dma_start3A_164 : memref<128x128xf32, #tpu.memory_space<vmem>>) target(%dma_start3A_160 : memref<128x128xf32, #tpu.memory_space<vmem_shared>>) target_semaphore(%run_scoped3A : memref<!tpu.dma_semaphore, #tpu.memory_space<semaphore_mem>>)
        %dma_wait3A_165 = arith.constant 0 : i32
        %dma_wait3A_166 = arith.constant 0 : i32
        %dma_wait3A_167 = tpu.memref_slice %arg10[%rem3A_118, %dma_wait3A_165, %dma_wait3A_166] : memref<2x128x128xf32, #tpu.memory_space<vmem>> -> memref<1x128x128xf32, #tpu.memory_space<vmem>>
        %dma_wait3A_168 = tpu.memref_squeeze %dma_wait3A_167 : memref<1x128x128xf32, #tpu.memory_space<vmem>> -> memref<128x128xf32, #tpu.memory_space<vmem>>
        %dma_wait3A_169 = arith.constant 0 : i32
        %dma_wait3A_170 = tpu.memref_slice %arg12[%mul3A_137, %dma_wait3A_169] : memref<2048x128xf32, #tpu.memory_space<vmem_shared>> -> memref<128x128xf32, #tpu.memory_space<vmem_shared>>
        %dma_wait3A_171 = arith.constant 0 : i32
        %dma_wait3A_172 = tpu.memref_slice %arg12[%mul3A_137, %dma_wait3A_171] : memref<2048x128xf32, #tpu.memory_space<vmem_shared>> -> memref<128x128xf32, #tpu.memory_space<vmem_shared>>
        %dma_wait3A_173 = arith.constant 0 : i32
        %dma_wait3A_174 = arith.constant 0 : i32
        %dma_wait3A_175 = tpu.memref_slice %arg10[%rem3A_118, %dma_wait3A_173, %dma_wait3A_174] : memref<2x128x128xf32, #tpu.memory_space<vmem>> -> memref<1x128x128xf32, #tpu.memory_space<vmem>>
        %dma_wait3A_176 = tpu.memref_squeeze %dma_wait3A_175 : memref<1x128x128xf32, #tpu.memory_space<vmem>> -> memref<128x128xf32, #tpu.memory_space<vmem>>
        tpu.wait_dma2 semaphore(%run_scoped3A : memref<!tpu.dma_semaphore, #tpu.memory_space<semaphore_mem>>) src(%dma_wait3A_176 : memref<128x128xf32, #tpu.memory_space<vmem>>) dst(%dma_wait3A_172 : memref<128x128xf32, #tpu.memory_space<vmem_shared>>)
        tpu.yield
      }) : () -> ()
      %dma_wait3A_138 = arith.constant 0 : i32
      %dma_wait3A_139 = arith.constant 0 : i32
      %dma_wait3A_140 = tpu.memref_slice %arg11[%rem3A_118, %dma_wait3A_138, %dma_wait3A_139] : memref<2x128x128xf32, #tpu.memory_space<vmem>> -> memref<1x128x128xf32, #tpu.memory_space<vmem>>
      %dma_wait3A_141 = tpu.memref_squeeze %dma_wait3A_140 : memref<1x128x128xf32, #tpu.memory_space<vmem>> -> memref<128x128xf32, #tpu.memory_space<vmem>>
      %dma_wait3A_142 = arith.constant 0 : i32
      %dma_wait3A_143 = tpu.memref_slice %arg8[%scan3A_117, %dma_wait3A_142] : memref<64x128xi32, #tpu.memory_space<vmem>> -> memref<1x128xi32, #tpu.memory_space<vmem>>
      %dma_wait3A_144 = tpu.memref_squeeze %dma_wait3A_143 : memref<1x128xi32, #tpu.memory_space<vmem>> -> memref<128xi32, #tpu.memory_space<vmem>>
      %dma_wait3A_145 = arith.constant 0 : i32
      %dma_wait3A_146 = arith.constant 0 : i32
      %dma_wait3A_147 = tpu.memref_slice %arg3[%dma_wait3A_145, %dma_wait3A_146] : memref<16384x128xf32, #tpu.memory_space<hbm>> -> memref<16384x128xf32, #tpu.memory_space<hbm>>
      tpu.wait_indirect_dma semaphore(%arg14 : memref<!tpu.dma_semaphore, #tpu.memory_space<semaphore_mem>>) src(%dma_wait3A_147 : memref<16384x128xf32, #tpu.memory_space<hbm>>) dst(%dma_wait3A_141 : memref<128x128xf32, #tpu.memory_space<vmem>>)
      "tpu.region"() ({
        %run_scoped3A = tpu.sem_alloc : memref<!tpu.dma_semaphore, #tpu.memory_space<semaphore_mem>>
        %dma_start3A_153 = arith.constant 0 : i32
        %dma_start3A_154 = arith.constant 0 : i32
        %dma_start3A_155 = tpu.memref_slice %arg11[%rem3A_118, %dma_start3A_153, %dma_start3A_154] : memref<2x128x128xf32, #tpu.memory_space<vmem>> -> memref<1x128x128xf32, #tpu.memory_space<vmem>>
        %dma_start3A_156 = tpu.memref_squeeze %dma_start3A_155 : memref<1x128x128xf32, #tpu.memory_space<vmem>> -> memref<128x128xf32, #tpu.memory_space<vmem>>
        %dma_start3A_157 = arith.constant 0 : i32
        %dma_start3A_158 = arith.constant 0 : i32
        %dma_start3A_159 = tpu.memref_slice %arg12[%dma_start3A_157, %dma_start3A_158] : memref<2048x128xf32, #tpu.memory_space<vmem_shared>> -> memref<2048x128xf32, #tpu.memory_space<vmem_shared>>
        tpu.enqueue_indirect_dma source(%dma_start3A_156 : memref<128x128xf32, #tpu.memory_space<vmem>>) target(%dma_start3A_159 : memref<2048x128xf32, #tpu.memory_space<vmem_shared>>) offsets(%arg9 : memref<128xi32, #tpu.memory_space<vmem>>) semaphore(%run_scoped3A : memref<!tpu.dma_semaphore, #tpu.memory_space<semaphore_mem>>) {add = true}
        %dma_wait3A_160 = arith.constant 0 : i32
        %dma_wait3A_161 = arith.constant 0 : i32
        %dma_wait3A_162 = tpu.memref_slice %arg11[%rem3A_118, %dma_wait3A_160, %dma_wait3A_161] : memref<2x128x128xf32, #tpu.memory_space<vmem>> -> memref<1x128x128xf32, #tpu.memory_space<vmem>>
        %dma_wait3A_163 = tpu.memref_squeeze %dma_wait3A_162 : memref<1x128x128xf32, #tpu.memory_space<vmem>> -> memref<128x128xf32, #tpu.memory_space<vmem>>
        %dma_wait3A_164 = arith.constant 0 : i32
        %dma_wait3A_165 = arith.constant 0 : i32
        %dma_wait3A_166 = tpu.memref_slice %arg12[%dma_wait3A_164, %dma_wait3A_165] : memref<2048x128xf32, #tpu.memory_space<vmem_shared>> -> memref<2048x128xf32, #tpu.memory_space<vmem_shared>>
        tpu.wait_indirect_dma semaphore(%run_scoped3A : memref<!tpu.dma_semaphore, #tpu.memory_space<semaphore_mem>>) src(%dma_wait3A_163 : memref<128x128xf32, #tpu.memory_space<vmem>>) dst(%dma_wait3A_166 : memref<2048x128xf32, #tpu.memory_space<vmem_shared>>)
        tpu.yield
      }) : () -> ()
      %mul3A_148 = arith.constant 128 : i32
      %mul3A_149 = arith.muli %arg1, %mul3A_148 : i32
      %mul3A_150 = arith.constant 128 : i32
      %mul3A_151 = arith.muli %scan3A_117, %mul3A_150 : i32
      %add3A_152 = arith.addi %mul3A_2, %mul3A_151 : i32
      "tpu.region"() ({
        %run_scoped3A = tpu.sem_alloc : memref<!tpu.dma_semaphore, #tpu.memory_space<semaphore_mem>>
        %dma_start3A_153 = arith.constant 0 : i32
        %dma_start3A_154 = tpu.memref_slice %arg6[%add3A_152, %dma_start3A_153] : memref<262144x128xf32, #tpu.memory_space<hbm>> -> memref<128x128xf32, #tpu.memory_space<hbm>>
        %dma_start3A_155 = arith.constant 0 : i32
        %dma_start3A_156 = tpu.memref_slice %arg12[%mul3A_149, %dma_start3A_155] : memref<2048x128xf32, #tpu.memory_space<vmem_shared>> -> memref<128x128xf32, #tpu.memory_space<vmem_shared>>
        tpu.enqueue_dma source(%dma_start3A_156 : memref<128x128xf32, #tpu.memory_space<vmem_shared>>) target(%dma_start3A_154 : memref<128x128xf32, #tpu.memory_space<hbm>>) target_semaphore(%run_scoped3A : memref<!tpu.dma_semaphore, #tpu.memory_space<semaphore_mem>>)
        %dma_wait3A_157 = arith.constant 0 : i32
        %dma_wait3A_158 = tpu.memref_slice %arg6[%add3A_152, %dma_wait3A_157] : memref<262144x128xf32, #tpu.memory_space<hbm>> -> memref<128x128xf32, #tpu.memory_space<hbm>>
        %dma_wait3A_159 = arith.constant 0 : i32
        %dma_wait3A_160 = tpu.memref_slice %arg12[%mul3A_149, %dma_wait3A_159] : memref<2048x128xf32, #tpu.memory_space<vmem_shared>> -> memref<128x128xf32, #tpu.memory_space<vmem_shared>>
        tpu.wait_dma2 semaphore(%run_scoped3A : memref<!tpu.dma_semaphore, #tpu.memory_space<semaphore_mem>>) src(%dma_wait3A_160 : memref<128x128xf32, #tpu.memory_space<vmem_shared>>) dst(%dma_wait3A_158 : memref<128x128xf32, #tpu.memory_space<hbm>>)
        tpu.yield
      }) : () -> ()
    }
    %scan3A_116 = arith.constant 64 : i32
    return
  }
}

#map = affine_map<(d0, d1) -> (0, 0)>
#map1 = affine_map<(d0, d1) -> (0, 0, 0)>
module attributes {stable_mosaic.version = 14 : i64} {
  func.func @k(%arg0: i32, %arg1: i32, %arg2: memref<262144x128xf32, #tpu.memory_space<hbm>>, %arg3: memref<16x128x128xi32, #tpu.memory_space<hbm>>, %arg4: memref<512x128xf32, #tpu.memory_space<hbm>>, %arg5: memref<16384x128xf32, #tpu.memory_space<hbm>>, %arg6: memref<128x128xi32, #tpu.memory_space<vmem>>, %arg7: memref<128xi32, #tpu.memory_space<vmem>>, %arg8: memref<2x128x128xf32, #tpu.memory_space<vmem>>, %arg9: memref<8200x128xf32, #tpu.memory_space<vmem_shared>>, %arg10: memref<!tpu.dma_semaphore, #tpu.memory_space<semaphore_mem>>) attributes {dimension_semantics = [#tpu.dimension_semantics<core_parallel>, #tpu.dimension_semantics<subcore_parallel>], iteration_bounds = array<i64: 2, 16>, scalar_prefetch = 0 : i64, scratch_operands = 5 : i64, tpu.core_type = #tpu.core_type<sc_vector_subcore>, window_params = [{transform_indices = #map}, {transform_indices = #map1}, {transform_indices = #map}, {transform_indices = #map}]} {
    %mul3A = arith.constant 16384 : i32
    %mul3A_0 = arith.muli %arg1, %mul3A : i32
    %mul3A_1 = arith.constant 512 : i32
    %mul3A_2 = arith.muli %arg1, %mul3A_1 : i32
    %mul3A_3 = arith.constant 8192 : i32
    %mul3A_4 = arith.muli %arg0, %mul3A_3 : i32
    "tpu.region"() ({
      %run_scoped3A = tpu.sem_alloc : memref<!tpu.dma_semaphore, #tpu.memory_space<semaphore_mem>>
      %dma_start3A_23 = arith.constant 0 : i32
      %dma_start3A_24 = arith.constant 0 : i32
      %dma_start3A_25 = tpu.memref_slice %arg3[%arg1, %dma_start3A_23, %dma_start3A_24] : memref<16x128x128xi32, #tpu.memory_space<hbm>> -> memref<1x128x128xi32, #tpu.memory_space<hbm>>
      %dma_start3A_26 = tpu.memref_squeeze %dma_start3A_25 : memref<1x128x128xi32, #tpu.memory_space<hbm>> -> memref<128x128xi32, #tpu.memory_space<hbm>>
      %dma_start3A_27 = arith.constant 0 : i32
      %dma_start3A_28 = arith.constant 0 : i32
      %dma_start3A_29 = tpu.memref_slice %arg3[%arg1, %dma_start3A_27, %dma_start3A_28] : memref<16x128x128xi32, #tpu.memory_space<hbm>> -> memref<1x128x128xi32, #tpu.memory_space<hbm>>
      %dma_start3A_30 = tpu.memref_squeeze %dma_start3A_29 : memref<1x128x128xi32, #tpu.memory_space<hbm>> -> memref<128x128xi32, #tpu.memory_space<hbm>>
      tpu.enqueue_dma source(%dma_start3A_30 : memref<128x128xi32, #tpu.memory_space<hbm>>) target(%arg6 : memref<128x128xi32, #tpu.memory_space<vmem>>) target_semaphore(%run_scoped3A : memref<!tpu.dma_semaphore, #tpu.memory_space<semaphore_mem>>)
      %dma_wait3A = arith.constant 0 : i32
      %dma_wait3A_31 = arith.constant 0 : i32
      %dma_wait3A_32 = tpu.memref_slice %arg3[%arg1, %dma_wait3A, %dma_wait3A_31] : memref<16x128x128xi32, #tpu.memory_space<hbm>> -> memref<1x128x128xi32, #tpu.memory_space<hbm>>
      %dma_wait3A_33 = tpu.memref_squeeze %dma_wait3A_32 : memref<1x128x128xi32, #tpu.memory_space<hbm>> -> memref<128x128xi32, #tpu.memory_space<hbm>>
      %dma_wait3A_34 = arith.constant 0 : i32
      %dma_wait3A_35 = arith.constant 0 : i32
      %dma_wait3A_36 = tpu.memref_slice %arg3[%arg1, %dma_wait3A_34, %dma_wait3A_35] : memref<16x128x128xi32, #tpu.memory_space<hbm>> -> memref<1x128x128xi32, #tpu.memory_space<hbm>>
      %dma_wait3A_37 = tpu.memref_squeeze %dma_wait3A_36 : memref<1x128x128xi32, #tpu.memory_space<hbm>> -> memref<128x128xi32, #tpu.memory_space<hbm>>
      tpu.wait_dma2 semaphore(%run_scoped3A : memref<!tpu.dma_semaphore, #tpu.memory_space<semaphore_mem>>) src(%dma_wait3A_37 : memref<128x128xi32, #tpu.memory_space<hbm>>) dst(%arg6 : memref<128x128xi32, #tpu.memory_space<vmem>>)
      tpu.yield
    }) : () -> ()
    "tpu.region"() ({
      %run_scoped3A = tpu.sem_alloc : memref<!tpu.dma_semaphore, #tpu.memory_space<semaphore_mem>>
      %dma_start3A_23 = arith.constant 0 : i32
      %dma_start3A_24 = tpu.memref_slice %arg9[%mul3A_2, %dma_start3A_23] : memref<8200x128xf32, #tpu.memory_space<vmem_shared>> -> memref<512x128xf32, #tpu.memory_space<vmem_shared>>
      tpu.enqueue_dma source(%arg4 : memref<512x128xf32, #tpu.memory_space<hbm>>) target(%dma_start3A_24 : memref<512x128xf32, #tpu.memory_space<vmem_shared>>) target_semaphore(%run_scoped3A : memref<!tpu.dma_semaphore, #tpu.memory_space<semaphore_mem>>)
      %dma_wait3A = arith.constant 0 : i32
      %dma_wait3A_25 = tpu.memref_slice %arg9[%mul3A_2, %dma_wait3A] : memref<8200x128xf32, #tpu.memory_space<vmem_shared>> -> memref<512x128xf32, #tpu.memory_space<vmem_shared>>
      tpu.wait_dma2 semaphore(%run_scoped3A : memref<!tpu.dma_semaphore, #tpu.memory_space<semaphore_mem>>) src(%arg4 : memref<512x128xf32, #tpu.memory_space<hbm>>) dst(%dma_wait3A_25 : memref<512x128xf32, #tpu.memory_space<vmem_shared>>)
      tpu.yield
    }) : () -> ()
    %barrier3A = arith.constant 0 : index
    tpu.barrier barrier_id(%barrier3A)
    %dma_start3A = arith.constant 0 : i32
    %dma_start3A_5 = arith.constant 0 : i32
    %dma_start3A_6 = arith.constant 0 : i32
    %dma_start3A_7 = tpu.memref_slice %arg8[%dma_start3A, %dma_start3A_5, %dma_start3A_6] : memref<2x128x128xf32, #tpu.memory_space<vmem>> -> memref<1x128x128xf32, #tpu.memory_space<vmem>>
    %dma_start3A_8 = tpu.memref_squeeze %dma_start3A_7 : memref<1x128x128xf32, #tpu.memory_space<vmem>> -> memref<128x128xf32, #tpu.memory_space<vmem>>
    %dma_start3A_9 = arith.constant 0 : i32
    %dma_start3A_10 = tpu.memref_slice %arg2[%mul3A_0, %dma_start3A_9] : memref<262144x128xf32, #tpu.memory_space<hbm>> -> memref<128x128xf32, #tpu.memory_space<hbm>>
    %dma_start3A_11 = arith.constant 0 : i32
    %dma_start3A_12 = arith.constant 0 : i32
    %dma_start3A_13 = tpu.memref_slice %arg8[%dma_start3A, %dma_start3A_11, %dma_start3A_12] : memref<2x128x128xf32, #tpu.memory_space<vmem>> -> memref<1x128x128xf32, #tpu.memory_space<vmem>>
    %dma_start3A_14 = tpu.memref_squeeze %dma_start3A_13 : memref<1x128x128xf32, #tpu.memory_space<vmem>> -> memref<128x128xf32, #tpu.memory_space<vmem>>
    %dma_start3A_15 = arith.constant 0 : i32
    %dma_start3A_16 = tpu.memref_slice %arg2[%mul3A_0, %dma_start3A_15] : memref<262144x128xf32, #tpu.memory_space<hbm>> -> memref<128x128xf32, #tpu.memory_space<hbm>>
    tpu.enqueue_dma source(%dma_start3A_16 : memref<128x128xf32, #tpu.memory_space<hbm>>) target(%dma_start3A_14 : memref<128x128xf32, #tpu.memory_space<vmem>>) target_semaphore(%arg10 : memref<!tpu.dma_semaphore, #tpu.memory_space<semaphore_mem>>)
    %scan3A = arith.constant 0 : i32
    %scan3A_17 = arith.constant 0 : i32
    %scan3A_18 = arith.constant 128 : i32
    %scan3A_19 = arith.addi %scan3A_17, %scan3A_18 : i32
    %scan3A_20 = arith.constant 1 : i32
    scf.for %scan3A_23 = %scan3A_17 to %scan3A_19 step %scan3A_20  : i32 {
      %rem3A = arith.constant 2 : i32
      %rem3A_24 = arith.remsi %scan3A_23, %rem3A : i32
      %add3A_25 = arith.constant 1 : i32
      %add3A_26 = arith.addi %scan3A_23, %add3A_25 : i32
      %rem3A_27 = arith.constant 2 : i32
      %rem3A_28 = arith.remsi %add3A_26, %rem3A_27 : i32
      %add3A_29 = arith.constant 1 : i32
      %add3A_30 = arith.addi %scan3A_23, %add3A_29 : i32
      %lt3A = arith.constant 128 : i32
      %lt3A_31 = arith.cmpi slt, %add3A_30, %lt3A : i32
      %convert_element_type3A = arith.extui %lt3A_31 : i1 to i32
      %cond3A = arith.constant 0 : i32
      %cond3A_32 = arith.cmpi ne, %convert_element_type3A, %cond3A : i32
      scf.if %cond3A_32 {
        %add3A_199 = arith.constant 1 : i32
        %add3A_200 = arith.addi %scan3A_23, %add3A_199 : i32
        %mul3A_201 = arith.constant 128 : i32
        %mul3A_202 = arith.muli %add3A_200, %mul3A_201 : i32
        %add3A_203 = arith.addi %mul3A_0, %mul3A_202 : i32
        %dma_start3A_204 = arith.constant 0 : i32
        %dma_start3A_205 = arith.constant 0 : i32
        %dma_start3A_206 = tpu.memref_slice %arg8[%rem3A_28, %dma_start3A_204, %dma_start3A_205] : memref<2x128x128xf32, #tpu.memory_space<vmem>> -> memref<1x128x128xf32, #tpu.memory_space<vmem>>
        %dma_start3A_207 = tpu.memref_squeeze %dma_start3A_206 : memref<1x128x128xf32, #tpu.memory_space<vmem>> -> memref<128x128xf32, #tpu.memory_space<vmem>>
        %dma_start3A_208 = arith.constant 0 : i32
        %dma_start3A_209 = tpu.memref_slice %arg2[%add3A_203, %dma_start3A_208] : memref<262144x128xf32, #tpu.memory_space<hbm>> -> memref<128x128xf32, #tpu.memory_space<hbm>>
        %dma_start3A_210 = arith.constant 0 : i32
        %dma_start3A_211 = arith.constant 0 : i32
        %dma_start3A_212 = tpu.memref_slice %arg8[%rem3A_28, %dma_start3A_210, %dma_start3A_211] : memref<2x128x128xf32, #tpu.memory_space<vmem>> -> memref<1x128x128xf32, #tpu.memory_space<vmem>>
        %dma_start3A_213 = tpu.memref_squeeze %dma_start3A_212 : memref<1x128x128xf32, #tpu.memory_space<vmem>> -> memref<128x128xf32, #tpu.memory_space<vmem>>
        %dma_start3A_214 = arith.constant 0 : i32
        %dma_start3A_215 = tpu.memref_slice %arg2[%add3A_203, %dma_start3A_214] : memref<262144x128xf32, #tpu.memory_space<hbm>> -> memref<128x128xf32, #tpu.memory_space<hbm>>
        tpu.enqueue_dma source(%dma_start3A_215 : memref<128x128xf32, #tpu.memory_space<hbm>>) target(%dma_start3A_213 : memref<128x128xf32, #tpu.memory_space<vmem>>) target_semaphore(%arg10 : memref<!tpu.dma_semaphore, #tpu.memory_space<semaphore_mem>>)
      } else {
      }
      %get3A = arith.index_cast %scan3A_23 : i32 to index
      %get3A_33 = arith.constant 0 : index
      %get3A_34 = tpu.vector_load %arg6[%get3A, %get3A_33] {strides = array<i32>} : memref<128x128xi32, #tpu.memory_space<vmem>>, vector<1x16xi32>,
      %get3A_35 = vector.shape_cast %get3A_34 : vector<1x16xi32> to vector<16xi32>
      %sub3A = vector.broadcast %mul3A_4 : i32 to vector<16xi32>
      %sub3A_36 = arith.subi %get3A_35, %sub3A : vector<16xi32>
      %ge3A = arith.constant 0 : i32
      %ge3A_37 = vector.broadcast %ge3A : i32 to vector<16xi32>
      %ge3A_38 = arith.cmpi sge, %sub3A_36, %ge3A_37 : vector<16xi32>
      %lt3A_39 = arith.constant 8192 : i32
      %lt3A_40 = vector.broadcast %lt3A_39 : i32 to vector<16xi32>
      %lt3A_41 = arith.cmpi slt, %sub3A_36, %lt3A_40 : vector<16xi32>
      %and3A = arith.andi %ge3A_38, %lt3A_41 : vector<16xi1>
      %jit3A = arith.constant 8192 : i32
      %broadcast_in_dim3A = vector.broadcast %jit3A : i32 to vector<16xi32>
      %select_n3A = arith.select %and3A, %sub3A_36, %broadcast_in_dim3A : vector<16xi1>, vector<16xi32>
      %swap3A = arith.constant 0 : index
      %swap3A_42 = tpu.vector_load %arg7[%swap3A] {strides = array<i32>} : memref<128xi32, #tpu.memory_space<vmem>>, vector<16xi32>,
      %swap3A_43 = vector.shape_cast %swap3A_42 : vector<16xi32> to vector<16xi32>
      %swap3A_44 = vector.shape_cast %select_n3A : vector<16xi32> to vector<16xi32>
      tpu.vector_store %arg7[%swap3A], %swap3A_44 {strides = array<i32>} : memref<128xi32, #tpu.memory_space<vmem>>, vector<16xi32>,
      %get3A_45 = arith.index_cast %scan3A_23 : i32 to index
      %get3A_46 = arith.constant 16 : index
      %get3A_47 = tpu.vector_load %arg6[%get3A_45, %get3A_46] {strides = array<i32>} : memref<128x128xi32, #tpu.memory_space<vmem>>, vector<1x16xi32>,
      %get3A_48 = vector.shape_cast %get3A_47 : vector<1x16xi32> to vector<16xi32>
      %sub3A_49 = vector.broadcast %mul3A_4 : i32 to vector<16xi32>
      %sub3A_50 = arith.subi %get3A_48, %sub3A_49 : vector<16xi32>
      %ge3A_51 = arith.constant 0 : i32
      %ge3A_52 = vector.broadcast %ge3A_51 : i32 to vector<16xi32>
      %ge3A_53 = arith.cmpi sge, %sub3A_50, %ge3A_52 : vector<16xi32>
      %lt3A_54 = arith.constant 8192 : i32
      %lt3A_55 = vector.broadcast %lt3A_54 : i32 to vector<16xi32>
      %lt3A_56 = arith.cmpi slt, %sub3A_50, %lt3A_55 : vector<16xi32>
      %and3A_57 = arith.andi %ge3A_53, %lt3A_56 : vector<16xi1>
      %jit3A_58 = arith.constant 8192 : i32
      %broadcast_in_dim3A_59 = vector.broadcast %jit3A_58 : i32 to vector<16xi32>
      %select_n3A_60 = arith.select %and3A_57, %sub3A_50, %broadcast_in_dim3A_59 : vector<16xi1>, vector<16xi32>
      %swap3A_61 = arith.constant 16 : index
      %swap3A_62 = tpu.vector_load %arg7[%swap3A_61] {strides = array<i32>} : memref<128xi32, #tpu.memory_space<vmem>>, vector<16xi32>,
      %swap3A_63 = vector.shape_cast %swap3A_62 : vector<16xi32> to vector<16xi32>
      %swap3A_64 = vector.shape_cast %select_n3A_60 : vector<16xi32> to vector<16xi32>
      tpu.vector_store %arg7[%swap3A_61], %swap3A_64 {strides = array<i32>} : memref<128xi32, #tpu.memory_space<vmem>>, vector<16xi32>,
      %get3A_65 = arith.index_cast %scan3A_23 : i32 to index
      %get3A_66 = arith.constant 32 : index
      %get3A_67 = tpu.vector_load %arg6[%get3A_65, %get3A_66] {strides = array<i32>} : memref<128x128xi32, #tpu.memory_space<vmem>>, vector<1x16xi32>,
      %get3A_68 = vector.shape_cast %get3A_67 : vector<1x16xi32> to vector<16xi32>
      %sub3A_69 = vector.broadcast %mul3A_4 : i32 to vector<16xi32>
      %sub3A_70 = arith.subi %get3A_68, %sub3A_69 : vector<16xi32>
      %ge3A_71 = arith.constant 0 : i32
      %ge3A_72 = vector.broadcast %ge3A_71 : i32 to vector<16xi32>
      %ge3A_73 = arith.cmpi sge, %sub3A_70, %ge3A_72 : vector<16xi32>
      %lt3A_74 = arith.constant 8192 : i32
      %lt3A_75 = vector.broadcast %lt3A_74 : i32 to vector<16xi32>
      %lt3A_76 = arith.cmpi slt, %sub3A_70, %lt3A_75 : vector<16xi32>
      %and3A_77 = arith.andi %ge3A_73, %lt3A_76 : vector<16xi1>
      %jit3A_78 = arith.constant 8192 : i32
      %broadcast_in_dim3A_79 = vector.broadcast %jit3A_78 : i32 to vector<16xi32>
      %select_n3A_80 = arith.select %and3A_77, %sub3A_70, %broadcast_in_dim3A_79 : vector<16xi1>, vector<16xi32>
      %swap3A_81 = arith.constant 32 : index
      %swap3A_82 = tpu.vector_load %arg7[%swap3A_81] {strides = array<i32>} : memref<128xi32, #tpu.memory_space<vmem>>, vector<16xi32>,
      %swap3A_83 = vector.shape_cast %swap3A_82 : vector<16xi32> to vector<16xi32>
      %swap3A_84 = vector.shape_cast %select_n3A_80 : vector<16xi32> to vector<16xi32>
      tpu.vector_store %arg7[%swap3A_81], %swap3A_84 {strides = array<i32>} : memref<128xi32, #tpu.memory_space<vmem>>, vector<16xi32>,
      %get3A_85 = arith.index_cast %scan3A_23 : i32 to index
      %get3A_86 = arith.constant 48 : index
      %get3A_87 = tpu.vector_load %arg6[%get3A_85, %get3A_86] {strides = array<i32>} : memref<128x128xi32, #tpu.memory_space<vmem>>, vector<1x16xi32>,
      %get3A_88 = vector.shape_cast %get3A_87 : vector<1x16xi32> to vector<16xi32>
      %sub3A_89 = vector.broadcast %mul3A_4 : i32 to vector<16xi32>
      %sub3A_90 = arith.subi %get3A_88, %sub3A_89 : vector<16xi32>
      %ge3A_91 = arith.constant 0 : i32
      %ge3A_92 = vector.broadcast %ge3A_91 : i32 to vector<16xi32>
      %ge3A_93 = arith.cmpi sge, %sub3A_90, %ge3A_92 : vector<16xi32>
      %lt3A_94 = arith.constant 8192 : i32
      %lt3A_95 = vector.broadcast %lt3A_94 : i32 to vector<16xi32>
      %lt3A_96 = arith.cmpi slt, %sub3A_90, %lt3A_95 : vector<16xi32>
      %and3A_97 = arith.andi %ge3A_93, %lt3A_96 : vector<16xi1>
      %jit3A_98 = arith.constant 8192 : i32
      %broadcast_in_dim3A_99 = vector.broadcast %jit3A_98 : i32 to vector<16xi32>
      %select_n3A_100 = arith.select %and3A_97, %sub3A_90, %broadcast_in_dim3A_99 : vector<16xi1>, vector<16xi32>
      %swap3A_101 = arith.constant 48 : index
      %swap3A_102 = tpu.vector_load %arg7[%swap3A_101] {strides = array<i32>} : memref<128xi32, #tpu.memory_space<vmem>>, vector<16xi32>,
      %swap3A_103 = vector.shape_cast %swap3A_102 : vector<16xi32> to vector<16xi32>
      %swap3A_104 = vector.shape_cast %select_n3A_100 : vector<16xi32> to vector<16xi32>
      tpu.vector_store %arg7[%swap3A_101], %swap3A_104 {strides = array<i32>} : memref<128xi32, #tpu.memory_space<vmem>>, vector<16xi32>,
      %get3A_105 = arith.index_cast %scan3A_23 : i32 to index
      %get3A_106 = arith.constant 64 : index
      %get3A_107 = tpu.vector_load %arg6[%get3A_105, %get3A_106] {strides = array<i32>} : memref<128x128xi32, #tpu.memory_space<vmem>>, vector<1x16xi32>,
      %get3A_108 = vector.shape_cast %get3A_107 : vector<1x16xi32> to vector<16xi32>
      %sub3A_109 = vector.broadcast %mul3A_4 : i32 to vector<16xi32>
      %sub3A_110 = arith.subi %get3A_108, %sub3A_109 : vector<16xi32>
      %ge3A_111 = arith.constant 0 : i32
      %ge3A_112 = vector.broadcast %ge3A_111 : i32 to vector<16xi32>
      %ge3A_113 = arith.cmpi sge, %sub3A_110, %ge3A_112 : vector<16xi32>
      %lt3A_114 = arith.constant 8192 : i32
      %lt3A_115 = vector.broadcast %lt3A_114 : i32 to vector<16xi32>
      %lt3A_116 = arith.cmpi slt, %sub3A_110, %lt3A_115 : vector<16xi32>
      %and3A_117 = arith.andi %ge3A_113, %lt3A_116 : vector<16xi1>
      %jit3A_118 = arith.constant 8192 : i32
      %broadcast_in_dim3A_119 = vector.broadcast %jit3A_118 : i32 to vector<16xi32>
      %select_n3A_120 = arith.select %and3A_117, %sub3A_110, %broadcast_in_dim3A_119 : vector<16xi1>, vector<16xi32>
      %swap3A_121 = arith.constant 64 : index
      %swap3A_122 = tpu.vector_load %arg7[%swap3A_121] {strides = array<i32>} : memref<128xi32, #tpu.memory_space<vmem>>, vector<16xi32>,
      %swap3A_123 = vector.shape_cast %swap3A_122 : vector<16xi32> to vector<16xi32>
      %swap3A_124 = vector.shape_cast %select_n3A_120 : vector<16xi32> to vector<16xi32>
      tpu.vector_store %arg7[%swap3A_121], %swap3A_124 {strides = array<i32>} : memref<128xi32, #tpu.memory_space<vmem>>, vector<16xi32>,
      %get3A_125 = arith.index_cast %scan3A_23 : i32 to index
      %get3A_126 = arith.constant 80 : index
      %get3A_127 = tpu.vector_load %arg6[%get3A_125, %get3A_126] {strides = array<i32>} : memref<128x128xi32, #tpu.memory_space<vmem>>, vector<1x16xi32>,
      %get3A_128 = vector.shape_cast %get3A_127 : vector<1x16xi32> to vector<16xi32>
      %sub3A_129 = vector.broadcast %mul3A_4 : i32 to vector<16xi32>
      %sub3A_130 = arith.subi %get3A_128, %sub3A_129 : vector<16xi32>
      %ge3A_131 = arith.constant 0 : i32
      %ge3A_132 = vector.broadcast %ge3A_131 : i32 to vector<16xi32>
      %ge3A_133 = arith.cmpi sge, %sub3A_130, %ge3A_132 : vector<16xi32>
      %lt3A_134 = arith.constant 8192 : i32
      %lt3A_135 = vector.broadcast %lt3A_134 : i32 to vector<16xi32>
      %lt3A_136 = arith.cmpi slt, %sub3A_130, %lt3A_135 : vector<16xi32>
      %and3A_137 = arith.andi %ge3A_133, %lt3A_136 : vector<16xi1>
      %jit3A_138 = arith.constant 8192 : i32
      %broadcast_in_dim3A_139 = vector.broadcast %jit3A_138 : i32 to vector<16xi32>
      %select_n3A_140 = arith.select %and3A_137, %sub3A_130, %broadcast_in_dim3A_139 : vector<16xi1>, vector<16xi32>
      %swap3A_141 = arith.constant 80 : index
      %swap3A_142 = tpu.vector_load %arg7[%swap3A_141] {strides = array<i32>} : memref<128xi32, #tpu.memory_space<vmem>>, vector<16xi32>,
      %swap3A_143 = vector.shape_cast %swap3A_142 : vector<16xi32> to vector<16xi32>
      %swap3A_144 = vector.shape_cast %select_n3A_140 : vector<16xi32> to vector<16xi32>
      tpu.vector_store %arg7[%swap3A_141], %swap3A_144 {strides = array<i32>} : memref<128xi32, #tpu.memory_space<vmem>>, vector<16xi32>,
      %get3A_145 = arith.index_cast %scan3A_23 : i32 to index
      %get3A_146 = arith.constant 96 : index
      %get3A_147 = tpu.vector_load %arg6[%get3A_145, %get3A_146] {strides = array<i32>} : memref<128x128xi32, #tpu.memory_space<vmem>>, vector<1x16xi32>,
      %get3A_148 = vector.shape_cast %get3A_147 : vector<1x16xi32> to vector<16xi32>
      %sub3A_149 = vector.broadcast %mul3A_4 : i32 to vector<16xi32>
      %sub3A_150 = arith.subi %get3A_148, %sub3A_149 : vector<16xi32>
      %ge3A_151 = arith.constant 0 : i32
      %ge3A_152 = vector.broadcast %ge3A_151 : i32 to vector<16xi32>
      %ge3A_153 = arith.cmpi sge, %sub3A_150, %ge3A_152 : vector<16xi32>
      %lt3A_154 = arith.constant 8192 : i32
      %lt3A_155 = vector.broadcast %lt3A_154 : i32 to vector<16xi32>
      %lt3A_156 = arith.cmpi slt, %sub3A_150, %lt3A_155 : vector<16xi32>
      %and3A_157 = arith.andi %ge3A_153, %lt3A_156 : vector<16xi1>
      %jit3A_158 = arith.constant 8192 : i32
      %broadcast_in_dim3A_159 = vector.broadcast %jit3A_158 : i32 to vector<16xi32>
      %select_n3A_160 = arith.select %and3A_157, %sub3A_150, %broadcast_in_dim3A_159 : vector<16xi1>, vector<16xi32>
      %swap3A_161 = arith.constant 96 : index
      %swap3A_162 = tpu.vector_load %arg7[%swap3A_161] {strides = array<i32>} : memref<128xi32, #tpu.memory_space<vmem>>, vector<16xi32>,
      %swap3A_163 = vector.shape_cast %swap3A_162 : vector<16xi32> to vector<16xi32>
      %swap3A_164 = vector.shape_cast %select_n3A_160 : vector<16xi32> to vector<16xi32>
      tpu.vector_store %arg7[%swap3A_161], %swap3A_164 {strides = array<i32>} : memref<128xi32, #tpu.memory_space<vmem>>, vector<16xi32>,
      %get3A_165 = arith.index_cast %scan3A_23 : i32 to index
      %get3A_166 = arith.constant 112 : index
      %get3A_167 = tpu.vector_load %arg6[%get3A_165, %get3A_166] {strides = array<i32>} : memref<128x128xi32, #tpu.memory_space<vmem>>, vector<1x16xi32>,
      %get3A_168 = vector.shape_cast %get3A_167 : vector<1x16xi32> to vector<16xi32>
      %sub3A_169 = vector.broadcast %mul3A_4 : i32 to vector<16xi32>
      %sub3A_170 = arith.subi %get3A_168, %sub3A_169 : vector<16xi32>
      %ge3A_171 = arith.constant 0 : i32
      %ge3A_172 = vector.broadcast %ge3A_171 : i32 to vector<16xi32>
      %ge3A_173 = arith.cmpi sge, %sub3A_170, %ge3A_172 : vector<16xi32>
      %lt3A_174 = arith.constant 8192 : i32
      %lt3A_175 = vector.broadcast %lt3A_174 : i32 to vector<16xi32>
      %lt3A_176 = arith.cmpi slt, %sub3A_170, %lt3A_175 : vector<16xi32>
      %and3A_177 = arith.andi %ge3A_173, %lt3A_176 : vector<16xi1>
      %jit3A_178 = arith.constant 8192 : i32
      %broadcast_in_dim3A_179 = vector.broadcast %jit3A_178 : i32 to vector<16xi32>
      %select_n3A_180 = arith.select %and3A_177, %sub3A_170, %broadcast_in_dim3A_179 : vector<16xi1>, vector<16xi32>
      %swap3A_181 = arith.constant 112 : index
      %swap3A_182 = tpu.vector_load %arg7[%swap3A_181] {strides = array<i32>} : memref<128xi32, #tpu.memory_space<vmem>>, vector<16xi32>,
      %swap3A_183 = vector.shape_cast %swap3A_182 : vector<16xi32> to vector<16xi32>
      %swap3A_184 = vector.shape_cast %select_n3A_180 : vector<16xi32> to vector<16xi32>
      tpu.vector_store %arg7[%swap3A_181], %swap3A_184 {strides = array<i32>} : memref<128xi32, #tpu.memory_space<vmem>>, vector<16xi32>,
      %mul3A_185 = arith.constant 128 : i32
      %mul3A_186 = arith.muli %scan3A_23, %mul3A_185 : i32
      %add3A_187 = arith.addi %mul3A_0, %mul3A_186 : i32
      %dma_wait3A = arith.constant 0 : i32
      %dma_wait3A_188 = arith.constant 0 : i32
      %dma_wait3A_189 = tpu.memref_slice %arg8[%rem3A_24, %dma_wait3A, %dma_wait3A_188] : memref<2x128x128xf32, #tpu.memory_space<vmem>> -> memref<1x128x128xf32, #tpu.memory_space<vmem>>
      %dma_wait3A_190 = tpu.memref_squeeze %dma_wait3A_189 : memref<1x128x128xf32, #tpu.memory_space<vmem>> -> memref<128x128xf32, #tpu.memory_space<vmem>>
      %dma_wait3A_191 = arith.constant 0 : i32
      %dma_wait3A_192 = tpu.memref_slice %arg2[%add3A_187, %dma_wait3A_191] : memref<262144x128xf32, #tpu.memory_space<hbm>> -> memref<128x128xf32, #tpu.memory_space<hbm>>
      %dma_wait3A_193 = arith.constant 0 : i32
      %dma_wait3A_194 = arith.constant 0 : i32
      %dma_wait3A_195 = tpu.memref_slice %arg8[%rem3A_24, %dma_wait3A_193, %dma_wait3A_194] : memref<2x128x128xf32, #tpu.memory_space<vmem>> -> memref<1x128x128xf32, #tpu.memory_space<vmem>>
      %dma_wait3A_196 = tpu.memref_squeeze %dma_wait3A_195 : memref<1x128x128xf32, #tpu.memory_space<vmem>> -> memref<128x128xf32, #tpu.memory_space<vmem>>
      %dma_wait3A_197 = arith.constant 0 : i32
      %dma_wait3A_198 = tpu.memref_slice %arg2[%add3A_187, %dma_wait3A_197] : memref<262144x128xf32, #tpu.memory_space<hbm>> -> memref<128x128xf32, #tpu.memory_space<hbm>>
      tpu.wait_dma2 semaphore(%arg10 : memref<!tpu.dma_semaphore, #tpu.memory_space<semaphore_mem>>) src(%dma_wait3A_198 : memref<128x128xf32, #tpu.memory_space<hbm>>) dst(%dma_wait3A_196 : memref<128x128xf32, #tpu.memory_space<vmem>>)
      "tpu.region"() ({
        %run_scoped3A = tpu.sem_alloc : memref<!tpu.dma_semaphore, #tpu.memory_space<semaphore_mem>>
        %dma_start3A_199 = arith.constant 0 : i32
        %dma_start3A_200 = arith.constant 0 : i32
        %dma_start3A_201 = tpu.memref_slice %arg8[%rem3A_24, %dma_start3A_199, %dma_start3A_200] : memref<2x128x128xf32, #tpu.memory_space<vmem>> -> memref<1x128x128xf32, #tpu.memory_space<vmem>>
        %dma_start3A_202 = tpu.memref_squeeze %dma_start3A_201 : memref<1x128x128xf32, #tpu.memory_space<vmem>> -> memref<128x128xf32, #tpu.memory_space<vmem>>
        %dma_start3A_203 = arith.constant 0 : i32
        %dma_start3A_204 = arith.constant 0 : i32
        %dma_start3A_205 = tpu.memref_slice %arg9[%dma_start3A_203, %dma_start3A_204] : memref<8200x128xf32, #tpu.memory_space<vmem_shared>> -> memref<8200x128xf32, #tpu.memory_space<vmem_shared>>
        tpu.enqueue_indirect_dma source(%dma_start3A_202 : memref<128x128xf32, #tpu.memory_space<vmem>>) target(%dma_start3A_205 : memref<8200x128xf32, #tpu.memory_space<vmem_shared>>) offsets(%arg7 : memref<128xi32, #tpu.memory_space<vmem>>) semaphore(%run_scoped3A : memref<!tpu.dma_semaphore, #tpu.memory_space<semaphore_mem>>) {add = true}
        %dma_wait3A_206 = arith.constant 0 : i32
        %dma_wait3A_207 = arith.constant 0 : i32
        %dma_wait3A_208 = tpu.memref_slice %arg8[%rem3A_24, %dma_wait3A_206, %dma_wait3A_207] : memref<2x128x128xf32, #tpu.memory_space<vmem>> -> memref<1x128x128xf32, #tpu.memory_space<vmem>>
        %dma_wait3A_209 = tpu.memref_squeeze %dma_wait3A_208 : memref<1x128x128xf32, #tpu.memory_space<vmem>> -> memref<128x128xf32, #tpu.memory_space<vmem>>
        %dma_wait3A_210 = arith.constant 0 : i32
        %dma_wait3A_211 = arith.constant 0 : i32
        %dma_wait3A_212 = tpu.memref_slice %arg9[%dma_wait3A_210, %dma_wait3A_211] : memref<8200x128xf32, #tpu.memory_space<vmem_shared>> -> memref<8200x128xf32, #tpu.memory_space<vmem_shared>>
        tpu.wait_indirect_dma semaphore(%run_scoped3A : memref<!tpu.dma_semaphore, #tpu.memory_space<semaphore_mem>>) src(%dma_wait3A_209 : memref<128x128xf32, #tpu.memory_space<vmem>>) dst(%dma_wait3A_212 : memref<8200x128xf32, #tpu.memory_space<vmem_shared>>)
        tpu.yield
      }) : () -> ()
    }
    %scan3A_21 = arith.constant 128 : i32
    %barrier3A_22 = arith.constant 0 : index
    tpu.barrier barrier_id(%barrier3A_22)
    %add3A = arith.addi %mul3A_4, %mul3A_2 : i32
    "tpu.region"() ({
      %run_scoped3A = tpu.sem_alloc : memref<!tpu.dma_semaphore, #tpu.memory_space<semaphore_mem>>
      %dma_start3A_23 = arith.constant 0 : i32
      %dma_start3A_24 = tpu.memref_slice %arg5[%add3A, %dma_start3A_23] : memref<16384x128xf32, #tpu.memory_space<hbm>> -> memref<512x128xf32, #tpu.memory_space<hbm>>
      %dma_start3A_25 = arith.constant 0 : i32
      %dma_start3A_26 = tpu.memref_slice %arg9[%mul3A_2, %dma_start3A_25] : memref<8200x128xf32, #tpu.memory_space<vmem_shared>> -> memref<512x128xf32, #tpu.memory_space<vmem_shared>>
      tpu.enqueue_dma source(%dma_start3A_26 : memref<512x128xf32, #tpu.memory_space<vmem_shared>>) target(%dma_start3A_24 : memref<512x128xf32, #tpu.memory_space<hbm>>) target_semaphore(%run_scoped3A : memref<!tpu.dma_semaphore, #tpu.memory_space<semaphore_mem>>)
      %dma_wait3A = arith.constant 0 : i32
      %dma_wait3A_27 = tpu.memref_slice %arg5[%add3A, %dma_wait3A] : memref<16384x128xf32, #tpu.memory_space<hbm>> -> memref<512x128xf32, #tpu.memory_space<hbm>>
      %dma_wait3A_28 = arith.constant 0 : i32
      %dma_wait3A_29 = tpu.memref_slice %arg9[%mul3A_2, %dma_wait3A_28] : memref<8200x128xf32, #tpu.memory_space<vmem_shared>> -> memref<512x128xf32, #tpu.memory_space<vmem_shared>>
      tpu.wait_dma2 semaphore(%run_scoped3A : memref<!tpu.dma_semaphore, #tpu.memory_space<semaphore_mem>>) src(%dma_wait3A_29 : memref<512x128xf32, #tpu.memory_space<vmem_shared>>) dst(%dma_wait3A_27 : memref<512x128xf32, #tpu.memory_space<hbm>>)
      tpu.yield
    }) : () -> ()
    return
  }
}

module attributes {stable_mosaic.version = 14 : i64} {
  func.func @_prep_body(%arg0: i32, %arg1: memref<256x128xf32, #tpu.memory_space<vmem>>, %arg2: memref<8x128xf32, #tpu.memory_space<vmem>>, %arg3: memref<128x128xf32, #tpu.memory_space<vmem>>, %arg4: memref<128x128xf32, #tpu.memory_space<vmem>>, %arg5: memref<1x128xf32, #tpu.memory_space<vmem>>, %arg6: memref<256x128xf32, #tpu.memory_space<vmem>>, %arg7: memref<256x128xf32, #tpu.memory_space<vmem>>) attributes {dimension_semantics = [#tpu.dimension_semantics<arbitrary>], iteration_bounds = array<i64: 64>, scalar_prefetch = 0 : i64, scratch_operands = 0 : i64, tpu.core_type = #tpu.core_type<tc>, window_params = [{transform_indices = @transform_0, window_bounds = array<i64: 256, 128>}, {transform_indices = @transform_1, window_bounds = array<i64: 8, 128>}, {pipeline_mode = #tpu.pipeline_mode<synchronous>, transform_indices = @transform_2, window_bounds = array<i64: 128, 128>}, {pipeline_mode = #tpu.pipeline_mode<synchronous>, transform_indices = @transform_3, window_bounds = array<i64: 128, 128>}, {pipeline_mode = #tpu.pipeline_mode<synchronous>, transform_indices = @transform_4, window_bounds = array<i64: 1, 128>}, {transform_indices = @transform_5, window_bounds = array<i64: 256, 128>}, {transform_indices = @transform_6, window_bounds = array<i64: 256, 128>}]} {
    %get3A = arith.constant 0 : index
    %get3A_0 = arith.constant 0 : index
    %get3A_1 = vector.load %arg1[%get3A, %get3A_0] : memref<256x128xf32, #tpu.memory_space<vmem>>, vector<256x128xf32>
    %get3A_2 = arith.constant 0 : index
    %get3A_3 = arith.constant 0 : index
    %get3A_4 = vector.load %arg3[%get3A_2, %get3A_3] : memref<128x128xf32, #tpu.memory_space<vmem>>, vector<128x128xf32>
    %dot_general3A = arith.constant dense<0.000000e+00> : vector<256x128xf32>
    %dot_general3A_5 = tpu.matmul %get3A_1, %get3A_4, %dot_general3A {dimension_numbers = #tpu.dot_dimension_numbers<[1], [0], [0], [1], [0, 0, 1, 1], [], []>, transpose_lhs_hint = false} : vector<256x128xf32>, vector<128x128xf32>, vector<256x128xf32> -> vector<256x128xf32>
    %get3A_6 = arith.constant 0 : index
    %get3A_7 = arith.constant 0 : index
    %get3A_8 = vector.load %arg2[%get3A_6, %get3A_7] : memref<8x128xf32, #tpu.memory_space<vmem>>, vector<8x128xf32>
    %get3A_9 = arith.constant 0 : index
    %get3A_10 = arith.constant 0 : index
    %get3A_11 = vector.load %arg4[%get3A_9, %get3A_10] : memref<128x128xf32, #tpu.memory_space<vmem>>, vector<128x128xf32>
    %dot_general3A_12 = arith.constant dense<0.000000e+00> : vector<8x128xf32>
    %dot_general3A_13 = tpu.matmul %get3A_8, %get3A_11, %dot_general3A_12 {dimension_numbers = #tpu.dot_dimension_numbers<[1], [0], [0], [1], [0, 0, 1, 1], [], []>, transpose_lhs_hint = false} : vector<8x128xf32>, vector<128x128xf32>, vector<8x128xf32> -> vector<8x128xf32>
    %get3A_14 = arith.constant 0 : index
    %get3A_15 = arith.constant 0 : index
    %get3A_16 = vector.load %arg5[%get3A_14, %get3A_15] : memref<1x128xf32, #tpu.memory_space<vmem>>, vector<1x128xf32>
    %add3A = vector.broadcast %get3A_16 : vector<1x128xf32> to vector<8x128xf32>
    %add3A_17 = arith.addf %dot_general3A_13, %add3A : vector<8x128xf32>
    %broadcast_in_dim3A = vector.shape_cast %add3A_17 : vector<8x128xf32> to vector<8x1x128xf32>
    %broadcast_in_dim3A_18 = vector.shape_cast %broadcast_in_dim3A : vector<8x1x128xf32> to vector<8x1x128xf32>
    %broadcast_in_dim3A_19 = vector.broadcast %broadcast_in_dim3A_18 : vector<8x1x128xf32> to vector<8x32x128xf32>
    %reshape3A = vector.shape_cast %broadcast_in_dim3A_19 : vector<8x32x128xf32> to vector<256x128xf32>
    %swap3A = arith.constant 0 : index
    %swap3A_20 = arith.constant 0 : index
    %swap3A_21 = vector.load %arg6[%swap3A, %swap3A_20] : memref<256x128xf32, #tpu.memory_space<vmem>>, vector<256x128xf32>
    tpu.vector_store %arg6[%swap3A, %swap3A_20], %dot_general3A_5 {strides = array<i32>} : memref<256x128xf32, #tpu.memory_space<vmem>>, vector<256x128xf32>,
    %sub3A = arith.subf %reshape3A, %dot_general3A_5 : vector<256x128xf32>
    %swap3A_22 = arith.constant 0 : index
    %swap3A_23 = arith.constant 0 : index
    %swap3A_24 = vector.load %arg7[%swap3A_22, %swap3A_23] : memref<256x128xf32, #tpu.memory_space<vmem>>, vector<256x128xf32>
    tpu.vector_store %arg7[%swap3A_22, %swap3A_23], %sub3A {strides = array<i32>} : memref<256x128xf32, #tpu.memory_space<vmem>>, vector<256x128xf32>,
    return
  }
  func.func @transform_0(%arg0: i32) -> (i32, i32) {
    %c0_i32 = arith.constant 0 : i32
    %c0_i32_0 = arith.constant 0 : i32
    return %arg0, %c0_i32 : i32, i32
  }
  func.func @transform_1(%arg0: i32) -> (i32, i32) {
    %c0_i32 = arith.constant 0 : i32
    %c0_i32_0 = arith.constant 0 : i32
    return %arg0, %c0_i32 : i32, i32
  }
  func.func @transform_2(%arg0: i32) -> (i32, i32) {
    %c0_i32 = arith.constant 0 : i32
    %c0_i32_0 = arith.constant 0 : i32
    %c0_i32_1 = arith.constant 0 : i32
    return %c0_i32, %c0_i32_0 : i32, i32
  }
  func.func @transform_3(%arg0: i32) -> (i32, i32) {
    %c0_i32 = arith.constant 0 : i32
    %c0_i32_0 = arith.constant 0 : i32
    %c0_i32_1 = arith.constant 0 : i32
    return %c0_i32, %c0_i32_0 : i32, i32
  }
  func.func @transform_4(%arg0: i32) -> (i32, i32) {
    %c0_i32 = arith.constant 0 : i32
    %c0_i32_0 = arith.constant 0 : i32
    %c0_i32_1 = arith.constant 0 : i32
    return %c0_i32, %c0_i32_0 : i32, i32
  }
  func.func @transform_5(%arg0: i32) -> (i32, i32) {
    %c0_i32 = arith.constant 0 : i32
    %c0_i32_0 = arith.constant 0 : i32
    return %arg0, %c0_i32 : i32, i32
  }
  func.func @transform_6(%arg0: i32) -> (i32, i32) {
    %c0_i32 = arith.constant 0 : i32
    %c0_i32_0 = arith.constant 0 : i32
    return %arg0, %c0_i32 : i32, i32
  }
}

module attributes {stable_mosaic.version = 14 : i64} {
  func.func @_edge_body(%arg0: i32, %arg1: memref<512x128xf32, #tpu.memory_space<vmem>>, %arg2: memref<512x16xf32, #tpu.memory_space<vmem>>, %arg3: memref<1x1x512xi32, #tpu.memory_space<vmem>>, %arg4: memref<16x128xf32, #tpu.memory_space<vmem>>, %arg5: memref<128x128xf32, #tpu.memory_space<vmem>>, %arg6: memref<1x128xf32, #tpu.memory_space<vmem>>, %arg7: memref<128x128xf32, #tpu.memory_space<vmem>>, %arg8: memref<1x128xf32, #tpu.memory_space<vmem>>, %arg9: memref<512x128xf32, #tpu.memory_space<vmem>>, %arg10: memref<512x128xf32, #tpu.memory_space<vmem>>) attributes {dimension_semantics = [#tpu.dimension_semantics<arbitrary>], iteration_bounds = array<i64: 512>, scalar_prefetch = 0 : i64, scratch_operands = 0 : i64, tpu.core_type = #tpu.core_type<tc>, window_params = [{transform_indices = @transform_0, window_bounds = array<i64: 512, 128>}, {transform_indices = @transform_1, window_bounds = array<i64: 512, 16>}, {transform_indices = @transform_2, window_bounds = array<i64: 1, 1, 512>}, {pipeline_mode = #tpu.pipeline_mode<synchronous>, transform_indices = @transform_3, window_bounds = array<i64: 16, 128>}, {pipeline_mode = #tpu.pipeline_mode<synchronous>, transform_indices = @transform_4, window_bounds = array<i64: 128, 128>}, {pipeline_mode = #tpu.pipeline_mode<synchronous>, transform_indices = @transform_5, window_bounds = array<i64: 1, 128>}, {pipeline_mode = #tpu.pipeline_mode<synchronous>, transform_indices = @transform_6, window_bounds = array<i64: 128, 128>}, {pipeline_mode = #tpu.pipeline_mode<synchronous>, transform_indices = @transform_7, window_bounds = array<i64: 1, 128>}, {transform_indices = @transform_8, window_bounds = array<i64: 512, 128>}, {pipeline_mode = #tpu.pipeline_mode<synchronous>, transform_indices = @transform_9, window_bounds = array<i64: 512, 128>}]} {
    %get3A = arith.constant 0 : index
    %get3A_0 = arith.constant 0 : index
    %get3A_1 = vector.load %arg1[%get3A, %get3A_0] : memref<512x128xf32, #tpu.memory_space<vmem>>, vector<512x128xf32>
    %get3A_2 = arith.constant 0 : index
    %get3A_3 = arith.constant 0 : index
    %get3A_4 = vector.load %arg2[%get3A_2, %get3A_3] : memref<512x16xf32, #tpu.memory_space<vmem>>, vector<512x16xf32>
    %get3A_5 = arith.constant 0 : index
    %get3A_6 = arith.constant 0 : index
    %get3A_7 = vector.load %arg4[%get3A_5, %get3A_6] : memref<16x128xf32, #tpu.memory_space<vmem>>, vector<16x128xf32>
    %dot_general3A = arith.constant dense<0.000000e+00> : vector<512x128xf32>
    %dot_general3A_8 = tpu.matmul %get3A_4, %get3A_7, %dot_general3A {dimension_numbers = #tpu.dot_dimension_numbers<[1], [0], [0], [1], [0, 0, 1, 1], [], []>, transpose_lhs_hint = false} : vector<512x16xf32>, vector<16x128xf32>, vector<512x128xf32> -> vector<512x128xf32>
    %add3A = arith.addf %get3A_1, %dot_general3A_8 : vector<512x128xf32>
    %max3A = arith.constant 0.000000e+00 : f32
    %max3A_9 = vector.broadcast %max3A : f32 to vector<512x128xf32>
    %max3A_10 = arith.maximumf %add3A, %max3A_9 : vector<512x128xf32>
    %get3A_11 = arith.constant 0 : index
    %get3A_12 = arith.constant 0 : index
    %get3A_13 = vector.load %arg5[%get3A_11, %get3A_12] : memref<128x128xf32, #tpu.memory_space<vmem>>, vector<128x128xf32>
    %dot_general3A_14 = arith.constant dense<0.000000e+00> : vector<512x128xf32>
    %dot_general3A_15 = tpu.matmul %max3A_10, %get3A_13, %dot_general3A_14 {dimension_numbers = #tpu.dot_dimension_numbers<[1], [0], [0], [1], [0, 0, 1, 1], [], []>, transpose_lhs_hint = false} : vector<512x128xf32>, vector<128x128xf32>, vector<512x128xf32> -> vector<512x128xf32>
    %get3A_16 = arith.constant 0 : index
    %get3A_17 = arith.constant 0 : index
    %get3A_18 = vector.load %arg6[%get3A_16, %get3A_17] : memref<1x128xf32, #tpu.memory_space<vmem>>, vector<1x128xf32>
    %add3A_19 = vector.broadcast %get3A_18 : vector<1x128xf32> to vector<512x128xf32>
    %add3A_20 = arith.addf %dot_general3A_15, %add3A_19 : vector<512x128xf32>
    %max3A_21 = arith.constant 0.000000e+00 : f32
    %max3A_22 = vector.broadcast %max3A_21 : f32 to vector<512x128xf32>
    %max3A_23 = arith.maximumf %add3A_20, %max3A_22 : vector<512x128xf32>
    %get3A_24 = arith.constant 0 : index
    %get3A_25 = arith.constant 0 : index
    %get3A_26 = vector.load %arg7[%get3A_24, %get3A_25] : memref<128x128xf32, #tpu.memory_space<vmem>>, vector<128x128xf32>
    %dot_general3A_27 = arith.constant dense<0.000000e+00> : vector<512x128xf32>
    %dot_general3A_28 = tpu.matmul %max3A_23, %get3A_26, %dot_general3A_27 {dimension_numbers = #tpu.dot_dimension_numbers<[1], [0], [0], [1], [0, 0, 1, 1], [], []>, transpose_lhs_hint = false} : vector<512x128xf32>, vector<128x128xf32>, vector<512x128xf32> -> vector<512x128xf32>
    %get3A_29 = arith.constant 0 : index
    %get3A_30 = arith.constant 0 : index
    %get3A_31 = vector.load %arg8[%get3A_29, %get3A_30] : memref<1x128xf32, #tpu.memory_space<vmem>>, vector<1x128xf32>
    %add3A_32 = vector.broadcast %get3A_31 : vector<1x128xf32> to vector<512x128xf32>
    %add3A_33 = arith.addf %dot_general3A_28, %add3A_32 : vector<512x128xf32>
    %swap3A = arith.constant 0 : index
    %swap3A_34 = arith.constant 0 : index
    %swap3A_35 = vector.load %arg9[%swap3A, %swap3A_34] : memref<512x128xf32, #tpu.memory_space<vmem>>, vector<512x128xf32>
    tpu.vector_store %arg9[%swap3A, %swap3A_34], %add3A_33 {strides = array<i32>} : memref<512x128xf32, #tpu.memory_space<vmem>>, vector<512x128xf32>,
    %get3A_36 = arith.constant 0 : index
    %get3A_37 = arith.constant 0 : index
    %get3A_38 = arith.constant 0 : index
    %get3A_39 = vector.load %arg3[%get3A_36, %get3A_37, %get3A_38] : memref<1x1x512xi32, #tpu.memory_space<vmem>>, vector<1x1x512xi32>
    %get3A_40 = vector.shape_cast %get3A_39 : vector<1x1x512xi32> to vector<512xi32>
    %shift_right_arithmetic3A = arith.constant 5 : i32
    %shift_right_arithmetic3A_41 = vector.broadcast %shift_right_arithmetic3A : i32 to vector<512xi32>
    %shift_right_arithmetic3A_42 = arith.shrsi %get3A_40, %shift_right_arithmetic3A_41 : vector<512xi32>
    %iota3A = tpu.iota {dimensions = array<i32: 0>} : vector<512x512xi32>
    %broadcast_in_dim3A = vector.shape_cast %shift_right_arithmetic3A_42 : vector<512xi32> to vector<1x512xi32>
    %eq3A = vector.broadcast %broadcast_in_dim3A : vector<1x512xi32> to vector<512x512xi32>
    %eq3A_43 = arith.cmpi eq, %iota3A, %eq3A : vector<512x512xi32>
    %convert_element_type3A = arith.extui %eq3A_43 : vector<512x512xi1> to vector<512x512xi32>
    %convert_element_type3A_44 = arith.sitofp %convert_element_type3A : vector<512x512xi32> to vector<512x512xf32>
    %reduce_sum3A = arith.constant dense<0.000000e+00> : vector<512xf32>
    %reduce_sum3A_45 = vector.multi_reduction <add>, %convert_element_type3A_44, %reduce_sum3A [1] : vector<512x512xf32> to vector<512xf32>
    %broadcast_in_dim3A_46 = vector.shape_cast %reduce_sum3A_45 : vector<512xf32> to vector<512x1xf32>
    %broadcast_in_dim3A_47 = vector.shape_cast %broadcast_in_dim3A_46 : vector<512x1xf32> to vector<512x1xf32>
    %broadcast_in_dim3A_48 = vector.broadcast %broadcast_in_dim3A_47 : vector<512x1xf32> to vector<512x128xf32>
    %eq3A_49 = arith.constant 0 : i32
    %eq3A_50 = arith.cmpi eq, %arg0, %eq3A_49 : i32
    %convert_element_type3A_51 = arith.extui %eq3A_50 : i1 to i32
    %cond3A = arith.constant 0 : i32
    %cond3A_52 = arith.cmpi ne, %convert_element_type3A_51, %cond3A : i32
    scf.if %cond3A_52 {
      %broadcast_in_dim3A_60 = arith.constant 0.000000e+00 : f32
      %broadcast_in_dim3A_61 = vector.broadcast %broadcast_in_dim3A_60 : f32 to vector<512x128xf32>
      %swap3A_62 = arith.constant 0 : index
      %swap3A_63 = arith.constant 0 : index
      %swap3A_64 = vector.load %arg10[%swap3A_62, %swap3A_63] : memref<512x128xf32, #tpu.memory_space<vmem>>, vector<512x128xf32>
      tpu.vector_store %arg10[%swap3A_62, %swap3A_63], %broadcast_in_dim3A_61 {strides = array<i32>} : memref<512x128xf32, #tpu.memory_space<vmem>>, vector<512x128xf32>,
    } else {
    }
    %get3A_53 = arith.constant 0 : index
    %get3A_54 = arith.constant 0 : index
    %get3A_55 = vector.load %arg10[%get3A_53, %get3A_54] : memref<512x128xf32, #tpu.memory_space<vmem>>, vector<512x128xf32>
    %add3A_56 = arith.addf %get3A_55, %broadcast_in_dim3A_48 : vector<512x128xf32>
    %swap3A_57 = arith.constant 0 : index
    %swap3A_58 = arith.constant 0 : index
    %swap3A_59 = vector.load %arg10[%swap3A_57, %swap3A_58] : memref<512x128xf32, #tpu.memory_space<vmem>>, vector<512x128xf32>
    tpu.vector_store %arg10[%swap3A_57, %swap3A_58], %add3A_56 {strides = array<i32>} : memref<512x128xf32, #tpu.memory_space<vmem>>, vector<512x128xf32>,
    return
  }
  func.func @transform_0(%arg0: i32) -> (i32, i32) {
    %c0_i32 = arith.constant 0 : i32
    %c0_i32_0 = arith.constant 0 : i32
    return %arg0, %c0_i32 : i32, i32
  }
  func.func @transform_1(%arg0: i32) -> (i32, i32) {
    %c0_i32 = arith.constant 0 : i32
    %c0_i32_0 = arith.constant 0 : i32
    return %arg0, %c0_i32 : i32, i32
  }
  func.func @transform_2(%arg0: i32) -> (i32, i32, i32) {
    %c0_i32 = arith.constant 0 : i32
    %c0_i32_0 = arith.constant 0 : i32
    %c0_i32_1 = arith.constant 0 : i32
    return %arg0, %c0_i32, %c0_i32_0 : i32, i32, i32
  }
  func.func @transform_3(%arg0: i32) -> (i32, i32) {
    %c0_i32 = arith.constant 0 : i32
    %c0_i32_0 = arith.constant 0 : i32
    %c0_i32_1 = arith.constant 0 : i32
    return %c0_i32, %c0_i32_0 : i32, i32
  }
  func.func @transform_4(%arg0: i32) -> (i32, i32) {
    %c0_i32 = arith.constant 0 : i32
    %c0_i32_0 = arith.constant 0 : i32
    %c0_i32_1 = arith.constant 0 : i32
    return %c0_i32, %c0_i32_0 : i32, i32
  }
  func.func @transform_5(%arg0: i32) -> (i32, i32) {
    %c0_i32 = arith.constant 0 : i32
    %c0_i32_0 = arith.constant 0 : i32
    %c0_i32_1 = arith.constant 0 : i32
    return %c0_i32, %c0_i32_0 : i32, i32
  }
  func.func @transform_6(%arg0: i32) -> (i32, i32) {
    %c0_i32 = arith.constant 0 : i32
    %c0_i32_0 = arith.constant 0 : i32
    %c0_i32_1 = arith.constant 0 : i32
    return %c0_i32, %c0_i32_0 : i32, i32
  }
  func.func @transform_7(%arg0: i32) -> (i32, i32) {
    %c0_i32 = arith.constant 0 : i32
    %c0_i32_0 = arith.constant 0 : i32
    %c0_i32_1 = arith.constant 0 : i32
    return %c0_i32, %c0_i32_0 : i32, i32
  }
  func.func @transform_8(%arg0: i32) -> (i32, i32) {
    %c0_i32 = arith.constant 0 : i32
    %c0_i32_0 = arith.constant 0 : i32
    return %arg0, %c0_i32 : i32, i32
  }
  func.func @transform_9(%arg0: i32) -> (i32, i32) {
    %c0_i32 = arith.constant 0 : i32
    %c0_i32_0 = arith.constant 0 : i32
    %c0_i32_1 = arith.constant 0 : i32
    return %c0_i32, %c0_i32_0 : i32, i32
  }
}

module attributes {stable_mosaic.version = 14 : i64} {
  func.func @_att_body(%arg0: i32, %arg1: memref<256x128xf32, #tpu.memory_space<vmem>>, %arg2: memref<256x128xf32, #tpu.memory_space<vmem>>, %arg3: memref<256x128xf32, #tpu.memory_space<vmem>>) attributes {dimension_semantics = [#tpu.dimension_semantics<arbitrary>], iteration_bounds = array<i64: 64>, scalar_prefetch = 0 : i64, scratch_operands = 0 : i64, tpu.core_type = #tpu.core_type<tc>, window_params = [{transform_indices = @transform_0, window_bounds = array<i64: 256, 128>}, {transform_indices = @transform_1, window_bounds = array<i64: 256, 128>}, {transform_indices = @transform_2, window_bounds = array<i64: 256, 128>}]} {
    %get3A = arith.constant 0 : index
    %get3A_0 = arith.constant 0 : index
    %get3A_1 = vector.load %arg1[%get3A, %get3A_0] : memref<256x128xf32, #tpu.memory_space<vmem>>, vector<256x128xf32>
    %get3A_2 = arith.constant 0 : index
    %get3A_3 = arith.constant 0 : index
    %get3A_4 = vector.load %arg2[%get3A_2, %get3A_3] : memref<256x128xf32, #tpu.memory_space<vmem>>, vector<256x128xf32>
    %mul3A = arith.mulf %get3A_1, %get3A_1 : vector<256x128xf32>
    %reduce_sum3A = arith.constant dense<0.000000e+00> : vector<256xf32>
    %reduce_sum3A_5 = vector.multi_reduction <add>, %mul3A, %reduce_sum3A [1] : vector<256x128xf32> to vector<256xf32>
    %broadcast_in_dim3A = vector.shape_cast %reduce_sum3A_5 : vector<256xf32> to vector<256x1xf32>
    %sqrt3A = math.sqrt %broadcast_in_dim3A : vector<256x1xf32>
    %mul3A_6 = arith.mulf %get3A_4, %get3A_4 : vector<256x128xf32>
    %reduce_sum3A_7 = arith.constant dense<0.000000e+00> : vector<256xf32>
    %reduce_sum3A_8 = vector.multi_reduction <add>, %mul3A_6, %reduce_sum3A_7 [1] : vector<256x128xf32> to vector<256xf32>
    %broadcast_in_dim3A_9 = vector.shape_cast %reduce_sum3A_8 : vector<256xf32> to vector<256x1xf32>
    %sqrt3A_10 = math.sqrt %broadcast_in_dim3A_9 : vector<256x1xf32>
    %dot_general3A = arith.constant dense<0.000000e+00> : vector<256x256xf32>
    %dot_general3A_11 = tpu.matmul %get3A_1, %get3A_4, %dot_general3A {dimension_numbers = #tpu.dot_dimension_numbers<[1], [1], [0], [0], [0, 0, 1, 0], [], []>, transpose_lhs_hint = false} : vector<256x128xf32>, vector<256x128xf32>, vector<256x256xf32> -> vector<256x256xf32>
    %transpose3A = tpu.transpose %sqrt3A_10, [1, 0] : vector<256x1xf32> -> vector<1x256xf32>
    %mul3A_12 = vector.broadcast %sqrt3A : vector<256x1xf32> to vector<256x256xf32>
    %mul3A_13 = vector.broadcast %transpose3A : vector<1x256xf32> to vector<256x256xf32>
    %mul3A_14 = arith.mulf %mul3A_12, %mul3A_13 : vector<256x256xf32>
    %add3A = arith.constant 9.99999971E-10 : f32
    %add3A_15 = vector.broadcast %add3A : f32 to vector<256x256xf32>
    %add3A_16 = arith.addf %mul3A_14, %add3A_15 : vector<256x256xf32>
    %iota3A = tpu.iota {dimensions = array<i32: 0>} : vector<256x256xi32>
    %jit3A = arith.constant 32 : i32
    %div3A = vector.broadcast %jit3A : i32 to vector<256x256xi32>
    %div3A_17 = arith.divsi %iota3A, %div3A : vector<256x256xi32>
    %sign3A = arith.constant 0 : i32
    %sign3A_18 = vector.broadcast %sign3A : i32 to vector<256x256xi32>
    %sign3A_19 = arith.cmpi sgt, %iota3A, %sign3A_18 : vector<256x256xi32>
    %sign3A_20 = arith.extui %sign3A_19 : vector<256x256xi1> to vector<256x256xi32>
    %sign3A_21 = arith.constant 0 : i32
    %sign3A_22 = vector.broadcast %sign3A_21 : i32 to vector<256x256xi32>
    %sign3A_23 = arith.cmpi slt, %iota3A, %sign3A_22 : vector<256x256xi32>
    %sign3A_24 = arith.extui %sign3A_23 : vector<256x256xi1> to vector<256x256xi32>
    %sign3A_25 = arith.subi %sign3A_20, %sign3A_24 : vector<256x256xi32>
    %sign3A_26 = arith.constant 0 : i32
    %sign3A_27 = arith.cmpi sgt, %jit3A, %sign3A_26 : i32
    %sign3A_28 = arith.extui %sign3A_27 : i1 to i32
    %sign3A_29 = arith.constant 0 : i32
    %sign3A_30 = arith.cmpi slt, %jit3A, %sign3A_29 : i32
    %sign3A_31 = arith.extui %sign3A_30 : i1 to i32
    %sign3A_32 = arith.subi %sign3A_28, %sign3A_31 : i32
    %ne3A = vector.broadcast %sign3A_32 : i32 to vector<256x256xi32>
    %ne3A_33 = arith.cmpi ne, %sign3A_25, %ne3A : vector<256x256xi32>
    %rem3A = vector.broadcast %jit3A : i32 to vector<256x256xi32>
    %rem3A_34 = arith.remsi %iota3A, %rem3A : vector<256x256xi32>
    %ne3A_35 = arith.constant 0 : i32
    %ne3A_36 = vector.broadcast %ne3A_35 : i32 to vector<256x256xi32>
    %ne3A_37 = arith.cmpi ne, %rem3A_34, %ne3A_36 : vector<256x256xi32>
    %and3A = arith.andi %ne3A_33, %ne3A_37 : vector<256x256xi1>
    %sub3A = arith.constant 1 : i32
    %sub3A_38 = vector.broadcast %sub3A : i32 to vector<256x256xi32>
    %sub3A_39 = arith.subi %div3A_17, %sub3A_38 : vector<256x256xi32>
    %select_n3A = arith.select %and3A, %sub3A_39, %div3A_17 : vector<256x256xi1>, vector<256x256xi32>
    %iota3A_40 = tpu.iota {dimensions = array<i32: 1>} : vector<256x256xi32>
    %jit3A_41 = arith.constant 32 : i32
    %div3A_42 = vector.broadcast %jit3A_41 : i32 to vector<256x256xi32>
    %div3A_43 = arith.divsi %iota3A_40, %div3A_42 : vector<256x256xi32>
    %sign3A_44 = arith.constant 0 : i32
    %sign3A_45 = vector.broadcast %sign3A_44 : i32 to vector<256x256xi32>
    %sign3A_46 = arith.cmpi sgt, %iota3A_40, %sign3A_45 : vector<256x256xi32>
    %sign3A_47 = arith.extui %sign3A_46 : vector<256x256xi1> to vector<256x256xi32>
    %sign3A_48 = arith.constant 0 : i32
    %sign3A_49 = vector.broadcast %sign3A_48 : i32 to vector<256x256xi32>
    %sign3A_50 = arith.cmpi slt, %iota3A_40, %sign3A_49 : vector<256x256xi32>
    %sign3A_51 = arith.extui %sign3A_50 : vector<256x256xi1> to vector<256x256xi32>
    %sign3A_52 = arith.subi %sign3A_47, %sign3A_51 : vector<256x256xi32>
    %sign3A_53 = arith.constant 0 : i32
    %sign3A_54 = arith.cmpi sgt, %jit3A_41, %sign3A_53 : i32
    %sign3A_55 = arith.extui %sign3A_54 : i1 to i32
    %sign3A_56 = arith.constant 0 : i32
    %sign3A_57 = arith.cmpi slt, %jit3A_41, %sign3A_56 : i32
    %sign3A_58 = arith.extui %sign3A_57 : i1 to i32
    %sign3A_59 = arith.subi %sign3A_55, %sign3A_58 : i32
    %ne3A_60 = vector.broadcast %sign3A_59 : i32 to vector<256x256xi32>
    %ne3A_61 = arith.cmpi ne, %sign3A_52, %ne3A_60 : vector<256x256xi32>
    %rem3A_62 = vector.broadcast %jit3A_41 : i32 to vector<256x256xi32>
    %rem3A_63 = arith.remsi %iota3A_40, %rem3A_62 : vector<256x256xi32>
    %ne3A_64 = arith.constant 0 : i32
    %ne3A_65 = vector.broadcast %ne3A_64 : i32 to vector<256x256xi32>
    %ne3A_66 = arith.cmpi ne, %rem3A_63, %ne3A_65 : vector<256x256xi32>
    %and3A_67 = arith.andi %ne3A_61, %ne3A_66 : vector<256x256xi1>
    %sub3A_68 = arith.constant 1 : i32
    %sub3A_69 = vector.broadcast %sub3A_68 : i32 to vector<256x256xi32>
    %sub3A_70 = arith.subi %div3A_43, %sub3A_69 : vector<256x256xi32>
    %select_n3A_71 = arith.select %and3A_67, %sub3A_70, %div3A_43 : vector<256x256xi1>, vector<256x256xi32>
    %eq3A = arith.cmpi eq, %select_n3A, %select_n3A_71 : vector<256x256xi32>
    %div3A_72 = arith.divf %dot_general3A_11, %add3A_16 : vector<256x256xf32>
    %jit3A_73 = arith.constant -1.000000e+30 : f32
    %broadcast_in_dim3A_74 = vector.broadcast %jit3A_73 : f32 to vector<256x256xf32>
    %select_n3A_75 = arith.select %eq3A, %div3A_72, %broadcast_in_dim3A_74 : vector<256x256xi1>, vector<256x256xf32>
    %reduce_max3A = arith.constant dense<0xFF800000> : vector<256xf32>
    %reduce_max3A_76 = vector.multi_reduction <maximumf>, %select_n3A_75, %reduce_max3A [1] : vector<256x256xf32> to vector<256xf32>
    %broadcast_in_dim3A_77 = vector.shape_cast %reduce_max3A_76 : vector<256xf32> to vector<256x1xf32>
    %sub3A_78 = vector.broadcast %broadcast_in_dim3A_77 : vector<256x1xf32> to vector<256x256xf32>
    %sub3A_79 = arith.subf %select_n3A_75, %sub3A_78 : vector<256x256xf32>
    %exp3A = math.exp %sub3A_79 : vector<256x256xf32>
    %reduce_sum3A_80 = arith.constant dense<0.000000e+00> : vector<256xf32>
    %reduce_sum3A_81 = vector.multi_reduction <add>, %exp3A, %reduce_sum3A_80 [1] : vector<256x256xf32> to vector<256xf32>
    %broadcast_in_dim3A_82 = vector.shape_cast %reduce_sum3A_81 : vector<256xf32> to vector<256x1xf32>
    %add3A_83 = arith.constant 9.99999971E-10 : f32
    %add3A_84 = vector.broadcast %add3A_83 : f32 to vector<256x1xf32>
    %add3A_85 = arith.addf %broadcast_in_dim3A_82, %add3A_84 : vector<256x1xf32>
    %div3A_86 = vector.broadcast %add3A_85 : vector<256x1xf32> to vector<256x256xf32>
    %div3A_87 = arith.divf %exp3A, %div3A_86 : vector<256x256xf32>
    %dot_general3A_88 = arith.constant dense<0.000000e+00> : vector<256x128xf32>
    %dot_general3A_89 = tpu.matmul %div3A_87, %get3A_4, %dot_general3A_88 {dimension_numbers = #tpu.dot_dimension_numbers<[1], [0], [0], [1], [0, 0, 1, 1], [], []>, transpose_lhs_hint = false} : vector<256x256xf32>, vector<256x128xf32>, vector<256x128xf32> -> vector<256x128xf32>
    %swap3A = arith.constant 0 : index
    %swap3A_90 = arith.constant 0 : index
    %swap3A_91 = vector.load %arg3[%swap3A, %swap3A_90] : memref<256x128xf32, #tpu.memory_space<vmem>>, vector<256x128xf32>
    tpu.vector_store %arg3[%swap3A, %swap3A_90], %dot_general3A_89 {strides = array<i32>} : memref<256x128xf32, #tpu.memory_space<vmem>>, vector<256x128xf32>,
    return
  }
  func.func @transform_0(%arg0: i32) -> (i32, i32) {
    %c0_i32 = arith.constant 0 : i32
    %c0_i32_0 = arith.constant 0 : i32
    return %arg0, %c0_i32 : i32, i32
  }
  func.func @transform_1(%arg0: i32) -> (i32, i32) {
    %c0_i32 = arith.constant 0 : i32
    %c0_i32_0 = arith.constant 0 : i32
    return %arg0, %c0_i32 : i32, i32
  }
  func.func @transform_2(%arg0: i32) -> (i32, i32) {
    %c0_i32 = arith.constant 0 : i32
    %c0_i32_0 = arith.constant 0 : i32
    return %arg0, %c0_i32 : i32, i32
  }
}

module attributes {stable_mosaic.version = 14 : i64} {
  func.func @_node_body(%arg0: i32, %arg1: memref<256x128xf32, #tpu.memory_space<vmem>>, %arg2: memref<256x128xf32, #tpu.memory_space<vmem>>, %arg3: memref<256x128xf32, #tpu.memory_space<vmem>>, %arg4: memref<8x128xf32, #tpu.memory_space<vmem>>, %arg5: memref<512x128xf32, #tpu.memory_space<vmem>>, %arg6: memref<1x128xf32, #tpu.memory_space<vmem>>, %arg7: memref<128x128xf32, #tpu.memory_space<vmem>>, %arg8: memref<1x128xf32, #tpu.memory_space<vmem>>, %arg9: memref<128x128xf32, #tpu.memory_space<vmem>>, %arg10: memref<1x128xf32, #tpu.memory_space<vmem>>, %arg11: memref<256x128xf32, #tpu.memory_space<vmem>>, %arg12: memref<8x128xf32, #tpu.memory_space<vmem>>, %arg13: memref<8x128xf32, #tpu.memory_space<vmem>>) attributes {dimension_semantics = [#tpu.dimension_semantics<arbitrary>], iteration_bounds = array<i64: 64>, scalar_prefetch = 0 : i64, scratch_operands = 0 : i64, tpu.core_type = #tpu.core_type<tc>, window_params = [{transform_indices = @transform_0, window_bounds = array<i64: 256, 128>}, {transform_indices = @transform_1, window_bounds = array<i64: 256, 128>}, {transform_indices = @transform_2, window_bounds = array<i64: 256, 128>}, {transform_indices = @transform_3, window_bounds = array<i64: 8, 128>}, {pipeline_mode = #tpu.pipeline_mode<synchronous>, transform_indices = @transform_4, window_bounds = array<i64: 512, 128>}, {pipeline_mode = #tpu.pipeline_mode<synchronous>, transform_indices = @transform_5, window_bounds = array<i64: 1, 128>}, {pipeline_mode = #tpu.pipeline_mode<synchronous>, transform_indices = @transform_6, window_bounds = array<i64: 128, 128>}, {pipeline_mode = #tpu.pipeline_mode<synchronous>, transform_indices = @transform_7, window_bounds = array<i64: 1, 128>}, {pipeline_mode = #tpu.pipeline_mode<synchronous>, transform_indices = @transform_8, window_bounds = array<i64: 128, 128>}, {pipeline_mode = #tpu.pipeline_mode<synchronous>, transform_indices = @transform_9, window_bounds = array<i64: 1, 128>}, {transform_indices = @transform_10, window_bounds = array<i64: 256, 128>}, {transform_indices = @transform_11, window_bounds = array<i64: 8, 128>}, {transform_indices = @transform_12, window_bounds = array<i64: 8, 128>}]} {
    %get3A = arith.constant 0 : index
    %get3A_0 = arith.constant 0 : index
    %get3A_1 = vector.load %arg2[%get3A, %get3A_0] : memref<256x128xf32, #tpu.memory_space<vmem>>, vector<256x128xf32>
    %get3A_2 = arith.constant 0 : index
    %get3A_3 = arith.constant 0 : index
    %get3A_4 = vector.load %arg4[%get3A_2, %get3A_3] : memref<8x128xf32, #tpu.memory_space<vmem>>, vector<8x128xf32>
    %broadcast_in_dim3A = vector.shape_cast %get3A_4 : vector<8x128xf32> to vector<8x1x128xf32>
    %broadcast_in_dim3A_5 = vector.shape_cast %broadcast_in_dim3A : vector<8x1x128xf32> to vector<8x1x128xf32>
    %broadcast_in_dim3A_6 = vector.broadcast %broadcast_in_dim3A_5 : vector<8x1x128xf32> to vector<8x32x128xf32>
    %reshape3A = vector.shape_cast %broadcast_in_dim3A_6 : vector<8x32x128xf32> to vector<256x128xf32>
    %get3A_7 = arith.constant 0 : index
    %get3A_8 = arith.constant 0 : index
    %get3A_9 = vector.load %arg1[%get3A_7, %get3A_8] : memref<256x128xf32, #tpu.memory_space<vmem>>, vector<256x128xf32>
    %get3A_10 = arith.constant 0 : index
    %get3A_11 = arith.constant 0 : index
    %get3A_12 = vector.load %arg5[%get3A_10, %get3A_11] : memref<512x128xf32, #tpu.memory_space<vmem>>, vector<128x128xf32>
    %dot_general3A = arith.constant dense<0.000000e+00> : vector<256x128xf32>
    %dot_general3A_13 = tpu.matmul %get3A_9, %get3A_12, %dot_general3A {dimension_numbers = #tpu.dot_dimension_numbers<[1], [0], [0], [1], [0, 0, 1, 1], [], []>, transpose_lhs_hint = false} : vector<256x128xf32>, vector<128x128xf32>, vector<256x128xf32> -> vector<256x128xf32>
    %get3A_14 = arith.constant 128 : index
    %get3A_15 = arith.constant 0 : index
    %get3A_16 = vector.load %arg5[%get3A_14, %get3A_15] : memref<512x128xf32, #tpu.memory_space<vmem>>, vector<128x128xf32>
    %dot_general3A_17 = arith.constant dense<0.000000e+00> : vector<256x128xf32>
    %dot_general3A_18 = tpu.matmul %get3A_1, %get3A_16, %dot_general3A_17 {dimension_numbers = #tpu.dot_dimension_numbers<[1], [0], [0], [1], [0, 0, 1, 1], [], []>, transpose_lhs_hint = false} : vector<256x128xf32>, vector<128x128xf32>, vector<256x128xf32> -> vector<256x128xf32>
    %add3A = arith.addf %dot_general3A_13, %dot_general3A_18 : vector<256x128xf32>
    %get3A_19 = arith.constant 0 : index
    %get3A_20 = arith.constant 0 : index
    %get3A_21 = vector.load %arg3[%get3A_19, %get3A_20] : memref<256x128xf32, #tpu.memory_space<vmem>>, vector<256x128xf32>
    %get3A_22 = arith.constant 256 : index
    %get3A_23 = arith.constant 0 : index
    %get3A_24 = vector.load %arg5[%get3A_22, %get3A_23] : memref<512x128xf32, #tpu.memory_space<vmem>>, vector<128x128xf32>
    %dot_general3A_25 = arith.constant dense<0.000000e+00> : vector<256x128xf32>
    %dot_general3A_26 = tpu.matmul %get3A_21, %get3A_24, %dot_general3A_25 {dimension_numbers = #tpu.dot_dimension_numbers<[1], [0], [0], [1], [0, 0, 1, 1], [], []>, transpose_lhs_hint = false} : vector<256x128xf32>, vector<128x128xf32>, vector<256x128xf32> -> vector<256x128xf32>
    %add3A_27 = arith.addf %add3A, %dot_general3A_26 : vector<256x128xf32>
    %get3A_28 = arith.constant 384 : index
    %get3A_29 = arith.constant 0 : index
    %get3A_30 = vector.load %arg5[%get3A_28, %get3A_29] : memref<512x128xf32, #tpu.memory_space<vmem>>, vector<128x128xf32>
    %dot_general3A_31 = arith.constant dense<0.000000e+00> : vector<256x128xf32>
    %dot_general3A_32 = tpu.matmul %reshape3A, %get3A_30, %dot_general3A_31 {dimension_numbers = #tpu.dot_dimension_numbers<[1], [0], [0], [1], [0, 0, 1, 1], [], []>, transpose_lhs_hint = false} : vector<256x128xf32>, vector<128x128xf32>, vector<256x128xf32> -> vector<256x128xf32>
    %add3A_33 = arith.addf %add3A_27, %dot_general3A_32 : vector<256x128xf32>
    %get3A_34 = arith.constant 0 : index
    %get3A_35 = arith.constant 0 : index
    %get3A_36 = vector.load %arg6[%get3A_34, %get3A_35] : memref<1x128xf32, #tpu.memory_space<vmem>>, vector<1x128xf32>
    %add3A_37 = vector.broadcast %get3A_36 : vector<1x128xf32> to vector<256x128xf32>
    %add3A_38 = arith.addf %add3A_33, %add3A_37 : vector<256x128xf32>
    %max3A = arith.constant 0.000000e+00 : f32
    %max3A_39 = vector.broadcast %max3A : f32 to vector<256x128xf32>
    %max3A_40 = arith.maximumf %add3A_38, %max3A_39 : vector<256x128xf32>
    %get3A_41 = arith.constant 0 : index
    %get3A_42 = arith.constant 0 : index
    %get3A_43 = vector.load %arg7[%get3A_41, %get3A_42] : memref<128x128xf32, #tpu.memory_space<vmem>>, vector<128x128xf32>
    %dot_general3A_44 = arith.constant dense<0.000000e+00> : vector<256x128xf32>
    %dot_general3A_45 = tpu.matmul %max3A_40, %get3A_43, %dot_general3A_44 {dimension_numbers = #tpu.dot_dimension_numbers<[1], [0], [0], [1], [0, 0, 1, 1], [], []>, transpose_lhs_hint = false} : vector<256x128xf32>, vector<128x128xf32>, vector<256x128xf32> -> vector<256x128xf32>
    %get3A_46 = arith.constant 0 : index
    %get3A_47 = arith.constant 0 : index
    %get3A_48 = vector.load %arg8[%get3A_46, %get3A_47] : memref<1x128xf32, #tpu.memory_space<vmem>>, vector<1x128xf32>
    %add3A_49 = vector.broadcast %get3A_48 : vector<1x128xf32> to vector<256x128xf32>
    %add3A_50 = arith.addf %dot_general3A_45, %add3A_49 : vector<256x128xf32>
    %max3A_51 = arith.constant 0.000000e+00 : f32
    %max3A_52 = vector.broadcast %max3A_51 : f32 to vector<256x128xf32>
    %max3A_53 = arith.maximumf %add3A_50, %max3A_52 : vector<256x128xf32>
    %get3A_54 = arith.constant 0 : index
    %get3A_55 = arith.constant 0 : index
    %get3A_56 = vector.load %arg9[%get3A_54, %get3A_55] : memref<128x128xf32, #tpu.memory_space<vmem>>, vector<128x128xf32>
    %dot_general3A_57 = arith.constant dense<0.000000e+00> : vector<256x128xf32>
    %dot_general3A_58 = tpu.matmul %max3A_53, %get3A_56, %dot_general3A_57 {dimension_numbers = #tpu.dot_dimension_numbers<[1], [0], [0], [1], [0, 0, 1, 1], [], []>, transpose_lhs_hint = false} : vector<256x128xf32>, vector<128x128xf32>, vector<256x128xf32> -> vector<256x128xf32>
    %get3A_59 = arith.constant 0 : index
    %get3A_60 = arith.constant 0 : index
    %get3A_61 = vector.load %arg10[%get3A_59, %get3A_60] : memref<1x128xf32, #tpu.memory_space<vmem>>, vector<1x128xf32>
    %add3A_62 = vector.broadcast %get3A_61 : vector<1x128xf32> to vector<256x128xf32>
    %add3A_63 = arith.addf %dot_general3A_58, %add3A_62 : vector<256x128xf32>
    %swap3A = arith.constant 0 : index
    %swap3A_64 = arith.constant 0 : index
    %swap3A_65 = vector.load %arg11[%swap3A, %swap3A_64] : memref<256x128xf32, #tpu.memory_space<vmem>>, vector<256x128xf32>
    tpu.vector_store %arg11[%swap3A, %swap3A_64], %add3A_63 {strides = array<i32>} : memref<256x128xf32, #tpu.memory_space<vmem>>, vector<256x128xf32>,
    %reshape3A_66 = vector.shape_cast %add3A_63 : vector<256x128xf32> to vector<8x32x128xf32>
    %reduce_sum3A = arith.constant dense<0.000000e+00> : vector<8x128xf32>
    %reduce_sum3A_67 = vector.multi_reduction <add>, %reshape3A_66, %reduce_sum3A [1] : vector<8x32x128xf32> to vector<8x128xf32>
    %swap3A_68 = arith.constant 0 : index
    %swap3A_69 = arith.constant 0 : index
    %swap3A_70 = vector.load %arg12[%swap3A_68, %swap3A_69] : memref<8x128xf32, #tpu.memory_space<vmem>>, vector<8x128xf32>
    tpu.vector_store %arg12[%swap3A_68, %swap3A_69], %reduce_sum3A_67 {strides = array<i32>} : memref<8x128xf32, #tpu.memory_space<vmem>>, vector<8x128xf32>,
    %reshape3A_71 = vector.shape_cast %get3A_1 : vector<256x128xf32> to vector<8x32x128xf32>
    %reduce_sum3A_72 = arith.constant dense<0.000000e+00> : vector<8x128xf32>
    %reduce_sum3A_73 = vector.multi_reduction <add>, %reshape3A_71, %reduce_sum3A_72 [1] : vector<8x32x128xf32> to vector<8x128xf32>
    %swap3A_74 = arith.constant 0 : index
    %swap3A_75 = arith.constant 0 : index
    %swap3A_76 = vector.load %arg13[%swap3A_74, %swap3A_75] : memref<8x128xf32, #tpu.memory_space<vmem>>, vector<8x128xf32>
    tpu.vector_store %arg13[%swap3A_74, %swap3A_75], %reduce_sum3A_73 {strides = array<i32>} : memref<8x128xf32, #tpu.memory_space<vmem>>, vector<8x128xf32>,
    return
  }
  func.func @transform_0(%arg0: i32) -> (i32, i32) {
    %c0_i32 = arith.constant 0 : i32
    %c0_i32_0 = arith.constant 0 : i32
    return %arg0, %c0_i32 : i32, i32
  }
  func.func @transform_1(%arg0: i32) -> (i32, i32) {
    %c0_i32 = arith.constant 0 : i32
    %c0_i32_0 = arith.constant 0 : i32
    return %arg0, %c0_i32 : i32, i32
  }
  func.func @transform_2(%arg0: i32) -> (i32, i32) {
    %c0_i32 = arith.constant 0 : i32
    %c0_i32_0 = arith.constant 0 : i32
    return %arg0, %c0_i32 : i32, i32
  }
  func.func @transform_3(%arg0: i32) -> (i32, i32) {
    %c0_i32 = arith.constant 0 : i32
    %c0_i32_0 = arith.constant 0 : i32
    return %arg0, %c0_i32 : i32, i32
  }
  func.func @transform_4(%arg0: i32) -> (i32, i32) {
    %c0_i32 = arith.constant 0 : i32
    %c0_i32_0 = arith.constant 0 : i32
    %c0_i32_1 = arith.constant 0 : i32
    return %c0_i32, %c0_i32_0 : i32, i32
  }
  func.func @transform_5(%arg0: i32) -> (i32, i32) {
    %c0_i32 = arith.constant 0 : i32
    %c0_i32_0 = arith.constant 0 : i32
    %c0_i32_1 = arith.constant 0 : i32
    return %c0_i32, %c0_i32_0 : i32, i32
  }
  func.func @transform_6(%arg0: i32) -> (i32, i32) {
    %c0_i32 = arith.constant 0 : i32
    %c0_i32_0 = arith.constant 0 : i32
    %c0_i32_1 = arith.constant 0 : i32
    return %c0_i32, %c0_i32_0 : i32, i32
  }
  func.func @transform_7(%arg0: i32) -> (i32, i32) {
    %c0_i32 = arith.constant 0 : i32
    %c0_i32_0 = arith.constant 0 : i32
    %c0_i32_1 = arith.constant 0 : i32
    return %c0_i32, %c0_i32_0 : i32, i32
  }
  func.func @transform_8(%arg0: i32) -> (i32, i32) {
    %c0_i32 = arith.constant 0 : i32
    %c0_i32_0 = arith.constant 0 : i32
    %c0_i32_1 = arith.constant 0 : i32
    return %c0_i32, %c0_i32_0 : i32, i32
  }
  func.func @transform_9(%arg0: i32) -> (i32, i32) {
    %c0_i32 = arith.constant 0 : i32
    %c0_i32_0 = arith.constant 0 : i32
    %c0_i32_1 = arith.constant 0 : i32
    return %c0_i32, %c0_i32_0 : i32, i32
  }
  func.func @transform_10(%arg0: i32) -> (i32, i32) {
    %c0_i32 = arith.constant 0 : i32
    %c0_i32_0 = arith.constant 0 : i32
    return %arg0, %c0_i32 : i32, i32
  }
  func.func @transform_11(%arg0: i32) -> (i32, i32) {
    %c0_i32 = arith.constant 0 : i32
    %c0_i32_0 = arith.constant 0 : i32
    return %arg0, %c0_i32 : i32, i32
  }
  func.func @transform_12(%arg0: i32) -> (i32, i32) {
    %c0_i32 = arith.constant 0 : i32
    %c0_i32_0 = arith.constant 0 : i32
    return %arg0, %c0_i32 : i32, i32
  }
}

module attributes {stable_mosaic.version = 14 : i64} {
  func.func @_glob_body(%arg0: i32, %arg1: memref<512x128xf32, #tpu.memory_space<vmem>>, %arg2: memref<512x128xf32, #tpu.memory_space<vmem>>, %arg3: memref<512x128xf32, #tpu.memory_space<vmem>>, %arg4: memref<512x128xf32, #tpu.memory_space<vmem>>, %arg5: memref<384x128xf32, #tpu.memory_space<vmem>>, %arg6: memref<1x128xf32, #tpu.memory_space<vmem>>, %arg7: memref<128x128xf32, #tpu.memory_space<vmem>>, %arg8: memref<1x128xf32, #tpu.memory_space<vmem>>, %arg9: memref<128x128xf32, #tpu.memory_space<vmem>>, %arg10: memref<1x128xf32, #tpu.memory_space<vmem>>, %arg11: memref<512x128xf32, #tpu.memory_space<vmem>>) attributes {dimension_semantics = [#tpu.dimension_semantics<arbitrary>], iteration_bounds = array<i64: 1>, scalar_prefetch = 0 : i64, scratch_operands = 0 : i64, tpu.core_type = #tpu.core_type<tc>, window_params = [{pipeline_mode = #tpu.pipeline_mode<synchronous>, transform_indices = @transform_0, window_bounds = array<i64: 512, 128>}, {pipeline_mode = #tpu.pipeline_mode<synchronous>, transform_indices = @transform_1, window_bounds = array<i64: 512, 128>}, {pipeline_mode = #tpu.pipeline_mode<synchronous>, transform_indices = @transform_2, window_bounds = array<i64: 512, 128>}, {pipeline_mode = #tpu.pipeline_mode<synchronous>, transform_indices = @transform_3, window_bounds = array<i64: 512, 128>}, {pipeline_mode = #tpu.pipeline_mode<synchronous>, transform_indices = @transform_4, window_bounds = array<i64: 384, 128>}, {pipeline_mode = #tpu.pipeline_mode<synchronous>, transform_indices = @transform_5, window_bounds = array<i64: 1, 128>}, {pipeline_mode = #tpu.pipeline_mode<synchronous>, transform_indices = @transform_6, window_bounds = array<i64: 128, 128>}, {pipeline_mode = #tpu.pipeline_mode<synchronous>, transform_indices = @transform_7, window_bounds = array<i64: 1, 128>}, {pipeline_mode = #tpu.pipeline_mode<synchronous>, transform_indices = @transform_8, window_bounds = array<i64: 128, 128>}, {pipeline_mode = #tpu.pipeline_mode<synchronous>, transform_indices = @transform_9, window_bounds = array<i64: 1, 128>}, {pipeline_mode = #tpu.pipeline_mode<synchronous>, transform_indices = @transform_10, window_bounds = array<i64: 512, 128>}]} {
    %get3A = arith.constant 0 : index
    %get3A_0 = arith.constant 0 : index
    %get3A_1 = vector.load %arg1[%get3A, %get3A_0] : memref<512x128xf32, #tpu.memory_space<vmem>>, vector<512x128xf32>
    %mul3A = arith.constant 3.125000e-02 : f32
    %mul3A_2 = vector.broadcast %mul3A : f32 to vector<512x128xf32>
    %mul3A_3 = arith.mulf %get3A_1, %mul3A_2 : vector<512x128xf32>
    %get3A_4 = arith.constant 0 : index
    %get3A_5 = arith.constant 0 : index
    %get3A_6 = vector.load %arg3[%get3A_4, %get3A_5] : memref<512x128xf32, #tpu.memory_space<vmem>>, vector<512x128xf32>
    %slice3A = vector.extract_strided_slice %get3A_6 {offsets = [0, 0], sizes = [512, 1], strides = [1, 1]} : vector<512x128xf32> to vector<512x1xf32>
    %get3A_7 = arith.constant 0 : index
    %get3A_8 = arith.constant 0 : index
    %get3A_9 = vector.load %arg2[%get3A_7, %get3A_8] : memref<512x128xf32, #tpu.memory_space<vmem>>, vector<512x128xf32>
    %add3A = arith.constant 9.99999971E-10 : f32
    %add3A_10 = vector.broadcast %add3A : f32 to vector<512x1xf32>
    %add3A_11 = arith.addf %slice3A, %add3A_10 : vector<512x1xf32>
    %div3A = vector.broadcast %add3A_11 : vector<512x1xf32> to vector<512x128xf32>
    %div3A_12 = arith.divf %get3A_9, %div3A : vector<512x128xf32>
    %get3A_13 = arith.constant 0 : index
    %get3A_14 = arith.constant 0 : index
    %get3A_15 = vector.load %arg4[%get3A_13, %get3A_14] : memref<512x128xf32, #tpu.memory_space<vmem>>, vector<512x128xf32>
    %get3A_16 = arith.constant 0 : index
    %get3A_17 = arith.constant 0 : index
    %get3A_18 = vector.load %arg5[%get3A_16, %get3A_17] : memref<384x128xf32, #tpu.memory_space<vmem>>, vector<128x128xf32>
    %dot_general3A = arith.constant dense<0.000000e+00> : vector<512x128xf32>
    %dot_general3A_19 = tpu.matmul %mul3A_3, %get3A_18, %dot_general3A {dimension_numbers = #tpu.dot_dimension_numbers<[1], [0], [0], [1], [0, 0, 1, 1], [], []>, transpose_lhs_hint = false} : vector<512x128xf32>, vector<128x128xf32>, vector<512x128xf32> -> vector<512x128xf32>
    %get3A_20 = arith.constant 128 : index
    %get3A_21 = arith.constant 0 : index
    %get3A_22 = vector.load %arg5[%get3A_20, %get3A_21] : memref<384x128xf32, #tpu.memory_space<vmem>>, vector<128x128xf32>
    %dot_general3A_23 = arith.constant dense<0.000000e+00> : vector<512x128xf32>
    %dot_general3A_24 = tpu.matmul %div3A_12, %get3A_22, %dot_general3A_23 {dimension_numbers = #tpu.dot_dimension_numbers<[1], [0], [0], [1], [0, 0, 1, 1], [], []>, transpose_lhs_hint = false} : vector<512x128xf32>, vector<128x128xf32>, vector<512x128xf32> -> vector<512x128xf32>
    %add3A_25 = arith.addf %dot_general3A_19, %dot_general3A_24 : vector<512x128xf32>
    %get3A_26 = arith.constant 256 : index
    %get3A_27 = arith.constant 0 : index
    %get3A_28 = vector.load %arg5[%get3A_26, %get3A_27] : memref<384x128xf32, #tpu.memory_space<vmem>>, vector<128x128xf32>
    %dot_general3A_29 = arith.constant dense<0.000000e+00> : vector<512x128xf32>
    %dot_general3A_30 = tpu.matmul %get3A_15, %get3A_28, %dot_general3A_29 {dimension_numbers = #tpu.dot_dimension_numbers<[1], [0], [0], [1], [0, 0, 1, 1], [], []>, transpose_lhs_hint = false} : vector<512x128xf32>, vector<128x128xf32>, vector<512x128xf32> -> vector<512x128xf32>
    %add3A_31 = arith.addf %add3A_25, %dot_general3A_30 : vector<512x128xf32>
    %get3A_32 = arith.constant 0 : index
    %get3A_33 = arith.constant 0 : index
    %get3A_34 = vector.load %arg6[%get3A_32, %get3A_33] : memref<1x128xf32, #tpu.memory_space<vmem>>, vector<1x128xf32>
    %add3A_35 = vector.broadcast %get3A_34 : vector<1x128xf32> to vector<512x128xf32>
    %add3A_36 = arith.addf %add3A_31, %add3A_35 : vector<512x128xf32>
    %max3A = arith.constant 0.000000e+00 : f32
    %max3A_37 = vector.broadcast %max3A : f32 to vector<512x128xf32>
    %max3A_38 = arith.maximumf %add3A_36, %max3A_37 : vector<512x128xf32>
    %get3A_39 = arith.constant 0 : index
    %get3A_40 = arith.constant 0 : index
    %get3A_41 = vector.load %arg7[%get3A_39, %get3A_40] : memref<128x128xf32, #tpu.memory_space<vmem>>, vector<128x128xf32>
    %dot_general3A_42 = arith.constant dense<0.000000e+00> : vector<512x128xf32>
    %dot_general3A_43 = tpu.matmul %max3A_38, %get3A_41, %dot_general3A_42 {dimension_numbers = #tpu.dot_dimension_numbers<[1], [0], [0], [1], [0, 0, 1, 1], [], []>, transpose_lhs_hint = false} : vector<512x128xf32>, vector<128x128xf32>, vector<512x128xf32> -> vector<512x128xf32>
    %get3A_44 = arith.constant 0 : index
    %get3A_45 = arith.constant 0 : index
    %get3A_46 = vector.load %arg8[%get3A_44, %get3A_45] : memref<1x128xf32, #tpu.memory_space<vmem>>, vector<1x128xf32>
    %add3A_47 = vector.broadcast %get3A_46 : vector<1x128xf32> to vector<512x128xf32>
    %add3A_48 = arith.addf %dot_general3A_43, %add3A_47 : vector<512x128xf32>
    %max3A_49 = arith.constant 0.000000e+00 : f32
    %max3A_50 = vector.broadcast %max3A_49 : f32 to vector<512x128xf32>
    %max3A_51 = arith.maximumf %add3A_48, %max3A_50 : vector<512x128xf32>
    %get3A_52 = arith.constant 0 : index
    %get3A_53 = arith.constant 0 : index
    %get3A_54 = vector.load %arg9[%get3A_52, %get3A_53] : memref<128x128xf32, #tpu.memory_space<vmem>>, vector<128x128xf32>
    %dot_general3A_55 = arith.constant dense<0.000000e+00> : vector<512x128xf32>
    %dot_general3A_56 = tpu.matmul %max3A_51, %get3A_54, %dot_general3A_55 {dimension_numbers = #tpu.dot_dimension_numbers<[1], [0], [0], [1], [0, 0, 1, 1], [], []>, transpose_lhs_hint = false} : vector<512x128xf32>, vector<128x128xf32>, vector<512x128xf32> -> vector<512x128xf32>
    %get3A_57 = arith.constant 0 : index
    %get3A_58 = arith.constant 0 : index
    %get3A_59 = vector.load %arg10[%get3A_57, %get3A_58] : memref<1x128xf32, #tpu.memory_space<vmem>>, vector<1x128xf32>
    %add3A_60 = vector.broadcast %get3A_59 : vector<1x128xf32> to vector<512x128xf32>
    %add3A_61 = arith.addf %dot_general3A_56, %add3A_60 : vector<512x128xf32>
    %swap3A = arith.constant 0 : index
    %swap3A_62 = arith.constant 0 : index
    %swap3A_63 = vector.load %arg11[%swap3A, %swap3A_62] : memref<512x128xf32, #tpu.memory_space<vmem>>, vector<512x128xf32>
    tpu.vector_store %arg11[%swap3A, %swap3A_62], %add3A_61 {strides = array<i32>} : memref<512x128xf32, #tpu.memory_space<vmem>>, vector<512x128xf32>,
    return
  }
  func.func @transform_0(%arg0: i32) -> (i32, i32) {
    %c0_i32 = arith.constant 0 : i32
    %c0_i32_0 = arith.constant 0 : i32
    %c0_i32_1 = arith.constant 0 : i32
    return %c0_i32, %c0_i32_0 : i32, i32
  }
  func.func @transform_1(%arg0: i32) -> (i32, i32) {
    %c0_i32 = arith.constant 0 : i32
    %c0_i32_0 = arith.constant 0 : i32
    %c0_i32_1 = arith.constant 0 : i32
    return %c0_i32, %c0_i32_0 : i32, i32
  }
  func.func @transform_2(%arg0: i32) -> (i32, i32) {
    %c0_i32 = arith.constant 0 : i32
    %c0_i32_0 = arith.constant 0 : i32
    %c0_i32_1 = arith.constant 0 : i32
    return %c0_i32, %c0_i32_0 : i32, i32
  }
  func.func @transform_3(%arg0: i32) -> (i32, i32) {
    %c0_i32 = arith.constant 0 : i32
    %c0_i32_0 = arith.constant 0 : i32
    %c0_i32_1 = arith.constant 0 : i32
    return %c0_i32, %c0_i32_0 : i32, i32
  }
  func.func @transform_4(%arg0: i32) -> (i32, i32) {
    %c0_i32 = arith.constant 0 : i32
    %c0_i32_0 = arith.constant 0 : i32
    %c0_i32_1 = arith.constant 0 : i32
    return %c0_i32, %c0_i32_0 : i32, i32
  }
  func.func @transform_5(%arg0: i32) -> (i32, i32) {
    %c0_i32 = arith.constant 0 : i32
    %c0_i32_0 = arith.constant 0 : i32
    %c0_i32_1 = arith.constant 0 : i32
    return %c0_i32, %c0_i32_0 : i32, i32
  }
  func.func @transform_6(%arg0: i32) -> (i32, i32) {
    %c0_i32 = arith.constant 0 : i32
    %c0_i32_0 = arith.constant 0 : i32
    %c0_i32_1 = arith.constant 0 : i32
    return %c0_i32, %c0_i32_0 : i32, i32
  }
  func.func @transform_7(%arg0: i32) -> (i32, i32) {
    %c0_i32 = arith.constant 0 : i32
    %c0_i32_0 = arith.constant 0 : i32
    %c0_i32_1 = arith.constant 0 : i32
    return %c0_i32, %c0_i32_0 : i32, i32
  }
  func.func @transform_8(%arg0: i32) -> (i32, i32) {
    %c0_i32 = arith.constant 0 : i32
    %c0_i32_0 = arith.constant 0 : i32
    %c0_i32_1 = arith.constant 0 : i32
    return %c0_i32, %c0_i32_0 : i32, i32
  }
  func.func @transform_9(%arg0: i32) -> (i32, i32) {
    %c0_i32 = arith.constant 0 : i32
    %c0_i32_0 = arith.constant 0 : i32
    %c0_i32_1 = arith.constant 0 : i32
    return %c0_i32, %c0_i32_0 : i32, i32
  }
  func.func @transform_10(%arg0: i32) -> (i32, i32) {
    %c0_i32 = arith.constant 0 : i32
    %c0_i32_0 = arith.constant 0 : i32
    %c0_i32_1 = arith.constant 0 : i32
    return %c0_i32, %c0_i32_0 : i32, i32
  }
}

module attributes {stable_mosaic.version = 14 : i64} {
  func.func @_final_body(%arg0: i32, %arg1: memref<512x128xf32, #tpu.memory_space<vmem>>, %arg2: memref<512x128xf32, #tpu.memory_space<vmem>>, %arg3: memref<256x128xf32, #tpu.memory_space<vmem>>, %arg4: memref<1x128xf32, #tpu.memory_space<vmem>>, %arg5: memref<128x128xf32, #tpu.memory_space<vmem>>, %arg6: memref<1x128xf32, #tpu.memory_space<vmem>>, %arg7: memref<128x64xf32, #tpu.memory_space<vmem>>, %arg8: memref<1x64xf32, #tpu.memory_space<vmem>>, %arg9: memref<512x64xf32, #tpu.memory_space<vmem>>) attributes {dimension_semantics = [#tpu.dimension_semantics<arbitrary>], iteration_bounds = array<i64: 1>, scalar_prefetch = 0 : i64, scratch_operands = 0 : i64, tpu.core_type = #tpu.core_type<tc>, window_params = [{pipeline_mode = #tpu.pipeline_mode<synchronous>, transform_indices = @transform_0, window_bounds = array<i64: 512, 128>}, {pipeline_mode = #tpu.pipeline_mode<synchronous>, transform_indices = @transform_1, window_bounds = array<i64: 512, 128>}, {pipeline_mode = #tpu.pipeline_mode<synchronous>, transform_indices = @transform_2, window_bounds = array<i64: 256, 128>}, {pipeline_mode = #tpu.pipeline_mode<synchronous>, transform_indices = @transform_3, window_bounds = array<i64: 1, 128>}, {pipeline_mode = #tpu.pipeline_mode<synchronous>, transform_indices = @transform_4, window_bounds = array<i64: 128, 128>}, {pipeline_mode = #tpu.pipeline_mode<synchronous>, transform_indices = @transform_5, window_bounds = array<i64: 1, 128>}, {pipeline_mode = #tpu.pipeline_mode<synchronous>, transform_indices = @transform_6, window_bounds = array<i64: 128, 64>}, {pipeline_mode = #tpu.pipeline_mode<synchronous>, transform_indices = @transform_7, window_bounds = array<i64: 1, 64>}, {pipeline_mode = #tpu.pipeline_mode<synchronous>, transform_indices = @transform_8, window_bounds = array<i64: 512, 64>}]} {
    %get3A = arith.constant 0 : index
    %get3A_0 = arith.constant 0 : index
    %get3A_1 = vector.load %arg1[%get3A, %get3A_0] : memref<512x128xf32, #tpu.memory_space<vmem>>, vector<512x128xf32>
    %get3A_2 = arith.constant 0 : index
    %get3A_3 = arith.constant 0 : index
    %get3A_4 = vector.load %arg3[%get3A_2, %get3A_3] : memref<256x128xf32, #tpu.memory_space<vmem>>, vector<128x128xf32>
    %dot_general3A = arith.constant dense<0.000000e+00> : vector<512x128xf32>
    %dot_general3A_5 = tpu.matmul %get3A_1, %get3A_4, %dot_general3A {dimension_numbers = #tpu.dot_dimension_numbers<[1], [0], [0], [1], [0, 0, 1, 1], [], []>, transpose_lhs_hint = false} : vector<512x128xf32>, vector<128x128xf32>, vector<512x128xf32> -> vector<512x128xf32>
    %get3A_6 = arith.constant 0 : index
    %get3A_7 = arith.constant 0 : index
    %get3A_8 = vector.load %arg2[%get3A_6, %get3A_7] : memref<512x128xf32, #tpu.memory_space<vmem>>, vector<512x128xf32>
    %get3A_9 = arith.constant 128 : index
    %get3A_10 = arith.constant 0 : index
    %get3A_11 = vector.load %arg3[%get3A_9, %get3A_10] : memref<256x128xf32, #tpu.memory_space<vmem>>, vector<128x128xf32>
    %dot_general3A_12 = arith.constant dense<0.000000e+00> : vector<512x128xf32>
    %dot_general3A_13 = tpu.matmul %get3A_8, %get3A_11, %dot_general3A_12 {dimension_numbers = #tpu.dot_dimension_numbers<[1], [0], [0], [1], [0, 0, 1, 1], [], []>, transpose_lhs_hint = false} : vector<512x128xf32>, vector<128x128xf32>, vector<512x128xf32> -> vector<512x128xf32>
    %add3A = arith.addf %dot_general3A_5, %dot_general3A_13 : vector<512x128xf32>
    %get3A_14 = arith.constant 0 : index
    %get3A_15 = arith.constant 0 : index
    %get3A_16 = vector.load %arg4[%get3A_14, %get3A_15] : memref<1x128xf32, #tpu.memory_space<vmem>>, vector<1x128xf32>
    %add3A_17 = vector.broadcast %get3A_16 : vector<1x128xf32> to vector<512x128xf32>
    %add3A_18 = arith.addf %add3A, %add3A_17 : vector<512x128xf32>
    %max3A = arith.constant 0.000000e+00 : f32
    %max3A_19 = vector.broadcast %max3A : f32 to vector<512x128xf32>
    %max3A_20 = arith.maximumf %add3A_18, %max3A_19 : vector<512x128xf32>
    %get3A_21 = arith.constant 0 : index
    %get3A_22 = arith.constant 0 : index
    %get3A_23 = vector.load %arg5[%get3A_21, %get3A_22] : memref<128x128xf32, #tpu.memory_space<vmem>>, vector<128x128xf32>
    %dot_general3A_24 = arith.constant dense<0.000000e+00> : vector<512x128xf32>
    %dot_general3A_25 = tpu.matmul %max3A_20, %get3A_23, %dot_general3A_24 {dimension_numbers = #tpu.dot_dimension_numbers<[1], [0], [0], [1], [0, 0, 1, 1], [], []>, transpose_lhs_hint = false} : vector<512x128xf32>, vector<128x128xf32>, vector<512x128xf32> -> vector<512x128xf32>
    %get3A_26 = arith.constant 0 : index
    %get3A_27 = arith.constant 0 : index
    %get3A_28 = vector.load %arg6[%get3A_26, %get3A_27] : memref<1x128xf32, #tpu.memory_space<vmem>>, vector<1x128xf32>
    %add3A_29 = vector.broadcast %get3A_28 : vector<1x128xf32> to vector<512x128xf32>
    %add3A_30 = arith.addf %dot_general3A_25, %add3A_29 : vector<512x128xf32>
    %max3A_31 = arith.constant 0.000000e+00 : f32
    %max3A_32 = vector.broadcast %max3A_31 : f32 to vector<512x128xf32>
    %max3A_33 = arith.maximumf %add3A_30, %max3A_32 : vector<512x128xf32>
    %get3A_34 = arith.constant 0 : index
    %get3A_35 = arith.constant 0 : index
    %get3A_36 = vector.load %arg7[%get3A_34, %get3A_35] : memref<128x64xf32, #tpu.memory_space<vmem>>, vector<128x64xf32>
    %dot_general3A_37 = arith.constant dense<0.000000e+00> : vector<512x64xf32>
    %dot_general3A_38 = tpu.matmul %max3A_33, %get3A_36, %dot_general3A_37 {dimension_numbers = #tpu.dot_dimension_numbers<[1], [0], [0], [1], [0, 0, 1, 1], [], []>, transpose_lhs_hint = false} : vector<512x128xf32>, vector<128x64xf32>, vector<512x64xf32> -> vector<512x64xf32>
    %get3A_39 = arith.constant 0 : index
    %get3A_40 = arith.constant 0 : index
    %get3A_41 = vector.load %arg8[%get3A_39, %get3A_40] : memref<1x64xf32, #tpu.memory_space<vmem>>, vector<1x64xf32>
    %add3A_42 = vector.broadcast %get3A_41 : vector<1x64xf32> to vector<512x64xf32>
    %add3A_43 = arith.addf %dot_general3A_38, %add3A_42 : vector<512x64xf32>
    %swap3A = arith.constant 0 : index
    %swap3A_44 = arith.constant 0 : index
    %swap3A_45 = vector.load %arg9[%swap3A, %swap3A_44] : memref<512x64xf32, #tpu.memory_space<vmem>>, vector<512x64xf32>
    tpu.vector_store %arg9[%swap3A, %swap3A_44], %add3A_43 {strides = array<i32>} : memref<512x64xf32, #tpu.memory_space<vmem>>, vector<512x64xf32>,
    return
  }
  func.func @transform_0(%arg0: i32) -> (i32, i32) {
    %c0_i32 = arith.constant 0 : i32
    %c0_i32_0 = arith.constant 0 : i32
    %c0_i32_1 = arith.constant 0 : i32
    return %c0_i32, %c0_i32_0 : i32, i32
  }
  func.func @transform_1(%arg0: i32) -> (i32, i32) {
    %c0_i32 = arith.constant 0 : i32
    %c0_i32_0 = arith.constant 0 : i32
    %c0_i32_1 = arith.constant 0 : i32
    return %c0_i32, %c0_i32_0 : i32, i32
  }
  func.func @transform_2(%arg0: i32) -> (i32, i32) {
    %c0_i32 = arith.constant 0 : i32
    %c0_i32_0 = arith.constant 0 : i32
    %c0_i32_1 = arith.constant 0 : i32
    return %c0_i32, %c0_i32_0 : i32, i32
  }
  func.func @transform_3(%arg0: i32) -> (i32, i32) {
    %c0_i32 = arith.constant 0 : i32
    %c0_i32_0 = arith.constant 0 : i32
    %c0_i32_1 = arith.constant 0 : i32
    return %c0_i32, %c0_i32_0 : i32, i32
  }
  func.func @transform_4(%arg0: i32) -> (i32, i32) {
    %c0_i32 = arith.constant 0 : i32
    %c0_i32_0 = arith.constant 0 : i32
    %c0_i32_1 = arith.constant 0 : i32
    return %c0_i32, %c0_i32_0 : i32, i32
  }
  func.func @transform_5(%arg0: i32) -> (i32, i32) {
    %c0_i32 = arith.constant 0 : i32
    %c0_i32_0 = arith.constant 0 : i32
    %c0_i32_1 = arith.constant 0 : i32
    return %c0_i32, %c0_i32_0 : i32, i32
  }
  func.func @transform_6(%arg0: i32) -> (i32, i32) {
    %c0_i32 = arith.constant 0 : i32
    %c0_i32_0 = arith.constant 0 : i32
    %c0_i32_1 = arith.constant 0 : i32
    return %c0_i32, %c0_i32_0 : i32, i32
  }
  func.func @transform_7(%arg0: i32) -> (i32, i32) {
    %c0_i32 = arith.constant 0 : i32
    %c0_i32_0 = arith.constant 0 : i32
    %c0_i32_1 = arith.constant 0 : i32
    return %c0_i32, %c0_i32_0 : i32, i32
  }
  func.func @transform_8(%arg0: i32) -> (i32, i32) {
    %c0_i32 = arith.constant 0 : i32
    %c0_i32_0 = arith.constant 0 : i32
    %c0_i32_1 = arith.constant 0 : i32
    return %c0_i32, %c0_i32_0 : i32, i32
  }
}

module attributes {stable_mosaic.version = 14 : i64} {
  func.func @_node_body(%arg0: i32, %arg1: memref<256x128xf32, #tpu.memory_space<vmem>>, %arg2: memref<256x128xf32, #tpu.memory_space<vmem>>, %arg3: memref<256x128xf32, #tpu.memory_space<vmem>>, %arg4: memref<8x128xf32, #tpu.memory_space<vmem>>, %arg5: memref<512x128xf32, #tpu.memory_space<vmem>>, %arg6: memref<1x128xf32, #tpu.memory_space<vmem>>, %arg7: memref<128x128xf32, #tpu.memory_space<vmem>>, %arg8: memref<1x128xf32, #tpu.memory_space<vmem>>, %arg9: memref<128x128xf32, #tpu.memory_space<vmem>>, %arg10: memref<1x128xf32, #tpu.memory_space<vmem>>, %arg11: memref<256x128xf32, #tpu.memory_space<vmem>>, %arg12: memref<8x128xf32, #tpu.memory_space<vmem>>, %arg13: memref<8x128xf32, #tpu.memory_space<vmem>>) attributes {dimension_semantics = [#tpu.dimension_semantics<arbitrary>], iteration_bounds = array<i64: 64>, scalar_prefetch = 0 : i64, scratch_operands = 0 : i64, tpu.core_type = #tpu.core_type<tc>, window_params = [{transform_indices = @transform_0, window_bounds = array<i64: 256, 128>}, {transform_indices = @transform_1, window_bounds = array<i64: 256, 128>}, {transform_indices = @transform_2, window_bounds = array<i64: 256, 128>}, {transform_indices = @transform_3, window_bounds = array<i64: 8, 128>}, {pipeline_mode = #tpu.pipeline_mode<synchronous>, transform_indices = @transform_4, window_bounds = array<i64: 512, 128>}, {pipeline_mode = #tpu.pipeline_mode<synchronous>, transform_indices = @transform_5, window_bounds = array<i64: 1, 128>}, {pipeline_mode = #tpu.pipeline_mode<synchronous>, transform_indices = @transform_6, window_bounds = array<i64: 128, 128>}, {pipeline_mode = #tpu.pipeline_mode<synchronous>, transform_indices = @transform_7, window_bounds = array<i64: 1, 128>}, {pipeline_mode = #tpu.pipeline_mode<synchronous>, transform_indices = @transform_8, window_bounds = array<i64: 128, 128>}, {pipeline_mode = #tpu.pipeline_mode<synchronous>, transform_indices = @transform_9, window_bounds = array<i64: 1, 128>}, {transform_indices = @transform_10, window_bounds = array<i64: 256, 128>}, {transform_indices = @transform_11, window_bounds = array<i64: 8, 128>}, {transform_indices = @transform_12, window_bounds = array<i64: 8, 128>}]} {
    %get3A = arith.constant 0 : index
    %get3A_0 = arith.constant 0 : index
    %get3A_1 = vector.load %arg2[%get3A, %get3A_0] : memref<256x128xf32, #tpu.memory_space<vmem>>, vector<256x128xf32>
    %get3A_2 = arith.constant 0 : index
    %get3A_3 = arith.constant 0 : index
    %get3A_4 = vector.load %arg4[%get3A_2, %get3A_3] : memref<8x128xf32, #tpu.memory_space<vmem>>, vector<8x128xf32>
    %broadcast_in_dim3A = vector.shape_cast %get3A_4 : vector<8x128xf32> to vector<8x1x128xf32>
    %broadcast_in_dim3A_5 = vector.shape_cast %broadcast_in_dim3A : vector<8x1x128xf32> to vector<8x1x128xf32>
    %broadcast_in_dim3A_6 = vector.broadcast %broadcast_in_dim3A_5 : vector<8x1x128xf32> to vector<8x32x128xf32>
    %reshape3A = vector.shape_cast %broadcast_in_dim3A_6 : vector<8x32x128xf32> to vector<256x128xf32>
    %get3A_7 = arith.constant 0 : index
    %get3A_8 = arith.constant 0 : index
    %get3A_9 = vector.load %arg1[%get3A_7, %get3A_8] : memref<256x128xf32, #tpu.memory_space<vmem>>, vector<256x128xf32>
    %get3A_10 = arith.constant 0 : index
    %get3A_11 = arith.constant 0 : index
    %get3A_12 = vector.load %arg5[%get3A_10, %get3A_11] : memref<512x128xf32, #tpu.memory_space<vmem>>, vector<128x128xf32>
    %dot_general3A = arith.constant dense<0.000000e+00> : vector<256x128xf32>
    %dot_general3A_13 = tpu.matmul %get3A_9, %get3A_12, %dot_general3A {dimension_numbers = #tpu.dot_dimension_numbers<[1], [0], [0], [1], [0, 0, 1, 1], [], []>, transpose_lhs_hint = false} : vector<256x128xf32>, vector<128x128xf32>, vector<256x128xf32> -> vector<256x128xf32>
    %get3A_14 = arith.constant 128 : index
    %get3A_15 = arith.constant 0 : index
    %get3A_16 = vector.load %arg5[%get3A_14, %get3A_15] : memref<512x128xf32, #tpu.memory_space<vmem>>, vector<128x128xf32>
    %dot_general3A_17 = arith.constant dense<0.000000e+00> : vector<256x128xf32>
    %dot_general3A_18 = tpu.matmul %get3A_1, %get3A_16, %dot_general3A_17 {dimension_numbers = #tpu.dot_dimension_numbers<[1], [0], [0], [1], [0, 0, 1, 1], [], []>, transpose_lhs_hint = false} : vector<256x128xf32>, vector<128x128xf32>, vector<256x128xf32> -> vector<256x128xf32>
    %add3A = arith.addf %dot_general3A_13, %dot_general3A_18 : vector<256x128xf32>
    %get3A_19 = arith.constant 0 : index
    %get3A_20 = arith.constant 0 : index
    %get3A_21 = vector.load %arg3[%get3A_19, %get3A_20] : memref<256x128xf32, #tpu.memory_space<vmem>>, vector<256x128xf32>
    %get3A_22 = arith.constant 256 : index
    %get3A_23 = arith.constant 0 : index
    %get3A_24 = vector.load %arg5[%get3A_22, %get3A_23] : memref<512x128xf32, #tpu.memory_space<vmem>>, vector<128x128xf32>
    %dot_general3A_25 = arith.constant dense<0.000000e+00> : vector<256x128xf32>
    %dot_general3A_26 = tpu.matmul %get3A_21, %get3A_24, %dot_general3A_25 {dimension_numbers = #tpu.dot_dimension_numbers<[1], [0], [0], [1], [0, 0, 1, 1], [], []>, transpose_lhs_hint = false} : vector<256x128xf32>, vector<128x128xf32>, vector<256x128xf32> -> vector<256x128xf32>
    %add3A_27 = arith.addf %add3A, %dot_general3A_26 : vector<256x128xf32>
    %get3A_28 = arith.constant 384 : index
    %get3A_29 = arith.constant 0 : index
    %get3A_30 = vector.load %arg5[%get3A_28, %get3A_29] : memref<512x128xf32, #tpu.memory_space<vmem>>, vector<128x128xf32>
    %dot_general3A_31 = arith.constant dense<0.000000e+00> : vector<256x128xf32>
    %dot_general3A_32 = tpu.matmul %reshape3A, %get3A_30, %dot_general3A_31 {dimension_numbers = #tpu.dot_dimension_numbers<[1], [0], [0], [1], [0, 0, 1, 1], [], []>, transpose_lhs_hint = false} : vector<256x128xf32>, vector<128x128xf32>, vector<256x128xf32> -> vector<256x128xf32>
    %add3A_33 = arith.addf %add3A_27, %dot_general3A_32 : vector<256x128xf32>
    %get3A_34 = arith.constant 0 : index
    %get3A_35 = arith.constant 0 : index
    %get3A_36 = vector.load %arg6[%get3A_34, %get3A_35] : memref<1x128xf32, #tpu.memory_space<vmem>>, vector<1x128xf32>
    %add3A_37 = vector.broadcast %get3A_36 : vector<1x128xf32> to vector<256x128xf32>
    %add3A_38 = arith.addf %add3A_33, %add3A_37 : vector<256x128xf32>
    %max3A = arith.constant 0.000000e+00 : f32
    %max3A_39 = vector.broadcast %max3A : f32 to vector<256x128xf32>
    %max3A_40 = arith.maximumf %add3A_38, %max3A_39 : vector<256x128xf32>
    %get3A_41 = arith.constant 0 : index
    %get3A_42 = arith.constant 0 : index
    %get3A_43 = vector.load %arg7[%get3A_41, %get3A_42] : memref<128x128xf32, #tpu.memory_space<vmem>>, vector<128x128xf32>
    %dot_general3A_44 = arith.constant dense<0.000000e+00> : vector<256x128xf32>
    %dot_general3A_45 = tpu.matmul %max3A_40, %get3A_43, %dot_general3A_44 {dimension_numbers = #tpu.dot_dimension_numbers<[1], [0], [0], [1], [0, 0, 1, 1], [], []>, transpose_lhs_hint = false} : vector<256x128xf32>, vector<128x128xf32>, vector<256x128xf32> -> vector<256x128xf32>
    %get3A_46 = arith.constant 0 : index
    %get3A_47 = arith.constant 0 : index
    %get3A_48 = vector.load %arg8[%get3A_46, %get3A_47] : memref<1x128xf32, #tpu.memory_space<vmem>>, vector<1x128xf32>
    %add3A_49 = vector.broadcast %get3A_48 : vector<1x128xf32> to vector<256x128xf32>
    %add3A_50 = arith.addf %dot_general3A_45, %add3A_49 : vector<256x128xf32>
    %max3A_51 = arith.constant 0.000000e+00 : f32
    %max3A_52 = vector.broadcast %max3A_51 : f32 to vector<256x128xf32>
    %max3A_53 = arith.maximumf %add3A_50, %max3A_52 : vector<256x128xf32>
    %get3A_54 = arith.constant 0 : index
    %get3A_55 = arith.constant 0 : index
    %get3A_56 = vector.load %arg9[%get3A_54, %get3A_55] : memref<128x128xf32, #tpu.memory_space<vmem>>, vector<128x128xf32>
    %dot_general3A_57 = arith.constant dense<0.000000e+00> : vector<256x128xf32>
    %dot_general3A_58 = tpu.matmul %max3A_53, %get3A_56, %dot_general3A_57 {dimension_numbers = #tpu.dot_dimension_numbers<[1], [0], [0], [1], [0, 0, 1, 1], [], []>, transpose_lhs_hint = false} : vector<256x128xf32>, vector<128x128xf32>, vector<256x128xf32> -> vector<256x128xf32>
    %get3A_59 = arith.constant 0 : index
    %get3A_60 = arith.constant 0 : index
    %get3A_61 = vector.load %arg10[%get3A_59, %get3A_60] : memref<1x128xf32, #tpu.memory_space<vmem>>, vector<1x128xf32>
    %add3A_62 = vector.broadcast %get3A_61 : vector<1x128xf32> to vector<256x128xf32>
    %add3A_63 = arith.addf %dot_general3A_58, %add3A_62 : vector<256x128xf32>
    %swap3A = arith.constant 0 : index
    %swap3A_64 = arith.constant 0 : index
    %swap3A_65 = vector.load %arg11[%swap3A, %swap3A_64] : memref<256x128xf32, #tpu.memory_space<vmem>>, vector<256x128xf32>
    tpu.vector_store %arg11[%swap3A, %swap3A_64], %add3A_63 {strides = array<i32>} : memref<256x128xf32, #tpu.memory_space<vmem>>, vector<256x128xf32>,
    %reshape3A_66 = vector.shape_cast %add3A_63 : vector<256x128xf32> to vector<8x32x128xf32>
    %reduce_sum3A = arith.constant dense<0.000000e+00> : vector<8x128xf32>
    %reduce_sum3A_67 = vector.multi_reduction <add>, %reshape3A_66, %reduce_sum3A [1] : vector<8x32x128xf32> to vector<8x128xf32>
    %swap3A_68 = arith.constant 0 : index
    %swap3A_69 = arith.constant 0 : index
    %swap3A_70 = vector.load %arg12[%swap3A_68, %swap3A_69] : memref<8x128xf32, #tpu.memory_space<vmem>>, vector<8x128xf32>
    tpu.vector_store %arg12[%swap3A_68, %swap3A_69], %reduce_sum3A_67 {strides = array<i32>} : memref<8x128xf32, #tpu.memory_space<vmem>>, vector<8x128xf32>,
    %reshape3A_71 = vector.shape_cast %get3A_1 : vector<256x128xf32> to vector<8x32x128xf32>
    %reduce_sum3A_72 = arith.constant dense<0.000000e+00> : vector<8x128xf32>
    %reduce_sum3A_73 = vector.multi_reduction <add>, %reshape3A_71, %reduce_sum3A_72 [1] : vector<8x32x128xf32> to vector<8x128xf32>
    %swap3A_74 = arith.constant 0 : index
    %swap3A_75 = arith.constant 0 : index
    %swap3A_76 = vector.load %arg13[%swap3A_74, %swap3A_75] : memref<8x128xf32, #tpu.memory_space<vmem>>, vector<8x128xf32>
    tpu.vector_store %arg13[%swap3A_74, %swap3A_75], %reduce_sum3A_73 {strides = array<i32>} : memref<8x128xf32, #tpu.memory_space<vmem>>, vector<8x128xf32>,
    return
  }
  func.func @transform_0(%arg0: i32) -> (i32, i32) {
    %c0_i32 = arith.constant 0 : i32
    %c0_i32_0 = arith.constant 0 : i32
    return %arg0, %c0_i32 : i32, i32
  }
  func.func @transform_1(%arg0: i32) -> (i32, i32) {
    %c0_i32 = arith.constant 0 : i32
    %c0_i32_0 = arith.constant 0 : i32
    return %arg0, %c0_i32 : i32, i32
  }
  func.func @transform_2(%arg0: i32) -> (i32, i32) {
    %c0_i32 = arith.constant 0 : i32
    %c0_i32_0 = arith.constant 0 : i32
    return %arg0, %c0_i32 : i32, i32
  }
  func.func @transform_3(%arg0: i32) -> (i32, i32) {
    %c0_i32 = arith.constant 0 : i32
    %c0_i32_0 = arith.constant 0 : i32
    return %arg0, %c0_i32 : i32, i32
  }
  func.func @transform_4(%arg0: i32) -> (i32, i32) {
    %c0_i32 = arith.constant 0 : i32
    %c0_i32_0 = arith.constant 0 : i32
    %c0_i32_1 = arith.constant 0 : i32
    return %c0_i32, %c0_i32_0 : i32, i32
  }
  func.func @transform_5(%arg0: i32) -> (i32, i32) {
    %c0_i32 = arith.constant 0 : i32
    %c0_i32_0 = arith.constant 0 : i32
    %c0_i32_1 = arith.constant 0 : i32
    return %c0_i32, %c0_i32_0 : i32, i32
  }
  func.func @transform_6(%arg0: i32) -> (i32, i32) {
    %c0_i32 = arith.constant 0 : i32
    %c0_i32_0 = arith.constant 0 : i32
    %c0_i32_1 = arith.constant 0 : i32
    return %c0_i32, %c0_i32_0 : i32, i32
  }
  func.func @transform_7(%arg0: i32) -> (i32, i32) {
    %c0_i32 = arith.constant 0 : i32
    %c0_i32_0 = arith.constant 0 : i32
    %c0_i32_1 = arith.constant 0 : i32
    return %c0_i32, %c0_i32_0 : i32, i32
  }
  func.func @transform_8(%arg0: i32) -> (i32, i32) {
    %c0_i32 = arith.constant 0 : i32
    %c0_i32_0 = arith.constant 0 : i32
    %c0_i32_1 = arith.constant 0 : i32
    return %c0_i32, %c0_i32_0 : i32, i32
  }
  func.func @transform_9(%arg0: i32) -> (i32, i32) {
    %c0_i32 = arith.constant 0 : i32
    %c0_i32_0 = arith.constant 0 : i32
    %c0_i32_1 = arith.constant 0 : i32
    return %c0_i32, %c0_i32_0 : i32, i32
  }
  func.func @transform_10(%arg0: i32) -> (i32, i32) {
    %c0_i32 = arith.constant 0 : i32
    %c0_i32_0 = arith.constant 0 : i32
    return %arg0, %c0_i32 : i32, i32
  }
  func.func @transform_11(%arg0: i32) -> (i32, i32) {
    %c0_i32 = arith.constant 0 : i32
    %c0_i32_0 = arith.constant 0 : i32
    return %arg0, %c0_i32 : i32, i32
  }
  func.func @transform_12(%arg0: i32) -> (i32, i32) {
    %c0_i32 = arith.constant 0 : i32
    %c0_i32_0 = arith.constant 0 : i32
    return %arg0, %c0_i32 : i32, i32
  }
}

</mosaic_0001>

<sc_bundles>
// kernel: kernel.17.cloned.1.call-start
scs
__scs_entry_jumppad:
0x0: {  	(pc) =	sbr.rel $0x88, $3  }
0x1: {  	(tag) =	ssettag $0x0;
	lr =	simm.s32 $0x1  }
0x2: {  	[smem:$0x3F81] =	sst lr;
	_ =	strace $0xD0000000  }
0x3: {  	_ = 	snop  }
0x4: {  	_ = 	snop  }
0x5: {  	_ = 	snop  }
0x6: {  	_ = 	snop  }
0x7: {  	_ = 	snop  }
__scs_overlays_trampoline_lowered:
0x8: {  	[smem:$0x3F90] =	sst s0  }
0x9: {  	[smem:$0x3F91] =	sst s1  }
0xa: {  	[smem:$0x3F92] =	sst s2  }
0xb: {  	[smem:$0x3F93] =	sst s3  }
0xc: {  	[smem:$0x3F94] =	sst s4  }
0xd: {  	[smem:$0x3F95] =	sst s5  }
0xe: {  	[smem:$0x3F96] =	sst s6  }
0xf: {  	[smem:$0x3F97] =	sst s7  }
0x10: {  	[smem:$0x3F98] =	sst s8  }
0x11: {  	[smem:$0x3F99] =	sst s9;
	s0 =	simm.s32 @!p0 $0x0  }
0x12: {  	s1 =	sld [smem:$0x3F7F];
	s0 =	simm.s32 @p0 $0x1  }
0x13: {  	[smem:$0x3F9A] =	sst s0;
	s0 =	simm.s32 @!p1 $0x0  }
0x14: {  	s2 =	sld [smem:$0x3F7E];
	s0 =	simm.s32 @p1 $0x1  }
0x15: {  	[smem:$0x3F9B] =	sst s0;
	s0 =	simm.s32 @!p2 $0x0  }
0x16: {  	s3 =	sld [smem:$0x3FDB];
	s0 =	simm.s32 @p2 $0x1  }
0x17: {  	s4 =	simm.s32 $0x1BF5;
	[smem:$0x3F9D] =	sst s0  }
0x18: {  	s0 =	sld [smem:$0x3F80];
	_ =	swait.ge [sflag:s4], $0x0  }
0x19: {  	s7 =	sld [smem:$0x3F81]  }
0x1a: {  	s8 =	sadd.s32 $0xFFFFE003, lr  }
0x1b: {  	s9 =	sadd.s32 $0xFFFFFEF7, lr;
	s5 =	simm.s32 $0xFFFFFFFF;
	p2 =	slt.u32 s8, $0xFFFFF086  }
0x1c: {  	p1 =	slt.u32 s9, $0xF7A;
	s5 =	simm.s32 @!p2 $0x0  }
0x1d: {  	s5 =	simm.s32 @p1 $0x1;
	p0 =	seq.s32 s7, s2  }
0x1e: {  	s7 =	smul.u32 @!p0 $0xF7A, s2;
	p2 =	seq.s32 @!p0 s5, $0x0  }
0x1f: {  	s9 =	smul.u32 $0xF7A, s1;
	s8 =	simm.s32 @!p0 $0x1BF5;
	p2 =	por !p2, p0  }
0x20: {  	[sflag:s8] =	ssyncset.s32 @!p0 $0xFFFFF086;
	s6 =	sadd.s32 @!p0 s3, s7;
	s7 =	simm.s32 @!p0 $0x108  }
0x21: {  	s3 =	sadd.s32 s3, s9;
	s6 =	sadd.s32 @!p0 $0x88, s6;
	s7 =	simm.s32 @p2 $0x1082  }
0x22: {  	[simem:s7], [sflag:s8] =	dma.local @!p0 [hbm:s6], $0xF7A  }
0x23: {  	s9 =	sor.u32 $0xD0000000, s2;
	s6 =	simm.s32 $0x108;
	_ =	swait.ge @!p0 [sflag:s8], $0x0  }
0x24: {  	s3 =	sadd.s32 $0x88, s3;
	s6 =	simm.s32 @!p1 $0x1082;
	[sflag:s4] =	ssyncset.s32 $0xFFFFF086  }
0x25: {  	[simem:s6], [sflag:s4] =	dma.local [hbm:s3], $0xF7A  }
0x26: {  	[smem:$0x3F81] =	sst s1;
	(tag) =	ssettag s2;
	_ =	strace s9  }
0x27: {  	s1 =	sld [smem:$0x3F91]  }
0x28: {  	s2 =	sld [smem:$0x3F92]  }
0x29: {  	s4 =	sld [smem:$0x3F94]  }
0x2a: {  	p0 =	seq.s32 s5, $0x0;
	s5 =	sld [smem:$0x3F95]  }
0x2b: {  	s6 =	sld [smem:$0x3F96]  }
0x2c: {  	s7 =	sld [smem:$0x3F97]  }
0x2d: {  	s3 =	simm.s32 $0x108;
	s8 =	sld [smem:$0x3F98]  }
0x2e: {  	s3 =	simm.s32 @!p0 $0x1082;
	s9 =	sld [smem:$0x3F99]  }
0x2f: {  	lr =	sadd.s32 s0, s3;
	s0 =	sld [smem:$0x3F90]  }
0x30: {  	s3 =	sld [smem:$0x3F93]  }
0x31: {  	[smem:$0x3F9C] =	sst s10  }
0x32: {  	s10 =	sld [smem:$0x3F9A];
	_ =	sdelay $0x3  }
0x33: {  	p0 =	seq.s32 s10, $0x1;
	s10 =	sld [smem:$0x3F9C];
	_ =	sdelay $0x3  }
0x34: {  	[smem:$0x3F9C] =	sst s10  }
0x35: {  	s10 =	sld [smem:$0x3F9B];
	_ =	sdelay $0x3  }
0x36: {  	p1 =	seq.s32 s10, $0x1;
	s10 =	sld [smem:$0x3F9C];
	_ =	sdelay $0x3  }
0x37: {  	[smem:$0x3F9C] =	sst s10  }
0x38: {  	s10 =	sld [smem:$0x3F9D]  }
0x39: {  	_ = 	snop;
	(pc) =	sbr.ind lr, $3  }
0x3a: {  	_ = 	snop  }
0x3b: {  	_ = 	snop  }
0x3c: {  	p2 =	seq.s32 s10, $0x1;
	s10 =	sld [smem:$0x3F9C]  }
0x3d: {  	_ =	shalt  }
0x3e: {  	_ =	shalt  }
0x3f: {  	_ =	shalt  }
0x40: {  	_ =	shalt  }
0x41: {  	_ =	shalt  }
0x42: {  	_ =	shalt  }
0x43: {  	_ =	shalt  }
0x44: {  	_ =	shalt  }
0x45: {  	_ =	shalt  }
0x46: {  	_ =	shalt  }
0x47: {  	_ =	shalt  }
0x48: {  	_ =	shalt  }
0x49: {  	_ =	shalt  }
0x4a: {  	_ =	shalt  }
0x4b: {  	_ =	shalt  }
0x4c: {  	_ =	shalt  }
0x4d: {  	_ =	shalt  }
0x4e: {  	_ =	shalt  }
0x4f: {  	_ =	shalt  }
0x50: {  	_ =	shalt  }
0x51: {  	_ =	shalt  }
0x52: {  	_ =	shalt  }
0x53: {  	_ =	shalt  }
0x54: {  	_ =	shalt  }
0x55: {  	_ =	shalt  }
0x56: {  	_ =	shalt  }
0x57: {  	_ =	shalt  }
0x58: {  	_ =	shalt  }
0x59: {  	_ =	shalt  }
0x5a: {  	_ =	shalt  }
0x5b: {  	_ =	shalt  }
0x5c: {  	_ =	shalt  }
0x5d: {  	_ =	shalt  }
0x5e: {  	_ =	shalt  }
0x5f: {  	_ =	shalt  }
0x60: {  	_ =	shalt  }
0x61: {  	_ =	shalt  }
0x62: {  	_ =	shalt  }
0x63: {  	_ =	shalt  }
0x64: {  	_ =	shalt  }
0x65: {  	_ =	shalt  }
0x66: {  	_ =	shalt  }
0x67: {  	_ =	shalt  }
0x68: {  	_ =	shalt  }
0x69: {  	_ =	shalt  }
0x6a: {  	_ =	shalt  }
0x6b: {  	_ =	shalt  }
0x6c: {  	_ =	shalt  }
0x6d: {  	_ =	shalt  }
0x6e: {  	_ =	shalt  }
0x6f: {  	_ =	shalt  }
0x70: {  	_ =	shalt  }
0x71: {  	_ =	shalt  }
0x72: {  	_ =	shalt  }
0x73: {  	_ =	shalt  }
0x74: {  	_ =	shalt  }
0x75: {  	_ =	shalt  }
0x76: {  	_ =	shalt  }
0x77: {  	_ =	shalt  }
0x78: {  	_ =	shalt  }
0x79: {  	_ =	shalt  }
0x7a: {  	_ =	shalt  }
0x7b: {  	_ =	shalt  }
0x7c: {  	_ =	shalt  }
0x7d: {  	_ =	shalt  }
0x7e: {  	_ =	shalt  }
0x7f: {  	_ =	shalt  }
0x80: {  	_ =	shalt  }
0x81: {  	_ =	shalt  }
0x82: {  	_ =	shalt  }
0x83: {  	_ =	shalt  }
0x84: {  	_ =	shalt  }
0x85: {  	_ =	shalt  }
0x86: {  	_ =	shalt  }
0x87: {  	_ =	shalt  }
.Lfunc_end0:
.L_simem_size_0:
called_computation_lowered:
.L_overlay_start_0:
0x88: {  	s2 =	sld [smem:$0x3FD9]  }
0x89: {  	s3 =	sld [smem:$0x3FFE];
	_ =	sdelay $0x1  }
0x8a: {  	s1 =	srdreg.scid  }
0x8b: {  	s0 =	sand.u32 $0x1, s1  }
0x8c: {  	s16 =	sshll.u32 s0, $0xA;
	s2 =	sadd.s32 s3, s2  }
0x8d: {  	s2 =	sadd.s32 s2, s16  }
0x8e: {  	[smem:$0x3FA8] =	sst s2  }
0x8f: {  	_ = 	snop  }
0x90: {  	(tm) =	ssettm $0x1  }
0x91: {  	s17 =	sld [smem:$0x3FFB];
	_ =	sdelay $0x3  }
0x92: {  	_ =	strace s17  }
0x93: {  	s2 =	sld [smem:$0x3FFC];
	_ =	sdelay $0x3  }
0x94: {  	_ =	strace s2  }
0x95: {  	s2 =	sld [smem:$0x3FFD];
	_ =	sdelay $0x3  }
0x96: {  	_ =	strace s2  }
0x97: {  	_ =	strace $0x8FFFFFFF  }
0x98: {  	s18 =	sld [smem:$0x3FDB];
	_ =	sdelay $0x1  }
0x99: {  	s19 =	simm.s32 $_scs_section_size  }
0x9a: {  	s4 =	simm.s32 $_size__tile_overlayer_lowered;
	s5 =	simm.s32 $_tile_overlayer_lowered  }
0x9b: {  	s22 =	simm.s32 $0x1BFF;
	s21 =	sshll.u32 s5, $0x1;
	s2 =	sadd.s32 s19, s18  }
0x9c: {  	s6 =	simm.s32 $0x0;
	s20 =	sshll.u32 s4, $0x1;
	s4 =	sadd.s32 s21, s2  }
0x9d: {  	[timem:s6], [sflag:s22] =	dma.local [hbm:s4], s20  }
0x9e: {  	_ =	swait.ge [sflag:s22], s20  }
0x9f: {  	s3 =	ssub.s32 $0x0, s20;
	[sflag:s22] =	ssyncset.done $0x0  }
0xa0: {  	[sflag:s22] =	ssyncadd.s32 s3;
	_ =	sdelay $0x1  }
0xa1: {  	s23 =	simm.s32 $0x1B8B  }
0xa2: {  	_ =	swait.ge [sflag:s23], $0x1  }
0xa3: {  	[sflag:s23] =	ssyncset.done $0x0  }
0xa4: {  	s25 =	simm.s32 $0x1B8E;
	s24 =	sld [smem:$0x3FFE];
	[sflag:s23] =	ssyncadd.s32 $0xFFFFFFFF  }
0xa5: {  	s26 =	simm.s32 $execute0_lowered;
	[smem:$0x3FD2] =	sst s25  }
0xa6: {  	s4 =	sshll.u32 s26, $0x1;
	_ =	strace $0x80000046;
	[dreg:$0x1] =	wrdreg $0xFFFFFFFF  }
0xa7: {  	s28 =	simm.s32 $_size_execute0_lowered;
	s2 =	sadd.s32 s2, s4;
	[dreg:$0x0] =	wrdreg $0x0  }
0xa8: {  	s4 =	sshll.u32 s28, $0x1;
	[dreg:$0x2] =	wrdreg s2  }
0xa9: {  	[dreg:$0x3] =	wrdreg s4  }
0xaa: {  	[dreg:$0x4] =	wrdreg $0xC0  }
0xab: {  	_ =	task [dreg:s6], $0x5FFFF  }
0xac: {  	[dreg:$0x1] =	wrdreg $0xFFFFFFFF  }
0xad: {  	[dreg:$0x0] =	wrdreg $0x60  }
0xae: {  	[dreg:$0x2] =	wrdreg s24  }
0xaf: {  	[dreg:$0x3] =	wrdreg $0x140800  }
0xb0: {  	[dreg:$0x4] =	wrdreg $0x9  }
0xb1: {  	_ =	task.clear_ibuf [dreg:s6], $0x5FFFF;
	_ =	strace $0x90000046  }
0xb2: {  	s29 =	simm.s32 $0x9;
	_ =	strace $0x80000048  }
0xb3: {  	_ =	swait.ge [sflag:s29], $0x1  }
0xb4: {  	[sflag:s29] =	ssyncadd.s32 $0xFFFFFFFF  }
0xb5: {  	_ =	strace $0x90000048  }
0xb6: {  	_ =	sfence  }
0xb7: {  	s30 =	sld [smem:$0x0];
	_ =	sdelay $0x2  }
0xb8: {  	s31 =	sshll.u32 s1, $0xD;
	s1 =	sshrl.u32 s1, $0x2  }
0xb9: {  	s3 =	sand.u32 $0x4000, s31;
	s1 =	sadd.s32 s1, s30  }
0xba: {  	s0 =	sor.u32 s3, s0;
	s1 =	sshll.u32 s1, $0x11  }
0xbb: {  	s0 =	sor.u32 s1, s0  }
0xbc: {  	s0 =	sadd.s32 $0x8F2B, s0  }
0xbd: {  	[sflag:s0] =	ssyncadd.remote.s32 $0x1  }
0xbe: {  	_ =	sfence.sel $0xFFFF  }
0xbf: {  	[dreg:$0x0] =	wrdreg $0xFFFFFFFF;
	(pc) =	sbr.abs _section_cstart, $3  }
0xc0: {  	[dreg:$0x1] =	wrdreg $0xFFFFFFFF  }
0xc1: {  	_ =	task.clear_ibuf [dreg:s6], $0x2FFFF;
	_ =	strace $0x9FFFFFFF  }
0xc2: {  	(tm) =	ssettm $0x7FFFFFFF  }
0xc3: {  	_ =	shalt  }
tec
execute0_lowered:
.L_overlay_start_1:
0x0: {  	(tag) =	ssettag $0x1  }
0x1: {  	s6 =	rddreg [dreg:$0x0]  }
0x2: {  	s1 =	rddreg [dreg:$0x1];
	s3 =	simm.s32 $0x0  }
0x3: {  	s4 =	srdreg.scid;
	s0 =	stileid.u32;
	s15 =	simm.s32 $0xC080  }
0x4: {  	s16 =	simm.s32 $0x80;
	[smem:$0x7FF] =	sst s3;
	s11 =	sand.u32 $0x1, s4  }
0x5: {  	s8 =	sshll.u32 s0, $0xE;
	s4 =	sadd.s32 $0x19E00, s6;
	s13 =	sadd.s32 $0x99E00, s6  }
0x6: {  	s17 =	sshll.u32 s0, $0x7;
	s31 =	sshll.u32 s0, $0x12;
	s25 =	sshll.u32 s0, $0x6  }
0x7: {  	_ =	strace $0x80000047;
	s5 =	sshll.u32 s11, $0xD;
	s7 =	ssub.s32 $0x2, s11  }
0x8: {  	s18 =	sor.u32 $0x10, s17;
	s19 =	sor.u32 $0x20, s17;
	s20 =	sor.u32 $0x30, s17  }
0x9: {  	v7 =	vlaneseq.u32;
	s21 =	sor.u32 $0x40, s17;
	s22 =	sor.u32 $0x50, s17;
	s23 =	sor.u32 $0x60, s17  }
0xa: {  	s24 =	sor.u32 $0x70, s17;
	s11 =	sshll.u32 s11, $0x11;
	v0 =	vor.u32 s17, v7;
	s17 =	simm.s32 $0x1  }
0xb: {  	s9 =	sor.u32 s5, s8;
	s5 =	sadd.s32 $0x59E00, s6;
	s12 =	sshrl.u32 s7, $0x1  }
0xc: {  	s8 =	sadd.s32 s8, s1;
	v1 =	vor.u32 s18, v7;
	s18 =	simm.s32 $0x2;
	v2 =	vor.u32 s19, v7;
	s19 =	simm.s32 $0x4000  }
0xd: {  	v3 =	vor.u32 s20, v7;
	s20 =	sor.u32 $0x1C03, s25;
	v5 =	vor.u32 s22, v7;
	v6 =	vor.u32 s23, v7;
	s22 =	simm.s32 $0x8080;
	s23 =	simm.s32 $0x10080  }
0xe: {  	v4 =	vor.u32 s21, v7;
	v7 =	vor.u32 s24, v7;
	s24 =	simm.s32 $0x0;
	s10 =	sshrl.u32 s9, $0x3;
	s12 =	ssub.s32 s7, s12  }
0xf: {  	s9 =	sshll.u32 s9, $0x4;
	s21 =	sshrl.u32 s8, $0x3;
	s10 =	sadd.s32 s10, s6  }
0x10: {  	s30 =	sadd.s32 s13, s9;
	s9 =	smax.u32 s12, $0x1;
	s12 =	sadd.s32 s31, s13  }
0x11: {  	s13 =	simm.s32 $0x2000;
	s6 =	sadd.s32 $0x11E00, s10;
	s7 =	sadd.s32 $0x9E00, s10  }
0x12: {  	s10 =	sadd.s32 $0x1F800, s30;
	s11 =	sadd.s32 s11, s12;
	s12 =	simm.s32 $0x3  }
.LBB2_1:
0x13: {  	[tilespmem:s3], [sflag:$0x3] =	stream.linear.gather [hbm4b:s6+s3], $0x2000, $0x38;
	[tilespmem:$0x18080] =	vst v63  }
0x14: {  	_ =	swait.ge [sflag:s12], $0x2000  }
0x15: {  	[sflag:s12] =	ssyncset.done $0x0  }
0x16: {  	[sflag:s12] =	ssyncadd.s32 $0xFFFFE000  }
0x17: {  	[tilespmem:s13], [sflag:$0x3] =	stream.linear.gather [hbm4b:s7+s3], $0x2000, $0x38;
	[tilespmem:$0x18080] =	vst v63  }
0x18: {  	_ =	swait.ge [sflag:s12], $0x2000  }
0x19: {  	[sflag:s12] =	ssyncset.done $0x0  }
0x1a: {  	[sflag:s12] =	ssyncadd.s32 $0xFFFFE000  }
0x1b: {  	[tilespmem:$0x4000] =	vst v0  }
0x1c: {  	[tilespmem:$0x4010] =	vst v1  }
0x1d: {  	[tilespmem:$0x4020] =	vst v2  }
0x1e: {  	[tilespmem:$0x4030] =	vst v3  }
0x1f: {  	[tilespmem:$0x4040] =	vst v4  }
0x20: {  	[tilespmem:$0x4050] =	vst v5  }
0x21: {  	[tilespmem:$0x4060] =	vst v6  }
0x22: {  	s0 =	simm.s32 $0x4080;
	[tilespmem:$0x4070] =	vst v7  }
0x23: {  	[tilespmem:s0], [sflag:$0x1] =	stream.indirect.gather [hbm4b:s4+s16], $0x80, s3, s16, $0xb8;
	[tilespmem:$0x18080] =	vst v63  }
0x24: {  	s25 =	sand.u32 $0x4000, s19  }
0x25: {  	[tilespmem:s15], [sflag:$0x2] =	stream.indirect.gather [hbm4b:s5+s16], $0x80, s13, s16, $0xb8;
	[tilespmem:$0x18080] =	vst v63  }
0x26: {  	s26 =	sadd.s32 $0x4080, s25  }
0x27: {  	[tilespmem:s26], [sflag:$0x1] =	stream.indirect.gather [hbm4b:s4+s16], $0x80, s16, s16, $0xb8;
	[tilespmem:$0x18080] =	vst v63  }
0x28: {  	s25 =	sadd.s32 $0xC080, s25;
	s0 =	simm.s32 $0x2080  }
0x29: {  	[tilespmem:s25], [sflag:$0x2] =	stream.indirect.gather [hbm4b:s5+s16], $0x80, s0, s16, $0xb8;
	[tilespmem:$0x18080] =	vst v63  }
0x2a: {  	s2 =	simm.s32 $0x0;
	_ =	swait.ge [sflag:s17], $0x4000  }
0x2b: {  	s25 =	sand.u32 $0x4000, s2;
	[sflag:s17] =	ssyncset.done $0x0  }
0x2c: {  	s14 =	sadd.s32 $0x4080, s25;
	[sflag:s17] =	ssyncadd.s32 $0xFFFFC000  }
0x2d: {  	[spmem:s8] =	stream.linear.scatter [tilespmem:s14], [sflag:$0x3], $0x4000, $0x38;
	[tilespmem:$0x18080] =	vst v63  }
0x2e: {  	_ =	swait.ge [sflag:s12], $0x4000  }
0x2f: {  	[sflag:s12] =	ssyncset.done $0x0  }
0x30: {  	[sflag:s12] =	ssyncadd.s32 $0xFFFFC000  }
0x31: {  	_ =	swait.ge [sflag:s18], $0x4000  }
0x32: {  	[sflag:s18] =	ssyncset.done $0x0  }
0x33: {  	s25 =	sadd.s32 $0xC080, s25;
	[sflag:s18] =	ssyncadd.s32 $0xFFFFC000  }
0x34: {  	[spmem:s1] =	stream.indirect.scatter.add.f32 [tilespmem:s25], [sflag:$0x3], $0x80, s19, s16, $0xb8;
	[tilespmem:$0x18080] =	vst v63  }
0x35: {  	_ =	swait.ge [sflag:s12], $0x4000  }
0x36: {  	[sflag:s12] =	ssyncset.done $0x0  }
0x37: {  	s31 =	simm.s32 $0xC000;
	s29 =	simm.s32 $0x100;
	[sflag:s12] =	ssyncadd.s32 $0xFFFFC000  }
0x38: {  	[hbm:s11], [sflag:s20] =	dma.local [spmem:s21], $0x800  }
0x39: {  	s28 =	simm.s32 $0x2100;
	s26 =	simm.s32 $0x8000;
	_ =	swait.ge [sflag:s12], $0x800  }
0x3a: {  	s30 =	sand.u32 $0x4000, s26;
	s25 =	sadd.s32 $0x800, s11;
	[sflag:s12] =	ssyncset.done $0x0  }
.LBB2_2:
0x3b: {  	s0 =	sadd.s32 $0x4080, s30  }
0x3c: {  	[sflag:s12] =	ssyncadd.s32 $0xFFFFF800;
	s2 =	smov.u32 s31;
	s14 =	sadd.s32 $0x4000, s31  }
0x3d: {  	[tilespmem:s0], [sflag:$0x1] =	stream.indirect.gather [hbm4b:s4+s16], $0x80, s29, s16, $0xb8;
	[tilespmem:$0x18080] =	vst v63  }
0x3e: {  	p0 =	sne.s32 s31, $0xFC000;
	s0 =	sadd.s32 $0xC080, s30  }
0x3f: {  	[tilespmem:s0], [sflag:$0x2] =	stream.indirect.gather [hbm4b:s5+s16], $0x80, s28, s16, $0xb8;
	[tilespmem:$0x18080] =	vst v63  }
0x40: {  	s0 =	sadd.s32 $0xFFFFC000, s26;
	s26 =	smov.u32 s2;
	_ =	swait.ge [sflag:s17], $0x4000  }
0x41: {  	s0 =	sand.u32 $0x4000, s0;
	[sflag:s17] =	ssyncset.done $0x0  }
0x42: {  	s2 =	sadd.s32 $0x4080, s0;
	[sflag:s17] =	ssyncadd.s32 $0xFFFFC000  }
0x43: {  	[spmem:s8] =	stream.linear.scatter [tilespmem:s2], [sflag:$0x3], $0x4000, $0x38;
	[tilespmem:$0x18080] =	vst v63  }
0x44: {  	_ =	swait.ge [sflag:s12], $0x4000  }
0x45: {  	[sflag:s12] =	ssyncset.done $0x0  }
0x46: {  	[sflag:s12] =	ssyncadd.s32 $0xFFFFC000  }
0x47: {  	_ =	swait.ge [sflag:s18], $0x4000  }
0x48: {  	[sflag:s18] =	ssyncset.done $0x0  }
0x49: {  	s0 =	sadd.s32 $0xC080, s0;
	[sflag:s18] =	ssyncadd.s32 $0xFFFFC000  }
0x4a: {  	[spmem:s1] =	stream.indirect.scatter.add.f32 [tilespmem:s0], [sflag:$0x3], $0x80, s19, s16, $0xb8;
	[tilespmem:$0x18080] =	vst v63  }
0x4b: {  	_ =	swait.ge [sflag:s12], $0x4000  }
.Ltmp0:
0x4c: {  	[sflag:s12] =	ssyncset.done $0x0;
	(pc) =	sbr.rel @p0 .LBB2_2-.Ltmp0, $4  }
0x4d: {  	s29 =	sadd.s32 $0x80, s29;
	[sflag:s12] =	ssyncadd.s32 $0xFFFFC000  }
0x4e: {  	[hbm:s25], [sflag:s20] =	dma.local [spmem:s21], $0x800  }
0x4f: {  	s31 =	smov.u32 s14;
	s28 =	sadd.s32 $0x80, s28;
	_ =	swait.ge [sflag:s12], $0x800  }
0x50: {  	s30 =	sand.u32 $0x4000, s26;
	s25 =	sadd.s32 $0x800, s25;
	[sflag:s12] =	ssyncset.done $0x0  }
0x51: {  	s0 =	sadd.s32 $0x4080, s30;
	[sflag:s12] =	ssyncadd.s32 $0xFFFFF800  }
0x52: {  	[tilespmem:s0], [sflag:$0x1] =	stream.indirect.gather [hbm4b:s4+s16], $0x80, s29, s16, $0xb8;
	[tilespmem:$0x18080] =	vst v63  }
0x53: {  	s30 =	sadd.s32 $0xC080, s30  }
0x54: {  	[tilespmem:s30], [sflag:$0x2] =	stream.indirect.gather [hbm4b:s5+s16], $0x80, s28, s16, $0xb8;
	[tilespmem:$0x18080] =	vst v63  }
0x55: {  	s31 =	sadd.s32 $0xFFFFC000, s26;
	_ =	swait.ge [sflag:s17], $0x4000  }
0x56: {  	s0 =	sand.u32 $0x4000, s31;
	[sflag:s17] =	ssyncset.done $0x0  }
0x57: {  	s2 =	sadd.s32 $0x4080, s0;
	[sflag:s17] =	ssyncadd.s32 $0xFFFFC000  }
0x58: {  	[spmem:s8] =	stream.linear.scatter [tilespmem:s2], [sflag:$0x3], $0x4000, $0x38;
	[tilespmem:$0x18080] =	vst v63  }
0x59: {  	_ =	swait.ge [sflag:s12], $0x4000  }
0x5a: {  	[sflag:s12] =	ssyncset.done $0x0  }
0x5b: {  	[sflag:s12] =	ssyncadd.s32 $0xFFFFC000  }
0x5c: {  	_ =	swait.ge [sflag:s18], $0x4000  }
0x5d: {  	[sflag:s18] =	ssyncset.done $0x0  }
0x5e: {  	s0 =	sadd.s32 $0xC080, s0;
	[sflag:s18] =	ssyncadd.s32 $0xFFFFC000  }
0x5f: {  	[spmem:s1] =	stream.indirect.scatter.add.f32 [tilespmem:s0], [sflag:$0x3], $0x80, s19, s16, $0xb8;
	[tilespmem:$0x18080] =	vst v63  }
0x60: {  	_ =	swait.ge [sflag:s12], $0x4000  }
0x61: {  	[sflag:s12] =	ssyncset.done $0x0  }
0x62: {  	[sflag:s12] =	ssyncadd.s32 $0xFFFFC000  }
0x63: {  	[hbm:s25], [sflag:s20] =	dma.local [spmem:s21], $0x800  }
0x64: {  	_ =	swait.ge [sflag:s12], $0x800  }
0x65: {  	[sflag:s12] =	ssyncset.done $0x0  }
0x66: {  	[sflag:s12] =	ssyncadd.s32 $0xFFFFF800  }
0x67: {  	_ =	swait.ge [sflag:s17], $0x4000  }
0x68: {  	[sflag:s17] =	ssyncset.done $0x0  }
0x69: {  	[sflag:s17] =	ssyncadd.s32 $0xFFFFC000  }
0x6a: {  	[spmem:s8] =	stream.linear.scatter [tilespmem:s22], [sflag:$0x3], $0x4000, $0x38;
	[tilespmem:$0x18080] =	vst v63  }
0x6b: {  	_ =	swait.ge [sflag:s12], $0x4000  }
0x6c: {  	[sflag:s12] =	ssyncset.done $0x0  }
0x6d: {  	[sflag:s12] =	ssyncadd.s32 $0xFFFFC000  }
0x6e: {  	_ =	swait.ge [sflag:s18], $0x4000  }
0x6f: {  	[sflag:s18] =	ssyncset.done $0x0  }
0x70: {  	[sflag:s18] =	ssyncadd.s32 $0xFFFFC000  }
0x71: {  	[spmem:s1] =	stream.indirect.scatter.add.f32 [tilespmem:s23], [sflag:$0x3], $0x80, s19, s16, $0xb8;
	[tilespmem:$0x18080] =	vst v63  }
0x72: {  	s24 =	sadd.s32 $0x1, s24;
	_ =	swait.ge [sflag:s12], $0x4000  }
0x73: {  	p0 =	sne.s32 s24, s9;
	[sflag:s12] =	ssyncset.done $0x0  }
.Ltmp1:
0x74: {  	[sflag:s12] =	ssyncadd.s32 $0xFFFFC000;
	(pc) =	sbr.rel @p0 .LBB2_1-.Ltmp1, $4  }
0x75: {  	[hbm:s10], [sflag:s20] =	dma.local [spmem:s21], $0x800  }
0x76: {  	_ =	swait.ge [sflag:s12], $0x800  }
0x77: {  	[sflag:s12] =	ssyncset.done $0x0  }
0x78: {  	[sflag:s12] =	ssyncadd.s32 $0xFFFFF800  }
0x79: {  	_ =	sfence.sel $0x180000  }
0x7a: {  	[bflag:$0x0] =	sbarrier.arrive $0xFFFF  }
0x7b: {  	_ =	strace $0x90000047  }
0x7c: {  	s0 =	stileid.u32;
	[bflag:$0x2] =	sbarrier.arrive $0xFFFF  }
0x7d: {  	p0 =	sne.s32 s0, $0x0;
	s0 =	rddreg [dreg:$0x2]  }
0x7e: {  	s0 =	sadd.s32 @!p0 $0x100000, s0  }
0x7f: {  	[sflag:s0] =	ssyncadd.tile.s32 @!p0 $0x1;
	_ =	shalt  }
.Lfunc_end2:
_tile_overlayer_lowered:
.L_overlay_start_2:
0x80: {  	(tag) =	ssettag $0x2  }
0x81: {  	s0 =	rddreg [dreg:$0x0];
	s2 =	stileid.u32  }
0x82: {  	s1 =	rddreg [dreg:$0x1];
	p0 =	sne.s32 s2, $0x0  }
0x83: {  	s3 =	rddreg [dreg:$0x2];
	[bflag:$0x3] =	sbarrier.arrive $0xFFFF;
	s2 =	simm.s32 @!p0 $0x1C03  }
0x84: {  	[timem:s3], [sflag:s2] =	dma.local @!p0 [hbm:s0], s1  }
0x85: {  	s0 =	simm.s32 @!p0 $0x3  }
0x86: {  	_ =	swait.ge @!p0 [sflag:s0], s1  }
0x87: {  	s1 =	ssub.s32 @!p0 $0x0, s1;
	[sflag:s0] =	ssyncset.done @!p0 $0x0  }
0x88: {  	[sflag:s0] =	ssyncadd.s32 @!p0 s1  }
0x89: {  	[bflag:$0x3] =	sbarrier.arrive $0xFFFF  }
0x8a: {  	_ =	shalt  }

// kernel: kernel.20.cloned.1.call-start
scs
__scs_entry_jumppad:
0x0: {  	(pc) =	sbr.rel $0x88, $3  }
0x1: {  	(tag) =	ssettag $0x0;
	lr =	simm.s32 $0x1  }
0x2: {  	[smem:$0x3F81] =	sst lr;
	_ =	strace $0xD0000000  }
0x3: {  	_ = 	snop  }
0x4: {  	_ = 	snop  }
0x5: {  	_ = 	snop  }
0x6: {  	_ = 	snop  }
0x7: {  	_ = 	snop  }
__scs_overlays_trampoline_lowered:
0x8: {  	[smem:$0x3F90] =	sst s0  }
0x9: {  	[smem:$0x3F91] =	sst s1  }
0xa: {  	[smem:$0x3F92] =	sst s2  }
0xb: {  	[smem:$0x3F93] =	sst s3  }
0xc: {  	[smem:$0x3F94] =	sst s4  }
0xd: {  	[smem:$0x3F95] =	sst s5  }
0xe: {  	[smem:$0x3F96] =	sst s6  }
0xf: {  	[smem:$0x3F97] =	sst s7  }
0x10: {  	[smem:$0x3F98] =	sst s8  }
0x11: {  	[smem:$0x3F99] =	sst s9;
	s0 =	simm.s32 @!p0 $0x0  }
0x12: {  	s1 =	sld [smem:$0x3F7F];
	s0 =	simm.s32 @p0 $0x1  }
0x13: {  	[smem:$0x3F9A] =	sst s0;
	s0 =	simm.s32 @!p1 $0x0  }
0x14: {  	s2 =	sld [smem:$0x3F7E];
	s0 =	simm.s32 @p1 $0x1  }
0x15: {  	[smem:$0x3F9B] =	sst s0;
	s0 =	simm.s32 @!p2 $0x0  }
0x16: {  	s3 =	sld [smem:$0x3FDB];
	s0 =	simm.s32 @p2 $0x1  }
0x17: {  	s4 =	simm.s32 $0x1BF5;
	[smem:$0x3F9D] =	sst s0  }
0x18: {  	s0 =	sld [smem:$0x3F80];
	_ =	swait.ge [sflag:s4], $0x0  }
0x19: {  	s7 =	sld [smem:$0x3F81]  }
0x1a: {  	s8 =	sadd.s32 $0xFFFFE003, lr  }
0x1b: {  	s9 =	sadd.s32 $0xFFFFFEF7, lr;
	s5 =	simm.s32 $0xFFFFFFFF;
	p2 =	slt.u32 s8, $0xFFFFF086  }
0x1c: {  	p1 =	slt.u32 s9, $0xF7A;
	s5 =	simm.s32 @!p2 $0x0  }
0x1d: {  	s5 =	simm.s32 @p1 $0x1;
	p0 =	seq.s32 s7, s2  }
0x1e: {  	s7 =	smul.u32 @!p0 $0xF7A, s2;
	p2 =	seq.s32 @!p0 s5, $0x0  }
0x1f: {  	s9 =	smul.u32 $0xF7A, s1;
	s8 =	simm.s32 @!p0 $0x1BF5;
	p2 =	por !p2, p0  }
0x20: {  	[sflag:s8] =	ssyncset.s32 @!p0 $0xFFFFF086;
	s6 =	sadd.s32 @!p0 s3, s7;
	s7 =	simm.s32 @!p0 $0x108  }
0x21: {  	s3 =	sadd.s32 s3, s9;
	s6 =	sadd.s32 @!p0 $0x88, s6;
	s7 =	simm.s32 @p2 $0x1082  }
0x22: {  	[simem:s7], [sflag:s8] =	dma.local @!p0 [hbm:s6], $0xF7A  }
0x23: {  	s9 =	sor.u32 $0xD0000000, s2;
	s6 =	simm.s32 $0x108;
	_ =	swait.ge @!p0 [sflag:s8], $0x0  }
0x24: {  	s3 =	sadd.s32 $0x88, s3;
	s6 =	simm.s32 @!p1 $0x1082;
	[sflag:s4] =	ssyncset.s32 $0xFFFFF086  }
0x25: {  	[simem:s6], [sflag:s4] =	dma.local [hbm:s3], $0xF7A  }
0x26: {  	[smem:$0x3F81] =	sst s1;
	(tag) =	ssettag s2;
	_ =	strace s9  }
0x27: {  	s1 =	sld [smem:$0x3F91]  }
0x28: {  	s2 =	sld [smem:$0x3F92]  }
0x29: {  	s4 =	sld [smem:$0x3F94]  }
0x2a: {  	p0 =	seq.s32 s5, $0x0;
	s5 =	sld [smem:$0x3F95]  }
0x2b: {  	s6 =	sld [smem:$0x3F96]  }
0x2c: {  	s7 =	sld [smem:$0x3F97]  }
0x2d: {  	s3 =	simm.s32 $0x108;
	s8 =	sld [smem:$0x3F98]  }
0x2e: {  	s3 =	simm.s32 @!p0 $0x1082;
	s9 =	sld [smem:$0x3F99]  }
0x2f: {  	lr =	sadd.s32 s0, s3;
	s0 =	sld [smem:$0x3F90]  }
0x30: {  	s3 =	sld [smem:$0x3F93]  }
0x31: {  	[smem:$0x3F9C] =	sst s10  }
0x32: {  	s10 =	sld [smem:$0x3F9A];
	_ =	sdelay $0x3  }
0x33: {  	p0 =	seq.s32 s10, $0x1;
	s10 =	sld [smem:$0x3F9C];
	_ =	sdelay $0x3  }
0x34: {  	[smem:$0x3F9C] =	sst s10  }
0x35: {  	s10 =	sld [smem:$0x3F9B];
	_ =	sdelay $0x3  }
0x36: {  	p1 =	seq.s32 s10, $0x1;
	s10 =	sld [smem:$0x3F9C];
	_ =	sdelay $0x3  }
0x37: {  	[smem:$0x3F9C] =	sst s10  }
0x38: {  	s10 =	sld [smem:$0x3F9D]  }
0x39: {  	_ = 	snop;
	(pc) =	sbr.ind lr, $3  }
0x3a: {  	_ = 	snop  }
0x3b: {  	_ = 	snop  }
0x3c: {  	p2 =	seq.s32 s10, $0x1;
	s10 =	sld [smem:$0x3F9C]  }
0x3d: {  	_ =	shalt  }
0x3e: {  	_ =	shalt  }
0x3f: {  	_ =	shalt  }
0x40: {  	_ =	shalt  }
0x41: {  	_ =	shalt  }
0x42: {  	_ =	shalt  }
0x43: {  	_ =	shalt  }
0x44: {  	_ =	shalt  }
0x45: {  	_ =	shalt  }
0x46: {  	_ =	shalt  }
0x47: {  	_ =	shalt  }
0x48: {  	_ =	shalt  }
0x49: {  	_ =	shalt  }
0x4a: {  	_ =	shalt  }
0x4b: {  	_ =	shalt  }
0x4c: {  	_ =	shalt  }
0x4d: {  	_ =	shalt  }
0x4e: {  	_ =	shalt  }
0x4f: {  	_ =	shalt  }
0x50: {  	_ =	shalt  }
0x51: {  	_ =	shalt  }
0x52: {  	_ =	shalt  }
0x53: {  	_ =	shalt  }
0x54: {  	_ =	shalt  }
0x55: {  	_ =	shalt  }
0x56: {  	_ =	shalt  }
0x57: {  	_ =	shalt  }
0x58: {  	_ =	shalt  }
0x59: {  	_ =	shalt  }
0x5a: {  	_ =	shalt  }
0x5b: {  	_ =	shalt  }
0x5c: {  	_ =	shalt  }
0x5d: {  	_ =	shalt  }
0x5e: {  	_ =	shalt  }
0x5f: {  	_ =	shalt  }
0x60: {  	_ =	shalt  }
0x61: {  	_ =	shalt  }
0x62: {  	_ =	shalt  }
0x63: {  	_ =	shalt  }
0x64: {  	_ =	shalt  }
0x65: {  	_ =	shalt  }
0x66: {  	_ =	shalt  }
0x67: {  	_ =	shalt  }
0x68: {  	_ =	shalt  }
0x69: {  	_ =	shalt  }
0x6a: {  	_ =	shalt  }
0x6b: {  	_ =	shalt  }
0x6c: {  	_ =	shalt  }
0x6d: {  	_ =	shalt  }
0x6e: {  	_ =	shalt  }
0x6f: {  	_ =	shalt  }
0x70: {  	_ =	shalt  }
0x71: {  	_ =	shalt  }
0x72: {  	_ =	shalt  }
0x73: {  	_ =	shalt  }
0x74: {  	_ =	shalt  }
0x75: {  	_ =	shalt  }
0x76: {  	_ =	shalt  }
0x77: {  	_ =	shalt  }
0x78: {  	_ =	shalt  }
0x79: {  	_ =	shalt  }
0x7a: {  	_ =	shalt  }
0x7b: {  	_ =	shalt  }
0x7c: {  	_ =	shalt  }
0x7d: {  	_ =	shalt  }
0x7e: {  	_ =	shalt  }
0x7f: {  	_ =	shalt  }
0x80: {  	_ =	shalt  }
0x81: {  	_ =	shalt  }
0x82: {  	_ =	shalt  }
0x83: {  	_ =	shalt  }
0x84: {  	_ =	shalt  }
0x85: {  	_ =	shalt  }
0x86: {  	_ =	shalt  }
0x87: {  	_ =	shalt  }
.Lfunc_end0:
.L_simem_size_0:
called_computation.1_lowered:
.L_overlay_start_0:
0x88: {  	s2 =	sld [smem:$0x3FD9]  }
0x89: {  	s3 =	sld [smem:$0x3FFE];
	_ =	sdelay $0x1  }
0x8a: {  	s1 =	srdreg.scid  }
0x8b: {  	s0 =	sand.u32 $0x1, s1  }
0x8c: {  	s17 =	sshll.u32 s0, $0xA;
	s2 =	sadd.s32 s3, s2  }
0x8d: {  	s2 =	sadd.s32 s2, s17  }
0x8e: {  	[smem:$0x3FA8] =	sst s2  }
0x8f: {  	_ = 	snop  }
0x90: {  	(tm) =	ssettm $0x1  }
0x91: {  	s18 =	sld [smem:$0x3FFB];
	_ =	sdelay $0x3  }
0x92: {  	_ =	strace s18  }
0x93: {  	s2 =	sld [smem:$0x3FFC];
	_ =	sdelay $0x3  }
0x94: {  	_ =	strace s2  }
0x95: {  	s2 =	sld [smem:$0x3FFD];
	_ =	sdelay $0x3  }
0x96: {  	_ =	strace s2  }
0x97: {  	_ =	strace $0x8FFFFFFF  }
0x98: {  	s19 =	sld [smem:$0x3FDB];
	_ =	sdelay $0x1  }
0x99: {  	s20 =	simm.s32 $_scs_section_size  }
0x9a: {  	s4 =	simm.s32 $_size__tile_overlayer_lowered;
	s5 =	simm.s32 $_tile_overlayer_lowered  }
0x9b: {  	s6 =	simm.s32 $0x1BFF;
	s21 =	sshll.u32 s5, $0x1;
	s3 =	sadd.s32 s20, s19  }
0x9c: {  	s22 =	simm.s32 $0x0;
	s4 =	sshll.u32 s4, $0x1;
	s5 =	sadd.s32 s21, s3  }
0x9d: {  	[timem:s22], [sflag:s6] =	dma.local [hbm:s5], s4  }
0x9e: {  	_ =	swait.ge [sflag:s6], s4  }
0x9f: {  	s4 =	ssub.s32 $0x0, s4;
	[sflag:s6] =	ssyncset.done $0x0  }
0xa0: {  	[sflag:s6] =	ssyncadd.s32 s4;
	_ =	sdelay $0x1  }
0xa1: {  	s23 =	simm.s32 $0x1B8B  }
0xa2: {  	_ =	swait.ge [sflag:s23], $0x1  }
0xa3: {  	[sflag:s23] =	ssyncset.done $0x0  }
0xa4: {  	[sflag:s23] =	ssyncadd.s32 $0xFFFFFFFF  }
0xa5: {  	s4 =	sld [smem:$0x0]  }
0xa6: {  	s5 =	sand.u32 $0xFFFFFFFE, s1  }
0xa7: {  	p0 =	sne.s32 s1, s5  }
0xa8: {  	s5 =	sshll.u32 @p0 s5, $0xE  }
0xa9: {  	s5 =	sadd.s32 @p0 $0x11B8D, s5;
	s6 =	sshll.u32 @p0 s4, $0x11  }
0xaa: {  	s5 =	sor.u32 @p0 s6, s5  }
0xab: {  	[sflag:s5] =	ssyncadd.remote.s32 @p0 $0x1;
	_ =	sdelay $0x1  }
0xac: {  	s5 =	simm.s32 @p0 $0x1B8D  }
0xad: {  	_ =	swait.eq @p0 [sflag:s5], $0x1  }
0xae: {  	[sflag:s5] =	ssyncadd.s32 @p0 $0xFFFFFFFF  }
0xaf: {  	s6 =	sshll.u32 @!p0 s1, $0xE  }
0xb0: {  	s6 =	sor.u32 @!p0 $0x4000, s6;
	s5 =	simm.s32 @!p0 $0x1B8D  }
0xb1: {  	s4 =	sshll.u32 @!p0 s4, $0x11;
	s6 =	sadd.s32 @!p0 $0x11B8D, s6;
	_ =	swait.eq @!p0 [sflag:s5], $0x1  }
0xb2: {  	s4 =	sor.u32 @!p0 s4, s6;
	[sflag:s5] =	ssyncadd.s32 @!p0 $0xFFFFFFFF  }
0xb3: {  	s25 =	simm.s32 $0x1B8E;
	s24 =	sld [smem:$0x3FFE];
	[sflag:s4] =	ssyncadd.remote.s32 @!p0 $0x1  }
0xb4: {  	s26 =	simm.s32 $execute0_lowered;
	[smem:$0x3FD2] =	sst s25  }
0xb5: {  	s5 =	sshll.u32 s26, $0x1;
	_ =	strace $0x8000004C;
	[dreg:$0x1] =	wrdreg $0xFFFFFFFF  }
0xb6: {  	s28 =	simm.s32 $_size_execute0_lowered;
	s3 =	sadd.s32 s3, s5;
	[dreg:$0x0] =	wrdreg $0x0  }
0xb7: {  	s5 =	sshll.u32 s28, $0x1;
	[dreg:$0x2] =	wrdreg s3  }
0xb8: {  	[dreg:$0x3] =	wrdreg s5  }
0xb9: {  	[dreg:$0x4] =	wrdreg $0xC0  }
0xba: {  	_ =	task [dreg:s22], $0x5FFFF  }
0xbb: {  	[dreg:$0x1] =	wrdreg $0xFFFFFFFF  }
0xbc: {  	[dreg:$0x0] =	wrdreg $0x60  }
0xbd: {  	[dreg:$0x2] =	wrdreg s24  }
0xbe: {  	[dreg:$0x3] =	wrdreg $0xC0800  }
0xbf: {  	[dreg:$0x4] =	wrdreg $0x9  }
0xc0: {  	_ =	task.clear_ibuf [dreg:s22], $0x5FFFF;
	_ =	strace $0x9000004C  }
0xc1: {  	s29 =	simm.s32 $0x9;
	_ =	strace $0x8000004E  }
0xc2: {  	_ =	swait.ge [sflag:s29], $0x1  }
0xc3: {  	[sflag:s29] =	ssyncadd.s32 $0xFFFFFFFF  }
0xc4: {  	_ =	strace $0x9000004E  }
0xc5: {  	_ =	sfence  }
0xc6: {  	s30 =	sld [smem:$0x0];
	_ =	sdelay $0x2  }
0xc7: {  	s31 =	sshll.u32 s1, $0xD;
	s1 =	sshrl.u32 s1, $0x2  }
0xc8: {  	s4 =	sand.u32 $0x4000, s31;
	s1 =	sadd.s32 s1, s30  }
0xc9: {  	s0 =	sor.u32 s4, s0;
	s1 =	sshll.u32 s1, $0x11  }
0xca: {  	s0 =	sor.u32 s1, s0  }
0xcb: {  	s0 =	sadd.s32 $0x8F2B, s0  }
0xcc: {  	[sflag:s0] =	ssyncadd.remote.s32 $0x1  }
0xcd: {  	_ =	sfence.sel $0xFFFF  }
0xce: {  	[dreg:$0x0] =	wrdreg $0xFFFFFFFF;
	(pc) =	sbr.abs _section_cstart, $3  }
0xcf: {  	[dreg:$0x1] =	wrdreg $0xFFFFFFFF  }
0xd0: {  	_ =	task.clear_ibuf [dreg:s22], $0x2FFFF;
	_ =	strace $0x9FFFFFFF  }
0xd1: {  	(tm) =	ssettm $0x7FFFFFFF  }
tec
execute0_lowered:
.L_overlay_start_1:
0x0: {  	(tag) =	ssettag $0x1  }
0x1: {  	s5 =	rddreg [dreg:$0x0]  }
0x2: {  	s2 =	rddreg [dreg:$0x1]  }
0x3: {  	s0 =	rddreg [dreg:$0x2]  }
0x4: {  	s3 =	simm.s32 $0x0;
	s1 =	stileid.u32;
	s4 =	srdreg.scid  }
0x5: {  	s13 =	simm.s32 $0x4080;
	s14 =	simm.s32 $0x1;
	s15 =	simm.s32 $0x80  }
0x6: {  	s17 =	simm.s32 $0x8080;
	s18 =	simm.s32 $0x0;
	[smem:$0x7FF] =	sst s3  }
0x7: {  	s6 =	sshll.u32 s1, $0x12;
	s7 =	sshll.u32 s1, $0xB;
	s8 =	sand.u32 $0x1, s4  }
0x8: {  	s4 =	sadd.s32 $0xB600, s5;
	s29 =	sshll.u32 s1, $0xD;
	s31 =	sshll.u32 s1, $0x6  }
0x9: {  	_ =	strace $0x8000004D;
	s9 =	sadd.s32 s6, s5;
	s7 =	sadd.s32 s7, s5  }
0xa: {  	s10 =	sshll.u32 s8, $0x11;
	s11 =	ssub.s32 $0x2, s8;
	s16 =	sshll.u32 s8, $0xD  }
0xb: {  	s6 =	sshrl.u32 s6, $0x2;
	s10 =	sadd.s32 s10, s5;
	s28 =	sshrl.u32 s11, $0x1  }
0xc: {  	s5 =	sadd.s32 $0x11E00, s7;
	s12 =	sadd.s32 s6, s2;
	s6 =	sadd.s32 $0xD29E00, s9  }
0xd: {  	s9 =	sadd.s32 $0xD2A600, s9;
	v0 =	vmov s16;
	s16 =	simm.s32 $0x4000;
	s11 =	ssub.s32 s11, s28  }
0xe: {  	s30 =	sadd.s32 s29, s10;
	s10 =	simm.s32 $0x2;
	s12 =	sshrl.u32 s12, $0x3  }
0xf: {  	s7 =	sadd.s32 $0x929E00, s30;
	s8 =	smax.u32 s11, $0x1;
	s11 =	sor.u32 $0x1C02, s31  }
.LBB2_1:
0x10: {  	[tilespmem:s3], [sflag:$0x2] =	stream.linear.gather [hbm4b:s5+s3], $0x4000, $0x38;
	[tilespmem:$0x1C0C0] =	vst v63  }
0x11: {  	_ =	swait.ge [sflag:s10], $0x4000  }
0x12: {  	[sflag:s10] =	ssyncset.done $0x0  }
0x13: {  	[sflag:s10] =	ssyncadd.s32 $0xFFFFC000  }
0x14: {  	[spmem:s12], [sflag:s11] =	dma.local [hbm:s4], $0x2000  }
0x15: {  	_ =	swait.ge [sflag:s10], $0x2000  }
0x16: {  	s19 =	simm.s32 $0x10000;
	[sflag:s10] =	ssyncset.done $0x0  }
0x17: {  	s19 =	sand.u32 $0x10000, s19;
	[sflag:s10] =	ssyncadd.s32 $0xFFFFE000  }
0x18: {  	s19 =	sshrl.u32 s19, $0x2;
	[bflag:$0x0] =	sbarrier.arrive $0xFFFF  }
0x19: {  	[tilespmem:s13], [sflag:$0x1] =	stream.linear.gather [hbm4b:s6+s3], $0x4000, $0x38;
	[tilespmem:$0x1C0C0] =	vst v63  }
0x1a: {  	s20 =	simm.s32 $0x40;
	s19 =	sadd.s32 $0x4080, s19  }
0x1b: {  	[tilespmem:s19], [sflag:$0x1] =	stream.linear.gather [hbm4b:s9+s3], $0x4000, $0x38;
	[tilespmem:$0x1C0C0] =	vst v63  }
0x1c: {  	v1 =	vld [tilespmem:s20+$0xFFFFFFC0];
	_ =	sdelay $0x4  }
0x1d: {  	v1 =	vsub.s32 v1, v0  }
0x1e: {  	v1 =	vmin.u32 v1, $0x2000  }
0x1f: {  	[tilespmem:$0x4000] =	vst v1  }
0x20: {  	v1 =	vld [tilespmem:s20+$0xFFFFFFD0];
	_ =	sdelay $0x4  }
0x21: {  	v1 =	vsub.s32 v1, v0  }
0x22: {  	v1 =	vmin.u32 v1, $0x2000  }
0x23: {  	[tilespmem:$0x4010] =	vst v1  }
0x24: {  	v1 =	vld [tilespmem:s20+$0xFFFFFFE0];
	_ =	sdelay $0x4  }
0x25: {  	v1 =	vsub.s32 v1, v0  }
0x26: {  	v1 =	vmin.u32 v1, $0x2000  }
0x27: {  	[tilespmem:$0x4020] =	vst v1  }
0x28: {  	v1 =	vld [tilespmem:s20+$0xFFFFFFF0];
	_ =	sdelay $0x4  }
0x29: {  	v1 =	vsub.s32 v1, v0  }
0x2a: {  	v1 =	vmin.u32 v1, $0x2000  }
0x2b: {  	[tilespmem:$0x4030] =	vst v1  }
0x2c: {  	v1 =	vld [tilespmem:s20+$0x0];
	_ =	sdelay $0x4  }
0x2d: {  	v1 =	vsub.s32 v1, v0  }
0x2e: {  	v1 =	vmin.u32 v1, $0x2000  }
0x2f: {  	[tilespmem:$0x4040] =	vst v1  }
0x30: {  	v1 =	vld [tilespmem:s20+$0x10];
	_ =	sdelay $0x4  }
0x31: {  	v1 =	vsub.s32 v1, v0  }
0x32: {  	v1 =	vmin.u32 v1, $0x2000  }
0x33: {  	[tilespmem:$0x4050] =	vst v1  }
0x34: {  	v1 =	vld [tilespmem:s20+$0x20];
	_ =	sdelay $0x4  }
0x35: {  	v1 =	vsub.s32 v1, v0  }
0x36: {  	v1 =	vmin.u32 v1, $0x2000  }
0x37: {  	[tilespmem:$0x4060] =	vst v1  }
0x38: {  	v1 =	vld [tilespmem:s20+$0x30];
	_ =	sdelay $0x4  }
0x39: {  	v1 =	vsub.s32 v1, v0  }
0x3a: {  	v1 =	vmin.u32 v1, $0x2000  }
0x3b: {  	s30 =	simm.s32 $0x0;
	[tilespmem:$0x4070] =	vst v1  }
0x3c: {  	s31 =	sand.u32 $0x10000, s30;
	_ =	swait.ge [sflag:s14], $0x4000  }
0x3d: {  	s19 =	simm.s32 $0x20000;
	s20 =	sshrl.u32 s31, $0x2;
	[sflag:s14] =	ssyncset.done $0x0  }
0x3e: {  	s21 =	sand.u32 $0x10000, s19;
	s20 =	sadd.s32 $0x4080, s20;
	[sflag:s14] =	ssyncadd.s32 $0xFFFFC000  }
0x3f: {  	[spmem:s2] =	stream.indirect.scatter.add.f32 [tilespmem:s20], [sflag:$0x2], $0x80, s16, s15, $0xb8;
	[tilespmem:$0x1C0C0] =	vst v63  }
0x40: {  	s24 =	simm.s32 $0x30000;
	s23 =	sshrl.u32 s21, $0x2;
	_ =	swait.ge [sflag:s10], $0x4000  }
0x41: {  	s21 =	sadd.s32 $0x800, s9;
	s20 =	simm.s32 $0xC0;
	[sflag:s10] =	ssyncset.done $0x0  }
.LBB2_2:
0x42: {  	s25 =	sadd.s32 $0x4080, s23  }
0x43: {  	[sflag:s10] =	ssyncadd.s32 $0xFFFFC000;
	s23 =	smov.u32 s24;
	s22 =	sadd.s32 $0x10000, s24  }
0x44: {  	[tilespmem:s25], [sflag:$0x1] =	stream.linear.gather [hbm4b:s21+s3], $0x4000, $0x38;
	[tilespmem:$0x1C0C0] =	vst v63  }
0x45: {  	p0 =	sne.s32 s24, $0x7F0000;
	v1 =	vld [tilespmem:s20+$0xFFFFFFC0];
	_ =	sdelay $0x4  }
0x46: {  	v1 =	vsub.s32 v1, v0  }
0x47: {  	v1 =	vmin.u32 v1, $0x2000  }
0x48: {  	[tilespmem:$0x4000] =	vst v1  }
0x49: {  	v1 =	vld [tilespmem:s20+$0xFFFFFFD0];
	_ =	sdelay $0x4  }
0x4a: {  	v1 =	vsub.s32 v1, v0  }
0x4b: {  	v1 =	vmin.u32 v1, $0x2000  }
0x4c: {  	[tilespmem:$0x4010] =	vst v1  }
0x4d: {  	v1 =	vld [tilespmem:s20+$0xFFFFFFE0];
	_ =	sdelay $0x4  }
0x4e: {  	v1 =	vsub.s32 v1, v0  }
0x4f: {  	v1 =	vmin.u32 v1, $0x2000  }
0x50: {  	[tilespmem:$0x4020] =	vst v1  }
0x51: {  	v1 =	vld [tilespmem:s20+$0xFFFFFFF0];
	_ =	sdelay $0x4  }
0x52: {  	v1 =	vsub.s32 v1, v0  }
0x53: {  	v1 =	vmin.u32 v1, $0x2000  }
0x54: {  	[tilespmem:$0x4030] =	vst v1  }
0x55: {  	v1 =	vld [tilespmem:s20+$0x0];
	_ =	sdelay $0x4  }
0x56: {  	v1 =	vsub.s32 v1, v0  }
0x57: {  	v1 =	vmin.u32 v1, $0x2000  }
0x58: {  	[tilespmem:$0x4040] =	vst v1  }
0x59: {  	v1 =	vld [tilespmem:s20+$0x10];
	_ =	sdelay $0x4  }
0x5a: {  	v1 =	vsub.s32 v1, v0  }
0x5b: {  	v1 =	vmin.u32 v1, $0x2000  }
0x5c: {  	[tilespmem:$0x4050] =	vst v1  }
0x5d: {  	v1 =	vld [tilespmem:s20+$0x20];
	_ =	sdelay $0x4  }
0x5e: {  	v1 =	vsub.s32 v1, v0  }
0x5f: {  	v1 =	vmin.u32 v1, $0x2000  }
0x60: {  	[tilespmem:$0x4060] =	vst v1  }
0x61: {  	v1 =	vld [tilespmem:s20+$0x30];
	_ =	sdelay $0x4  }
0x62: {  	v1 =	vsub.s32 v1, v0  }
0x63: {  	v1 =	vmin.u32 v1, $0x2000  }
0x64: {  	s24 =	sadd.s32 $0xFFFF0000, s19;
	s19 =	smov.u32 s23;
	[tilespmem:$0x4070] =	vst v1  }
0x65: {  	s23 =	sand.u32 $0x10000, s24;
	_ =	swait.ge [sflag:s14], $0x4000  }
.Ltmp0:
0x66: {  	s23 =	sshrl.u32 s23, $0x2;
	[sflag:s14] =	ssyncset.done $0x0;
	(pc) =	sbr.rel @p0 .LBB2_2-.Ltmp0, $4  }
0x67: {  	s21 =	sadd.s32 $0x800, s21;
	s23 =	sadd.s32 $0x4080, s23;
	[sflag:s14] =	ssyncadd.s32 $0xFFFFC000  }
0x68: {  	[spmem:s2] =	stream.indirect.scatter.add.f32 [tilespmem:s23], [sflag:$0x2], $0x80, s16, s15, $0xb8;
	[tilespmem:$0x1C0C0] =	vst v63  }
0x69: {  	s20 =	sadd.s32 $0x80, s20;
	s23 =	sand.u32 $0x10000, s19;
	_ =	swait.ge [sflag:s10], $0x4000  }
0x6a: {  	s24 =	smov.u32 s22;
	s23 =	sshrl.u32 s23, $0x2;
	[sflag:s10] =	ssyncset.done $0x0  }
0x6b: {  	s22 =	sadd.s32 $0x4080, s23;
	[sflag:s10] =	ssyncadd.s32 $0xFFFFC000  }
0x6c: {  	[tilespmem:s22], [sflag:$0x1] =	stream.linear.gather [hbm4b:s21+s3], $0x4000, $0x38;
	[tilespmem:$0x1C0C0] =	vst v63  }
0x6d: {  	v1 =	vld [tilespmem:s20+$0xFFFFFFC0];
	_ =	sdelay $0x4  }
0x6e: {  	v1 =	vsub.s32 v1, v0  }
0x6f: {  	v1 =	vmin.u32 v1, $0x2000  }
0x70: {  	[tilespmem:$0x4000] =	vst v1  }
0x71: {  	v1 =	vld [tilespmem:s20+$0xFFFFFFD0];
	_ =	sdelay $0x4  }
0x72: {  	v1 =	vsub.s32 v1, v0  }
0x73: {  	v1 =	vmin.u32 v1, $0x2000  }
0x74: {  	[tilespmem:$0x4010] =	vst v1  }
0x75: {  	v1 =	vld [tilespmem:s20+$0xFFFFFFE0];
	_ =	sdelay $0x4  }
0x76: {  	v1 =	vsub.s32 v1, v0  }
0x77: {  	v1 =	vmin.u32 v1, $0x2000  }
0x78: {  	[tilespmem:$0x4020] =	vst v1  }
0x79: {  	v1 =	vld [tilespmem:s20+$0xFFFFFFF0];
	_ =	sdelay $0x4  }
0x7a: {  	v1 =	vsub.s32 v1, v0  }
0x7b: {  	v1 =	vmin.u32 v1, $0x2000  }
0x7c: {  	[tilespmem:$0x4030] =	vst v1  }
0x7d: {  	v1 =	vld [tilespmem:s20+$0x0];
	_ =	sdelay $0x4  }
0x7e: {  	v1 =	vsub.s32 v1, v0  }
0x7f: {  	v1 =	vmin.u32 v1, $0x2000  }
0x80: {  	[tilespmem:$0x4040] =	vst v1  }
0x81: {  	v1 =	vld [tilespmem:s20+$0x10];
	_ =	sdelay $0x4  }
0x82: {  	v1 =	vsub.s32 v1, v0  }
0x83: {  	v1 =	vmin.u32 v1, $0x2000  }
0x84: {  	[tilespmem:$0x4050] =	vst v1  }
0x85: {  	v1 =	vld [tilespmem:s20+$0x20];
	_ =	sdelay $0x4  }
0x86: {  	v1 =	vsub.s32 v1, v0  }
0x87: {  	v1 =	vmin.u32 v1, $0x2000  }
0x88: {  	[tilespmem:$0x4060] =	vst v1  }
0x89: {  	v1 =	vld [tilespmem:s20+$0x30];
	_ =	sdelay $0x4  }
0x8a: {  	v1 =	vsub.s32 v1, v0  }
0x8b: {  	v1 =	vmin.u32 v1, $0x2000  }
0x8c: {  	s19 =	sadd.s32 $0xFFFF0000, s19;
	[tilespmem:$0x4070] =	vst v1  }
0x8d: {  	s19 =	sand.u32 $0x10000, s19;
	_ =	swait.ge [sflag:s14], $0x4000  }
0x8e: {  	s19 =	sshrl.u32 s19, $0x2;
	[sflag:s14] =	ssyncset.done $0x0  }
0x8f: {  	s19 =	sadd.s32 $0x4080, s19;
	[sflag:s14] =	ssyncadd.s32 $0xFFFFC000  }
0x90: {  	[spmem:s2] =	stream.indirect.scatter.add.f32 [tilespmem:s19], [sflag:$0x2], $0x80, s16, s15, $0xb8;
	[tilespmem:$0x1C0C0] =	vst v63  }
0x91: {  	_ =	swait.ge [sflag:s10], $0x4000  }
0x92: {  	[sflag:s10] =	ssyncset.done $0x0  }
0x93: {  	[sflag:s10] =	ssyncadd.s32 $0xFFFFC000  }
0x94: {  	v1 =	vld [tilespmem:$0x3F80]  }
0x95: {  	v2 =	vld [tilespmem:$0x3F90]  }
0x96: {  	v3 =	vld [tilespmem:$0x3FA0]  }
0x97: {  	v4 =	vld [tilespmem:$0x3FB0]  }
0x98: {  	v5 =	vld [tilespmem:$0x3FC0]  }
0x99: {  	v6 =	vld [tilespmem:$0x3FD0];
	v1 =	vsub.s32 v1, v0  }
0x9a: {  	v7 =	vld [tilespmem:$0x3FE0];
	v2 =	vsub.s32 v2, v0;
	v1 =	vmin.u32 v1, $0x2000  }
0x9b: {  	[tilespmem:$0x4000] =	vst v1;
	v1 =	vmin.u32 v2, $0x2000;
	v2 =	vsub.s32 v3, v0;
	v3 =	vld [tilespmem:$0x3FF0]  }
0x9c: {  	[tilespmem:$0x4010] =	vst v1;
	v1 =	vmin.u32 v2, $0x2000;
	v2 =	vsub.s32 v4, v0  }
0x9d: {  	[tilespmem:$0x4020] =	vst v1;
	v1 =	vmin.u32 v2, $0x2000;
	v2 =	vsub.s32 v5, v0  }
0x9e: {  	[tilespmem:$0x4030] =	vst v1;
	v1 =	vmin.u32 v2, $0x2000;
	v2 =	vsub.s32 v6, v0  }
0x9f: {  	[tilespmem:$0x4040] =	vst v1;
	v1 =	vmin.u32 v2, $0x2000;
	v2 =	vsub.s32 v7, v0  }
0xa0: {  	[tilespmem:$0x4050] =	vst v1;
	v1 =	vmin.u32 v2, $0x2000;
	v2 =	vsub.s32 v3, v0  }
0xa1: {  	[tilespmem:$0x4060] =	vst v1;
	v1 =	vmin.u32 v2, $0x2000  }
0xa2: {  	[tilespmem:$0x4070] =	vst v1  }
0xa3: {  	_ =	swait.ge [sflag:s14], $0x4000  }
0xa4: {  	[sflag:s14] =	ssyncset.done $0x0  }
0xa5: {  	[sflag:s14] =	ssyncadd.s32 $0xFFFFC000  }
0xa6: {  	[spmem:s2] =	stream.indirect.scatter.add.f32 [tilespmem:s17], [sflag:$0x2], $0x80, s16, s15, $0xb8;
	[tilespmem:$0x1C0C0] =	vst v63  }
0xa7: {  	_ =	swait.ge [sflag:s10], $0x4000  }
0xa8: {  	s18 =	sadd.s32 $0x1, s18;
	[sflag:s10] =	ssyncset.done $0x0  }
0xa9: {  	p0 =	sne.s32 s18, s8;
	[sflag:s10] =	ssyncadd.s32 $0xFFFFC000  }
.Ltmp1:
0xaa: {  	[bflag:$0x0] =	sbarrier.arrive $0xFFFF;
	(pc) =	sbr.rel @p0 .LBB2_1-.Ltmp1, $4  }
0xab: {  	[hbm:s7], [sflag:s11] =	dma.local [spmem:s12], $0x2000  }
0xac: {  	_ =	swait.ge [sflag:s10], $0x2000  }
0xad: {  	[sflag:s10] =	ssyncset.done $0x0  }
0xae: {  	[sflag:s10] =	ssyncadd.s32 $0xFFFFE000  }
0xaf: {  	_ =	sfence.sel $0x180000  }
0xb0: {  	[bflag:$0x0] =	sbarrier.arrive $0xFFFF  }
0xb1: {  	p0 =	sne.s32 s1, $0x0;
	_ =	strace $0x9000004D  }
0xb2: {  	s0 =	sadd.s32 @!p0 $0x100000, s0;
	[bflag:$0x2] =	sbarrier.arrive $0xFFFF  }
0xb3: {  	[sflag:s0] =	ssyncadd.tile.s32 @!p0 $0x1;
	_ =	shalt  }
.Lfunc_end2:
_tile_overlayer_lowered:
.L_overlay_start_2:
0xb4: {  	(tag) =	ssettag $0x2  }
0xb5: {  	s0 =	rddreg [dreg:$0x0];
	s2 =	stileid.u32  }
0xb6: {  	s1 =	rddreg [dreg:$0x1];
	p0 =	sne.s32 s2, $0x0  }
0xb7: {  	s3 =	rddreg [dreg:$0x2];
	[bflag:$0x3] =	sbarrier.arrive $0xFFFF;
	s2 =	simm.s32 @!p0 $0x1C02  }
0xb8: {  	[timem:s3], [sflag:s2] =	dma.local @!p0 [hbm:s0], s1  }
0xb9: {  	s0 =	simm.s32 @!p0 $0x2  }
0xba: {  	_ =	swait.ge @!p0 [sflag:s0], s1  }
0xbb: {  	s1 =	ssub.s32 @!p0 $0x0, s1;
	[sflag:s0] =	ssyncset.done @!p0 $0x0  }
0xbc: {  	[sflag:s0] =	ssyncadd.s32 @!p0 s1  }
0xbd: {  	[bflag:$0x3] =	sbarrier.arrive $0xFFFF  }
0xbe: {  	_ =	shalt  }

// kernel: kernel.23.cloned.1.call-start
scs
__scs_entry_jumppad:
0x0: {  	(pc) =	sbr.rel $0x88, $3  }
0x1: {  	(tag) =	ssettag $0x0;
	lr =	simm.s32 $0x1  }
0x2: {  	[smem:$0x3F81] =	sst lr;
	_ =	strace $0xD0000000  }
0x3: {  	_ = 	snop  }
0x4: {  	_ = 	snop  }
0x5: {  	_ = 	snop  }
0x6: {  	_ = 	snop  }
0x7: {  	_ = 	snop  }
__scs_overlays_trampoline_lowered:
0x8: {  	[smem:$0x3F90] =	sst s0  }
0x9: {  	[smem:$0x3F91] =	sst s1  }
0xa: {  	[smem:$0x3F92] =	sst s2  }
0xb: {  	[smem:$0x3F93] =	sst s3  }
0xc: {  	[smem:$0x3F94] =	sst s4  }
0xd: {  	[smem:$0x3F95] =	sst s5  }
0xe: {  	[smem:$0x3F96] =	sst s6  }
0xf: {  	[smem:$0x3F97] =	sst s7  }
0x10: {  	[smem:$0x3F98] =	sst s8  }
0x11: {  	[smem:$0x3F99] =	sst s9;
	s0 =	simm.s32 @!p0 $0x0  }
0x12: {  	s1 =	sld [smem:$0x3F7F];
	s0 =	simm.s32 @p0 $0x1  }
0x13: {  	[smem:$0x3F9A] =	sst s0;
	s0 =	simm.s32 @!p1 $0x0  }
0x14: {  	s2 =	sld [smem:$0x3F7E];
	s0 =	simm.s32 @p1 $0x1  }
0x15: {  	[smem:$0x3F9B] =	sst s0;
	s0 =	simm.s32 @!p2 $0x0  }
0x16: {  	s3 =	sld [smem:$0x3FDB];
	s0 =	simm.s32 @p2 $0x1  }
0x17: {  	s4 =	simm.s32 $0x1BF5;
	[smem:$0x3F9D] =	sst s0  }
0x18: {  	s0 =	sld [smem:$0x3F80];
	_ =	swait.ge [sflag:s4], $0x0  }
0x19: {  	s7 =	sld [smem:$0x3F81]  }
0x1a: {  	s8 =	sadd.s32 $0xFFFFE003, lr  }
0x1b: {  	s9 =	sadd.s32 $0xFFFFFEF7, lr;
	s5 =	simm.s32 $0xFFFFFFFF;
	p2 =	slt.u32 s8, $0xFFFFF086  }
0x1c: {  	p1 =	slt.u32 s9, $0xF7A;
	s5 =	simm.s32 @!p2 $0x0  }
0x1d: {  	s5 =	simm.s32 @p1 $0x1;
	p0 =	seq.s32 s7, s2  }
0x1e: {  	s7 =	smul.u32 @!p0 $0xF7A, s2;
	p2 =	seq.s32 @!p0 s5, $0x0  }
0x1f: {  	s9 =	smul.u32 $0xF7A, s1;
	s8 =	simm.s32 @!p0 $0x1BF5;
	p2 =	por !p2, p0  }
0x20: {  	[sflag:s8] =	ssyncset.s32 @!p0 $0xFFFFF086;
	s6 =	sadd.s32 @!p0 s3, s7;
	s7 =	simm.s32 @!p0 $0x108  }
0x21: {  	s3 =	sadd.s32 s3, s9;
	s6 =	sadd.s32 @!p0 $0x88, s6;
	s7 =	simm.s32 @p2 $0x1082  }
0x22: {  	[simem:s7], [sflag:s8] =	dma.local @!p0 [hbm:s6], $0xF7A  }
0x23: {  	s9 =	sor.u32 $0xD0000000, s2;
	s6 =	simm.s32 $0x108;
	_ =	swait.ge @!p0 [sflag:s8], $0x0  }
0x24: {  	s3 =	sadd.s32 $0x88, s3;
	s6 =	simm.s32 @!p1 $0x1082;
	[sflag:s4] =	ssyncset.s32 $0xFFFFF086  }
0x25: {  	[simem:s6], [sflag:s4] =	dma.local [hbm:s3], $0xF7A  }
0x26: {  	[smem:$0x3F81] =	sst s1;
	(tag) =	ssettag s2;
	_ =	strace s9  }
0x27: {  	s1 =	sld [smem:$0x3F91]  }
0x28: {  	s2 =	sld [smem:$0x3F92]  }
0x29: {  	s4 =	sld [smem:$0x3F94]  }
0x2a: {  	p0 =	seq.s32 s5, $0x0;
	s5 =	sld [smem:$0x3F95]  }
0x2b: {  	s6 =	sld [smem:$0x3F96]  }
0x2c: {  	s7 =	sld [smem:$0x3F97]  }
0x2d: {  	s3 =	simm.s32 $0x108;
	s8 =	sld [smem:$0x3F98]  }
0x2e: {  	s3 =	simm.s32 @!p0 $0x1082;
	s9 =	sld [smem:$0x3F99]  }
0x2f: {  	lr =	sadd.s32 s0, s3;
	s0 =	sld [smem:$0x3F90]  }
0x30: {  	s3 =	sld [smem:$0x3F93]  }
0x31: {  	[smem:$0x3F9C] =	sst s10  }
0x32: {  	s10 =	sld [smem:$0x3F9A];
	_ =	sdelay $0x3  }
0x33: {  	p0 =	seq.s32 s10, $0x1;
	s10 =	sld [smem:$0x3F9C];
	_ =	sdelay $0x3  }
0x34: {  	[smem:$0x3F9C] =	sst s10  }
0x35: {  	s10 =	sld [smem:$0x3F9B];
	_ =	sdelay $0x3  }
0x36: {  	p1 =	seq.s32 s10, $0x1;
	s10 =	sld [smem:$0x3F9C];
	_ =	sdelay $0x3  }
0x37: {  	[smem:$0x3F9C] =	sst s10  }
0x38: {  	s10 =	sld [smem:$0x3F9D]  }
0x39: {  	_ = 	snop;
	(pc) =	sbr.ind lr, $3  }
0x3a: {  	_ = 	snop  }
0x3b: {  	_ = 	snop  }
0x3c: {  	p2 =	seq.s32 s10, $0x1;
	s10 =	sld [smem:$0x3F9C]  }
0x3d: {  	_ =	shalt  }
0x3e: {  	_ =	shalt  }
0x3f: {  	_ =	shalt  }
0x40: {  	_ =	shalt  }
0x41: {  	_ =	shalt  }
0x42: {  	_ =	shalt  }
0x43: {  	_ =	shalt  }
0x44: {  	_ =	shalt  }
0x45: {  	_ =	shalt  }
0x46: {  	_ =	shalt  }
0x47: {  	_ =	shalt  }
0x48: {  	_ =	shalt  }
0x49: {  	_ =	shalt  }
0x4a: {  	_ =	shalt  }
0x4b: {  	_ =	shalt  }
0x4c: {  	_ =	shalt  }
0x4d: {  	_ =	shalt  }
0x4e: {  	_ =	shalt  }
0x4f: {  	_ =	shalt  }
0x50: {  	_ =	shalt  }
0x51: {  	_ =	shalt  }
0x52: {  	_ =	shalt  }
0x53: {  	_ =	shalt  }
0x54: {  	_ =	shalt  }
0x55: {  	_ =	shalt  }
0x56: {  	_ =	shalt  }
0x57: {  	_ =	shalt  }
0x58: {  	_ =	shalt  }
0x59: {  	_ =	shalt  }
0x5a: {  	_ =	shalt  }
0x5b: {  	_ =	shalt  }
0x5c: {  	_ =	shalt  }
0x5d: {  	_ =	shalt  }
0x5e: {  	_ =	shalt  }
0x5f: {  	_ =	shalt  }
0x60: {  	_ =	shalt  }
0x61: {  	_ =	shalt  }
0x62: {  	_ =	shalt  }
0x63: {  	_ =	shalt  }
0x64: {  	_ =	shalt  }
0x65: {  	_ =	shalt  }
0x66: {  	_ =	shalt  }
0x67: {  	_ =	shalt  }
0x68: {  	_ =	shalt  }
0x69: {  	_ =	shalt  }
0x6a: {  	_ =	shalt  }
0x6b: {  	_ =	shalt  }
0x6c: {  	_ =	shalt  }
0x6d: {  	_ =	shalt  }
0x6e: {  	_ =	shalt  }
0x6f: {  	_ =	shalt  }
0x70: {  	_ =	shalt  }
0x71: {  	_ =	shalt  }
0x72: {  	_ =	shalt  }
0x73: {  	_ =	shalt  }
0x74: {  	_ =	shalt  }
0x75: {  	_ =	shalt  }
0x76: {  	_ =	shalt  }
0x77: {  	_ =	shalt  }
0x78: {  	_ =	shalt  }
0x79: {  	_ =	shalt  }
0x7a: {  	_ =	shalt  }
0x7b: {  	_ =	shalt  }
0x7c: {  	_ =	shalt  }
0x7d: {  	_ =	shalt  }
0x7e: {  	_ =	shalt  }
0x7f: {  	_ =	shalt  }
0x80: {  	_ =	shalt  }
0x81: {  	_ =	shalt  }
0x82: {  	_ =	shalt  }
0x83: {  	_ =	shalt  }
0x84: {  	_ =	shalt  }
0x85: {  	_ =	shalt  }
0x86: {  	_ =	shalt  }
0x87: {  	_ =	shalt  }
.Lfunc_end0:
.L_simem_size_0:
called_computation.2_lowered:
.L_overlay_start_0:
0x88: {  	s2 =	sld [smem:$0x3FD9]  }
0x89: {  	s3 =	sld [smem:$0x3FFE];
	_ =	sdelay $0x1  }
0x8a: {  	s1 =	srdreg.scid  }
0x8b: {  	s0 =	sand.u32 $0x1, s1  }
0x8c: {  	s17 =	sshll.u32 s0, $0xA;
	s2 =	sadd.s32 s3, s2  }
0x8d: {  	s2 =	sadd.s32 s2, s17  }
0x8e: {  	[smem:$0x3FA8] =	sst s2  }
0x8f: {  	_ = 	snop  }
0x90: {  	(tm) =	ssettm $0x1  }
0x91: {  	s18 =	sld [smem:$0x3FFB];
	_ =	sdelay $0x3  }
0x92: {  	_ =	strace s18  }
0x93: {  	s2 =	sld [smem:$0x3FFC];
	_ =	sdelay $0x3  }
0x94: {  	_ =	strace s2  }
0x95: {  	s2 =	sld [smem:$0x3FFD];
	_ =	sdelay $0x3  }
0x96: {  	_ =	strace s2  }
0x97: {  	_ =	strace $0x8FFFFFFF  }
0x98: {  	s19 =	sld [smem:$0x3FDB];
	_ =	sdelay $0x1  }
0x99: {  	s20 =	simm.s32 $_scs_section_size  }
0x9a: {  	s4 =	simm.s32 $_size__tile_overlayer_lowered;
	s5 =	simm.s32 $_tile_overlayer_lowered  }
0x9b: {  	s6 =	simm.s32 $0x1BFF;
	s21 =	sshll.u32 s5, $0x1;
	s3 =	sadd.s32 s20, s19  }
0x9c: {  	s22 =	simm.s32 $0x0;
	s4 =	sshll.u32 s4, $0x1;
	s5 =	sadd.s32 s21, s3  }
0x9d: {  	[timem:s22], [sflag:s6] =	dma.local [hbm:s5], s4  }
0x9e: {  	_ =	swait.ge [sflag:s6], s4  }
0x9f: {  	s4 =	ssub.s32 $0x0, s4;
	[sflag:s6] =	ssyncset.done $0x0  }
0xa0: {  	[sflag:s6] =	ssyncadd.s32 s4;
	_ =	sdelay $0x1  }
0xa1: {  	s23 =	simm.s32 $0x1B8B  }
0xa2: {  	_ =	swait.ge [sflag:s23], $0x1  }
0xa3: {  	[sflag:s23] =	ssyncset.done $0x0  }
0xa4: {  	[sflag:s23] =	ssyncadd.s32 $0xFFFFFFFF  }
0xa5: {  	s4 =	sld [smem:$0x0]  }
0xa6: {  	s5 =	sand.u32 $0xFFFFFFFE, s1  }
0xa7: {  	p0 =	sne.s32 s1, s5  }
0xa8: {  	s5 =	sshll.u32 @p0 s5, $0xE  }
0xa9: {  	s5 =	sadd.s32 @p0 $0x11B8D, s5;
	s6 =	sshll.u32 @p0 s4, $0x11  }
0xaa: {  	s5 =	sor.u32 @p0 s6, s5  }
0xab: {  	[sflag:s5] =	ssyncadd.remote.s32 @p0 $0x1;
	_ =	sdelay $0x1  }
0xac: {  	s5 =	simm.s32 @p0 $0x1B8D  }
0xad: {  	_ =	swait.eq @p0 [sflag:s5], $0x1  }
0xae: {  	[sflag:s5] =	ssyncadd.s32 @p0 $0xFFFFFFFF  }
0xaf: {  	s6 =	sshll.u32 @!p0 s1, $0xE  }
0xb0: {  	s6 =	sor.u32 @!p0 $0x4000, s6;
	s5 =	simm.s32 @!p0 $0x1B8D  }
0xb1: {  	s4 =	sshll.u32 @!p0 s4, $0x11;
	s6 =	sadd.s32 @!p0 $0x11B8D, s6;
	_ =	swait.eq @!p0 [sflag:s5], $0x1  }
0xb2: {  	s4 =	sor.u32 @!p0 s4, s6;
	[sflag:s5] =	ssyncadd.s32 @!p0 $0xFFFFFFFF  }
0xb3: {  	s25 =	simm.s32 $0x1B8E;
	s24 =	sld [smem:$0x3FFE];
	[sflag:s4] =	ssyncadd.remote.s32 @!p0 $0x1  }
0xb4: {  	s26 =	simm.s32 $execute0_lowered;
	[smem:$0x3FD2] =	sst s25  }
0xb5: {  	s5 =	sshll.u32 s26, $0x1;
	_ =	strace $0x80000049;
	[dreg:$0x1] =	wrdreg $0xFFFFFFFF  }
0xb6: {  	s28 =	simm.s32 $_size_execute0_lowered;
	s3 =	sadd.s32 s3, s5;
	[dreg:$0x0] =	wrdreg $0x0  }
0xb7: {  	s5 =	sshll.u32 s28, $0x1;
	[dreg:$0x2] =	wrdreg s3  }
0xb8: {  	[dreg:$0x3] =	wrdreg s5  }
0xb9: {  	[dreg:$0x4] =	wrdreg $0xC0  }
0xba: {  	_ =	task [dreg:s22], $0x5FFFF  }
0xbb: {  	[dreg:$0x1] =	wrdreg $0xFFFFFFFF  }
0xbc: {  	[dreg:$0x0] =	wrdreg $0x60  }
0xbd: {  	[dreg:$0x2] =	wrdreg s24  }
0xbe: {  	[dreg:$0x3] =	wrdreg $0x140800  }
0xbf: {  	[dreg:$0x4] =	wrdreg $0xA  }
0xc0: {  	_ =	task.clear_ibuf [dreg:s22], $0x5FFFF;
	_ =	strace $0x90000049  }
0xc1: {  	s29 =	simm.s32 $0xA;
	_ =	strace $0x8000004B  }
0xc2: {  	_ =	swait.ge [sflag:s29], $0x1  }
0xc3: {  	[sflag:s29] =	ssyncadd.s32 $0xFFFFFFFF  }
0xc4: {  	_ =	strace $0x9000004B  }
0xc5: {  	_ =	sfence  }
0xc6: {  	s30 =	sld [smem:$0x0];
	_ =	sdelay $0x2  }
0xc7: {  	s31 =	sshll.u32 s1, $0xD;
	s1 =	sshrl.u32 s1, $0x2  }
0xc8: {  	s4 =	sand.u32 $0x4000, s31;
	s1 =	sadd.s32 s1, s30  }
0xc9: {  	s0 =	sor.u32 s4, s0;
	s1 =	sshll.u32 s1, $0x11  }
0xca: {  	s0 =	sor.u32 s1, s0  }
0xcb: {  	s0 =	sadd.s32 $0x8F2B, s0  }
0xcc: {  	[sflag:s0] =	ssyncadd.remote.s32 $0x1  }
0xcd: {  	_ =	sfence.sel $0xFFFF  }
0xce: {  	[dreg:$0x0] =	wrdreg $0xFFFFFFFF;
	(pc) =	sbr.abs _section_cstart, $3  }
0xcf: {  	[dreg:$0x1] =	wrdreg $0xFFFFFFFF  }
0xd0: {  	_ =	task.clear_ibuf [dreg:s22], $0x2FFFF;
	_ =	strace $0x9FFFFFFF  }
0xd1: {  	(tm) =	ssettm $0x7FFFFFFF  }
tec
execute0_lowered:
.L_overlay_start_1:
0x0: {  	(tag) =	ssettag $0x1  }
0x1: {  	s6 =	rddreg [dreg:$0x0]  }
0x2: {  	s1 =	rddreg [dreg:$0x1];
	s3 =	simm.s32 $0x0  }
0x3: {  	s4 =	srdreg.scid;
	s0 =	stileid.u32;
	s15 =	simm.s32 $0xC080  }
0x4: {  	s16 =	simm.s32 $0x80;
	[smem:$0x7FF] =	sst s3;
	s8 =	sshll.u32 s0, $0xE  }
0x5: {  	s11 =	sand.u32 $0x1, s4;
	s4 =	sadd.s32 $0x499E00, s6;
	s13 =	sadd.s32 $0x529E00, s6  }
0x6: {  	s17 =	sshll.u32 s0, $0x7;
	s31 =	sshll.u32 s0, $0x12;
	s25 =	sshll.u32 s0, $0x6  }
0x7: {  	_ =	strace $0x8000004A;
	s5 =	sshll.u32 s11, $0xD;
	s7 =	ssub.s32 $0x2, s11  }
0x8: {  	s18 =	sor.u32 $0x10, s17;
	s19 =	sor.u32 $0x20, s17;
	s20 =	sor.u32 $0x30, s17  }
0x9: {  	v7 =	vlaneseq.u32;
	s21 =	sor.u32 $0x40, s17;
	s22 =	sor.u32 $0x50, s17;
	s23 =	sor.u32 $0x60, s17  }
0xa: {  	s24 =	sor.u32 $0x70, s17;
	s11 =	sshll.u32 s11, $0x11;
	v0 =	vor.u32 s17, v7;
	s17 =	simm.s32 $0x1  }
0xb: {  	s9 =	sor.u32 s5, s8;
	s5 =	sadd.s32 $0x4D9E00, s6;
	s12 =	sshrl.u32 s7, $0x1  }
0xc: {  	s8 =	sadd.s32 s8, s1;
	v1 =	vor.u32 s18, v7;
	s18 =	simm.s32 $0x2;
	v2 =	vor.u32 s19, v7;
	s19 =	simm.s32 $0x4000  }
0xd: {  	v3 =	vor.u32 s20, v7;
	s20 =	sor.u32 $0x1C03, s25;
	v5 =	vor.u32 s22, v7;
	v6 =	vor.u32 s23, v7;
	s22 =	simm.s32 $0x8080;
	s23 =	simm.s32 $0x10080  }
0xe: {  	v4 =	vor.u32 s21, v7;
	v7 =	vor.u32 s24, v7;
	s24 =	simm.s32 $0x0;
	s10 =	sshrl.u32 s9, $0x3;
	s9 =	sshll.u32 s9, $0x4  }
0xf: {  	s12 =	ssub.s32 s7, s12;
	s10 =	sadd.s32 s10, s6;
	s30 =	sadd.s32 s13, s9  }
0x10: {  	s9 =	smax.u32 s12, $0x1;
	s12 =	sadd.s32 s31, s13;
	s13 =	simm.s32 $0x2000  }
0x11: {  	s21 =	sshrl.u32 s8, $0x3;
	s6 =	sadd.s32 $0x521E00, s10;
	s7 =	sadd.s32 $0x519E00, s10  }
0x12: {  	s10 =	sadd.s32 $0x1F800, s30;
	s11 =	sadd.s32 s11, s12;
	s12 =	simm.s32 $0x3  }
.LBB2_1:
0x13: {  	[tilespmem:s3], [sflag:$0x3] =	stream.linear.gather [hbm4b:s6+s3], $0x2000, $0x38;
	[tilespmem:$0x18080] =	vst v63  }
0x14: {  	_ =	swait.ge [sflag:s12], $0x2000  }
0x15: {  	[sflag:s12] =	ssyncset.done $0x0  }
0x16: {  	[sflag:s12] =	ssyncadd.s32 $0xFFFFE000  }
0x17: {  	[tilespmem:s13], [sflag:$0x3] =	stream.linear.gather [hbm4b:s7+s3], $0x2000, $0x38;
	[tilespmem:$0x18080] =	vst v63  }
0x18: {  	_ =	swait.ge [sflag:s12], $0x2000  }
0x19: {  	[sflag:s12] =	ssyncset.done $0x0  }
0x1a: {  	[sflag:s12] =	ssyncadd.s32 $0xFFFFE000  }
0x1b: {  	[tilespmem:$0x4000] =	vst v0  }
0x1c: {  	[tilespmem:$0x4010] =	vst v1  }
0x1d: {  	[tilespmem:$0x4020] =	vst v2  }
0x1e: {  	[tilespmem:$0x4030] =	vst v3  }
0x1f: {  	[tilespmem:$0x4040] =	vst v4  }
0x20: {  	[tilespmem:$0x4050] =	vst v5  }
0x21: {  	[tilespmem:$0x4060] =	vst v6  }
0x22: {  	s0 =	simm.s32 $0x4080;
	[tilespmem:$0x4070] =	vst v7  }
0x23: {  	[tilespmem:s0], [sflag:$0x1] =	stream.indirect.gather [hbm4b:s4+s16], $0x80, s3, s16, $0xb8;
	[tilespmem:$0x18080] =	vst v63  }
0x24: {  	s25 =	sand.u32 $0x4000, s19  }
0x25: {  	[tilespmem:s15], [sflag:$0x2] =	stream.indirect.gather [hbm4b:s5+s16], $0x80, s13, s16, $0xb8;
	[tilespmem:$0x18080] =	vst v63  }
0x26: {  	s26 =	sadd.s32 $0x4080, s25  }
0x27: {  	[tilespmem:s26], [sflag:$0x1] =	stream.indirect.gather [hbm4b:s4+s16], $0x80, s16, s16, $0xb8;
	[tilespmem:$0x18080] =	vst v63  }
0x28: {  	s25 =	sadd.s32 $0xC080, s25;
	s0 =	simm.s32 $0x2080  }
0x29: {  	[tilespmem:s25], [sflag:$0x2] =	stream.indirect.gather [hbm4b:s5+s16], $0x80, s0, s16, $0xb8;
	[tilespmem:$0x18080] =	vst v63  }
0x2a: {  	s2 =	simm.s32 $0x0;
	_ =	swait.ge [sflag:s17], $0x4000  }
0x2b: {  	s25 =	sand.u32 $0x4000, s2;
	[sflag:s17] =	ssyncset.done $0x0  }
0x2c: {  	s14 =	sadd.s32 $0x4080, s25;
	[sflag:s17] =	ssyncadd.s32 $0xFFFFC000  }
0x2d: {  	[spmem:s8] =	stream.linear.scatter [tilespmem:s14], [sflag:$0x3], $0x4000, $0x38;
	[tilespmem:$0x18080] =	vst v63  }
0x2e: {  	_ =	swait.ge [sflag:s12], $0x4000  }
0x2f: {  	[sflag:s12] =	ssyncset.done $0x0  }
0x30: {  	[sflag:s12] =	ssyncadd.s32 $0xFFFFC000  }
0x31: {  	_ =	swait.ge [sflag:s18], $0x4000  }
0x32: {  	[sflag:s18] =	ssyncset.done $0x0  }
0x33: {  	s25 =	sadd.s32 $0xC080, s25;
	[sflag:s18] =	ssyncadd.s32 $0xFFFFC000  }
0x34: {  	[spmem:s1] =	stream.indirect.scatter.add.f32 [tilespmem:s25], [sflag:$0x3], $0x80, s19, s16, $0xb8;
	[tilespmem:$0x18080] =	vst v63  }
0x35: {  	_ =	swait.ge [sflag:s12], $0x4000  }
0x36: {  	[sflag:s12] =	ssyncset.done $0x0  }
0x37: {  	s31 =	simm.s32 $0xC000;
	s29 =	simm.s32 $0x100;
	[sflag:s12] =	ssyncadd.s32 $0xFFFFC000  }
0x38: {  	[hbm:s11], [sflag:s20] =	dma.local [spmem:s21], $0x800  }
0x39: {  	s28 =	simm.s32 $0x2100;
	s26 =	simm.s32 $0x8000;
	_ =	swait.ge [sflag:s12], $0x800  }
0x3a: {  	s30 =	sand.u32 $0x4000, s26;
	s25 =	sadd.s32 $0x800, s11;
	[sflag:s12] =	ssyncset.done $0x0  }
.LBB2_2:
0x3b: {  	s0 =	sadd.s32 $0x4080, s30  }
0x3c: {  	[sflag:s12] =	ssyncadd.s32 $0xFFFFF800;
	s2 =	smov.u32 s31;
	s14 =	sadd.s32 $0x4000, s31  }
0x3d: {  	[tilespmem:s0], [sflag:$0x1] =	stream.indirect.gather [hbm4b:s4+s16], $0x80, s29, s16, $0xb8;
	[tilespmem:$0x18080] =	vst v63  }
0x3e: {  	p0 =	sne.s32 s31, $0xFC000;
	s0 =	sadd.s32 $0xC080, s30  }
0x3f: {  	[tilespmem:s0], [sflag:$0x2] =	stream.indirect.gather [hbm4b:s5+s16], $0x80, s28, s16, $0xb8;
	[tilespmem:$0x18080] =	vst v63  }
0x40: {  	s0 =	sadd.s32 $0xFFFFC000, s26;
	s26 =	smov.u32 s2;
	_ =	swait.ge [sflag:s17], $0x4000  }
0x41: {  	s0 =	sand.u32 $0x4000, s0;
	[sflag:s17] =	ssyncset.done $0x0  }
0x42: {  	s2 =	sadd.s32 $0x4080, s0;
	[sflag:s17] =	ssyncadd.s32 $0xFFFFC000  }
0x43: {  	[spmem:s8] =	stream.linear.scatter [tilespmem:s2], [sflag:$0x3], $0x4000, $0x38;
	[tilespmem:$0x18080] =	vst v63  }
0x44: {  	_ =	swait.ge [sflag:s12], $0x4000  }
0x45: {  	[sflag:s12] =	ssyncset.done $0x0  }
0x46: {  	[sflag:s12] =	ssyncadd.s32 $0xFFFFC000  }
0x47: {  	_ =	swait.ge [sflag:s18], $0x4000  }
0x48: {  	[sflag:s18] =	ssyncset.done $0x0  }
0x49: {  	s0 =	sadd.s32 $0xC080, s0;
	[sflag:s18] =	ssyncadd.s32 $0xFFFFC000  }
0x4a: {  	[spmem:s1] =	stream.indirect.scatter.add.f32 [tilespmem:s0], [sflag:$0x3], $0x80, s19, s16, $0xb8;
	[tilespmem:$0x18080] =	vst v63  }
0x4b: {  	_ =	swait.ge [sflag:s12], $0x4000  }
.Ltmp0:
0x4c: {  	[sflag:s12] =	ssyncset.done $0x0;
	(pc) =	sbr.rel @p0 .LBB2_2-.Ltmp0, $4  }
0x4d: {  	s29 =	sadd.s32 $0x80, s29;
	[sflag:s12] =	ssyncadd.s32 $0xFFFFC000  }
0x4e: {  	[hbm:s25], [sflag:s20] =	dma.local [spmem:s21], $0x800  }
0x4f: {  	s31 =	smov.u32 s14;
	s28 =	sadd.s32 $0x80, s28;
	_ =	swait.ge [sflag:s12], $0x800  }
0x50: {  	s30 =	sand.u32 $0x4000, s26;
	s25 =	sadd.s32 $0x800, s25;
	[sflag:s12] =	ssyncset.done $0x0  }
0x51: {  	s0 =	sadd.s32 $0x4080, s30;
	[sflag:s12] =	ssyncadd.s32 $0xFFFFF800  }
0x52: {  	[tilespmem:s0], [sflag:$0x1] =	stream.indirect.gather [hbm4b:s4+s16], $0x80, s29, s16, $0xb8;
	[tilespmem:$0x18080] =	vst v63  }
0x53: {  	s30 =	sadd.s32 $0xC080, s30  }
0x54: {  	[tilespmem:s30], [sflag:$0x2] =	stream.indirect.gather [hbm4b:s5+s16], $0x80, s28, s16, $0xb8;
	[tilespmem:$0x18080] =	vst v63  }
0x55: {  	s31 =	sadd.s32 $0xFFFFC000, s26;
	_ =	swait.ge [sflag:s17], $0x4000  }
0x56: {  	s0 =	sand.u32 $0x4000, s31;
	[sflag:s17] =	ssyncset.done $0x0  }
0x57: {  	s2 =	sadd.s32 $0x4080, s0;
	[sflag:s17] =	ssyncadd.s32 $0xFFFFC000  }
0x58: {  	[spmem:s8] =	stream.linear.scatter [tilespmem:s2], [sflag:$0x3], $0x4000, $0x38;
	[tilespmem:$0x18080] =	vst v63  }
0x59: {  	_ =	swait.ge [sflag:s12], $0x4000  }
0x5a: {  	[sflag:s12] =	ssyncset.done $0x0  }
0x5b: {  	[sflag:s12] =	ssyncadd.s32 $0xFFFFC000  }
0x5c: {  	_ =	swait.ge [sflag:s18], $0x4000  }
0x5d: {  	[sflag:s18] =	ssyncset.done $0x0  }
0x5e: {  	s0 =	sadd.s32 $0xC080, s0;
	[sflag:s18] =	ssyncadd.s32 $0xFFFFC000  }
0x5f: {  	[spmem:s1] =	stream.indirect.scatter.add.f32 [tilespmem:s0], [sflag:$0x3], $0x80, s19, s16, $0xb8;
	[tilespmem:$0x18080] =	vst v63  }
0x60: {  	_ =	swait.ge [sflag:s12], $0x4000  }
0x61: {  	[sflag:s12] =	ssyncset.done $0x0  }
0x62: {  	[sflag:s12] =	ssyncadd.s32 $0xFFFFC000  }
0x63: {  	[hbm:s25], [sflag:s20] =	dma.local [spmem:s21], $0x800  }
0x64: {  	_ =	swait.ge [sflag:s12], $0x800  }
0x65: {  	[sflag:s12] =	ssyncset.done $0x0  }
0x66: {  	[sflag:s12] =	ssyncadd.s32 $0xFFFFF800  }
0x67: {  	_ =	swait.ge [sflag:s17], $0x4000  }
0x68: {  	[sflag:s17] =	ssyncset.done $0x0  }
0x69: {  	[sflag:s17] =	ssyncadd.s32 $0xFFFFC000  }
0x6a: {  	[spmem:s8] =	stream.linear.scatter [tilespmem:s22], [sflag:$0x3], $0x4000, $0x38;
	[tilespmem:$0x18080] =	vst v63  }
0x6b: {  	_ =	swait.ge [sflag:s12], $0x4000  }
0x6c: {  	[sflag:s12] =	ssyncset.done $0x0  }
0x6d: {  	[sflag:s12] =	ssyncadd.s32 $0xFFFFC000  }
0x6e: {  	_ =	swait.ge [sflag:s18], $0x4000  }
0x6f: {  	[sflag:s18] =	ssyncset.done $0x0  }
0x70: {  	[sflag:s18] =	ssyncadd.s32 $0xFFFFC000  }
0x71: {  	[spmem:s1] =	stream.indirect.scatter.add.f32 [tilespmem:s23], [sflag:$0x3], $0x80, s19, s16, $0xb8;
	[tilespmem:$0x18080] =	vst v63  }
0x72: {  	s24 =	sadd.s32 $0x1, s24;
	_ =	swait.ge [sflag:s12], $0x4000  }
0x73: {  	p0 =	sne.s32 s24, s9;
	[sflag:s12] =	ssyncset.done $0x0  }
.Ltmp1:
0x74: {  	[sflag:s12] =	ssyncadd.s32 $0xFFFFC000;
	(pc) =	sbr.rel @p0 .LBB2_1-.Ltmp1, $4  }
0x75: {  	[hbm:s10], [sflag:s20] =	dma.local [spmem:s21], $0x800  }
0x76: {  	_ =	swait.ge [sflag:s12], $0x800  }
0x77: {  	[sflag:s12] =	ssyncset.done $0x0  }
0x78: {  	[sflag:s12] =	ssyncadd.s32 $0xFFFFF800  }
0x79: {  	_ =	sfence.sel $0x180000  }
0x7a: {  	[bflag:$0x0] =	sbarrier.arrive $0xFFFF  }
0x7b: {  	_ =	strace $0x9000004A  }
0x7c: {  	s0 =	stileid.u32;
	[bflag:$0x2] =	sbarrier.arrive $0xFFFF  }
0x7d: {  	p0 =	sne.s32 s0, $0x0;
	s0 =	rddreg [dreg:$0x2]  }
0x7e: {  	s0 =	sadd.s32 @!p0 $0x100000, s0  }
0x7f: {  	[sflag:s0] =	ssyncadd.tile.s32 @!p0 $0x1;
	_ =	shalt  }
.Lfunc_end2:
_tile_overlayer_lowered:
.L_overlay_start_2:
0x80: {  	(tag) =	ssettag $0x2  }
0x81: {  	s0 =	rddreg [dreg:$0x0];
	s2 =	stileid.u32  }
0x82: {  	s1 =	rddreg [dreg:$0x1];
	p0 =	sne.s32 s2, $0x0  }
0x83: {  	s3 =	rddreg [dreg:$0x2];
	[bflag:$0x3] =	sbarrier.arrive $0xFFFF;
	s2 =	simm.s32 @!p0 $0x1C03  }
0x84: {  	[timem:s3], [sflag:s2] =	dma.local @!p0 [hbm:s0], s1  }
0x85: {  	s0 =	simm.s32 @!p0 $0x3  }
0x86: {  	_ =	swait.ge @!p0 [sflag:s0], s1  }
0x87: {  	s1 =	ssub.s32 @!p0 $0x0, s1;
	[sflag:s0] =	ssyncset.done @!p0 $0x0  }
0x88: {  	[sflag:s0] =	ssyncadd.s32 @!p0 s1  }
0x89: {  	[bflag:$0x3] =	sbarrier.arrive $0xFFFF  }
0x8a: {  	_ =	shalt  }

// kernel: kernel.26.cloned.1.call-start
scs
__scs_entry_jumppad:
0x0: {  	(pc) =	sbr.rel $0x88, $3  }
0x1: {  	(tag) =	ssettag $0x0;
	lr =	simm.s32 $0x1  }
0x2: {  	[smem:$0x3F81] =	sst lr;
	_ =	strace $0xD0000000  }
0x3: {  	_ = 	snop  }
0x4: {  	_ = 	snop  }
0x5: {  	_ = 	snop  }
0x6: {  	_ = 	snop  }
0x7: {  	_ = 	snop  }
__scs_overlays_trampoline_lowered:
0x8: {  	[smem:$0x3F90] =	sst s0  }
0x9: {  	[smem:$0x3F91] =	sst s1  }
0xa: {  	[smem:$0x3F92] =	sst s2  }
0xb: {  	[smem:$0x3F93] =	sst s3  }
0xc: {  	[smem:$0x3F94] =	sst s4  }
0xd: {  	[smem:$0x3F95] =	sst s5  }
0xe: {  	[smem:$0x3F96] =	sst s6  }
0xf: {  	[smem:$0x3F97] =	sst s7  }
0x10: {  	[smem:$0x3F98] =	sst s8  }
0x11: {  	[smem:$0x3F99] =	sst s9;
	s0 =	simm.s32 @!p0 $0x0  }
0x12: {  	s1 =	sld [smem:$0x3F7F];
	s0 =	simm.s32 @p0 $0x1  }
0x13: {  	[smem:$0x3F9A] =	sst s0;
	s0 =	simm.s32 @!p1 $0x0  }
0x14: {  	s2 =	sld [smem:$0x3F7E];
	s0 =	simm.s32 @p1 $0x1  }
0x15: {  	[smem:$0x3F9B] =	sst s0;
	s0 =	simm.s32 @!p2 $0x0  }
0x16: {  	s3 =	sld [smem:$0x3FDB];
	s0 =	simm.s32 @p2 $0x1  }
0x17: {  	s4 =	simm.s32 $0x1BF5;
	[smem:$0x3F9D] =	sst s0  }
0x18: {  	s0 =	sld [smem:$0x3F80];
	_ =	swait.ge [sflag:s4], $0x0  }
0x19: {  	s7 =	sld [smem:$0x3F81]  }
0x1a: {  	s8 =	sadd.s32 $0xFFFFE003, lr  }
0x1b: {  	s9 =	sadd.s32 $0xFFFFFEF7, lr;
	s5 =	simm.s32 $0xFFFFFFFF;
	p2 =	slt.u32 s8, $0xFFFFF086  }
0x1c: {  	p1 =	slt.u32 s9, $0xF7A;
	s5 =	simm.s32 @!p2 $0x0  }
0x1d: {  	s5 =	simm.s32 @p1 $0x1;
	p0 =	seq.s32 s7, s2  }
0x1e: {  	s7 =	smul.u32 @!p0 $0xF7A, s2;
	p2 =	seq.s32 @!p0 s5, $0x0  }
0x1f: {  	s9 =	smul.u32 $0xF7A, s1;
	s8 =	simm.s32 @!p0 $0x1BF5;
	p2 =	por !p2, p0  }
0x20: {  	[sflag:s8] =	ssyncset.s32 @!p0 $0xFFFFF086;
	s6 =	sadd.s32 @!p0 s3, s7;
	s7 =	simm.s32 @!p0 $0x108  }
0x21: {  	s3 =	sadd.s32 s3, s9;
	s6 =	sadd.s32 @!p0 $0x88, s6;
	s7 =	simm.s32 @p2 $0x1082  }
0x22: {  	[simem:s7], [sflag:s8] =	dma.local @!p0 [hbm:s6], $0xF7A  }
0x23: {  	s9 =	sor.u32 $0xD0000000, s2;
	s6 =	simm.s32 $0x108;
	_ =	swait.ge @!p0 [sflag:s8], $0x0  }
0x24: {  	s3 =	sadd.s32 $0x88, s3;
	s6 =	simm.s32 @!p1 $0x1082;
	[sflag:s4] =	ssyncset.s32 $0xFFFFF086  }
0x25: {  	[simem:s6], [sflag:s4] =	dma.local [hbm:s3], $0xF7A  }
0x26: {  	[smem:$0x3F81] =	sst s1;
	(tag) =	ssettag s2;
	_ =	strace s9  }
0x27: {  	s1 =	sld [smem:$0x3F91]  }
0x28: {  	s2 =	sld [smem:$0x3F92]  }
0x29: {  	s4 =	sld [smem:$0x3F94]  }
0x2a: {  	p0 =	seq.s32 s5, $0x0;
	s5 =	sld [smem:$0x3F95]  }
0x2b: {  	s6 =	sld [smem:$0x3F96]  }
0x2c: {  	s7 =	sld [smem:$0x3F97]  }
0x2d: {  	s3 =	simm.s32 $0x108;
	s8 =	sld [smem:$0x3F98]  }
0x2e: {  	s3 =	simm.s32 @!p0 $0x1082;
	s9 =	sld [smem:$0x3F99]  }
0x2f: {  	lr =	sadd.s32 s0, s3;
	s0 =	sld [smem:$0x3F90]  }
0x30: {  	s3 =	sld [smem:$0x3F93]  }
0x31: {  	[smem:$0x3F9C] =	sst s10  }
0x32: {  	s10 =	sld [smem:$0x3F9A];
	_ =	sdelay $0x3  }
0x33: {  	p0 =	seq.s32 s10, $0x1;
	s10 =	sld [smem:$0x3F9C];
	_ =	sdelay $0x3  }
0x34: {  	[smem:$0x3F9C] =	sst s10  }
0x35: {  	s10 =	sld [smem:$0x3F9B];
	_ =	sdelay $0x3  }
0x36: {  	p1 =	seq.s32 s10, $0x1;
	s10 =	sld [smem:$0x3F9C];
	_ =	sdelay $0x3  }
0x37: {  	[smem:$0x3F9C] =	sst s10  }
0x38: {  	s10 =	sld [smem:$0x3F9D]  }
0x39: {  	_ = 	snop;
	(pc) =	sbr.ind lr, $3  }
0x3a: {  	_ = 	snop  }
0x3b: {  	_ = 	snop  }
0x3c: {  	p2 =	seq.s32 s10, $0x1;
	s10 =	sld [smem:$0x3F9C]  }
0x3d: {  	_ =	shalt  }
0x3e: {  	_ =	shalt  }
0x3f: {  	_ =	shalt  }
0x40: {  	_ =	shalt  }
0x41: {  	_ =	shalt  }
0x42: {  	_ =	shalt  }
0x43: {  	_ =	shalt  }
0x44: {  	_ =	shalt  }
0x45: {  	_ =	shalt  }
0x46: {  	_ =	shalt  }
0x47: {  	_ =	shalt  }
0x48: {  	_ =	shalt  }
0x49: {  	_ =	shalt  }
0x4a: {  	_ =	shalt  }
0x4b: {  	_ =	shalt  }
0x4c: {  	_ =	shalt  }
0x4d: {  	_ =	shalt  }
0x4e: {  	_ =	shalt  }
0x4f: {  	_ =	shalt  }
0x50: {  	_ =	shalt  }
0x51: {  	_ =	shalt  }
0x52: {  	_ =	shalt  }
0x53: {  	_ =	shalt  }
0x54: {  	_ =	shalt  }
0x55: {  	_ =	shalt  }
0x56: {  	_ =	shalt  }
0x57: {  	_ =	shalt  }
0x58: {  	_ =	shalt  }
0x59: {  	_ =	shalt  }
0x5a: {  	_ =	shalt  }
0x5b: {  	_ =	shalt  }
0x5c: {  	_ =	shalt  }
0x5d: {  	_ =	shalt  }
0x5e: {  	_ =	shalt  }
0x5f: {  	_ =	shalt  }
0x60: {  	_ =	shalt  }
0x61: {  	_ =	shalt  }
0x62: {  	_ =	shalt  }
0x63: {  	_ =	shalt  }
0x64: {  	_ =	shalt  }
0x65: {  	_ =	shalt  }
0x66: {  	_ =	shalt  }
0x67: {  	_ =	shalt  }
0x68: {  	_ =	shalt  }
0x69: {  	_ =	shalt  }
0x6a: {  	_ =	shalt  }
0x6b: {  	_ =	shalt  }
0x6c: {  	_ =	shalt  }
0x6d: {  	_ =	shalt  }
0x6e: {  	_ =	shalt  }
0x6f: {  	_ =	shalt  }
0x70: {  	_ =	shalt  }
0x71: {  	_ =	shalt  }
0x72: {  	_ =	shalt  }
0x73: {  	_ =	shalt  }
0x74: {  	_ =	shalt  }
0x75: {  	_ =	shalt  }
0x76: {  	_ =	shalt  }
0x77: {  	_ =	shalt  }
0x78: {  	_ =	shalt  }
0x79: {  	_ =	shalt  }
0x7a: {  	_ =	shalt  }
0x7b: {  	_ =	shalt  }
0x7c: {  	_ =	shalt  }
0x7d: {  	_ =	shalt  }
0x7e: {  	_ =	shalt  }
0x7f: {  	_ =	shalt  }
0x80: {  	_ =	shalt  }
0x81: {  	_ =	shalt  }
0x82: {  	_ =	shalt  }
0x83: {  	_ =	shalt  }
0x84: {  	_ =	shalt  }
0x85: {  	_ =	shalt  }
0x86: {  	_ =	shalt  }
0x87: {  	_ =	shalt  }
.Lfunc_end0:
.L_simem_size_0:
called_computation.3_lowered:
.L_overlay_start_0:
0x88: {  	s2 =	sld [smem:$0x3FD9]  }
0x89: {  	s3 =	sld [smem:$0x3FFE];
	_ =	sdelay $0x1  }
0x8a: {  	s1 =	srdreg.scid  }
0x8b: {  	s0 =	sand.u32 $0x1, s1  }
0x8c: {  	s17 =	sshll.u32 s0, $0xA;
	s2 =	sadd.s32 s3, s2  }
0x8d: {  	s2 =	sadd.s32 s2, s17  }
0x8e: {  	[smem:$0x3FA8] =	sst s2  }
0x8f: {  	_ = 	snop  }
0x90: {  	(tm) =	ssettm $0x1  }
0x91: {  	s18 =	sld [smem:$0x3FFB];
	_ =	sdelay $0x3  }
0x92: {  	_ =	strace s18  }
0x93: {  	s2 =	sld [smem:$0x3FFC];
	_ =	sdelay $0x3  }
0x94: {  	_ =	strace s2  }
0x95: {  	s2 =	sld [smem:$0x3FFD];
	_ =	sdelay $0x3  }
0x96: {  	_ =	strace s2  }
0x97: {  	_ =	strace $0x8FFFFFFF  }
0x98: {  	s19 =	sld [smem:$0x3FDB];
	_ =	sdelay $0x1  }
0x99: {  	s20 =	simm.s32 $_scs_section_size  }
0x9a: {  	s4 =	simm.s32 $_size__tile_overlayer_lowered;
	s5 =	simm.s32 $_tile_overlayer_lowered  }
0x9b: {  	s6 =	simm.s32 $0x1BFF;
	s21 =	sshll.u32 s5, $0x1;
	s3 =	sadd.s32 s20, s19  }
0x9c: {  	s22 =	simm.s32 $0x0;
	s4 =	sshll.u32 s4, $0x1;
	s5 =	sadd.s32 s21, s3  }
0x9d: {  	[timem:s22], [sflag:s6] =	dma.local [hbm:s5], s4  }
0x9e: {  	_ =	swait.ge [sflag:s6], s4  }
0x9f: {  	s4 =	ssub.s32 $0x0, s4;
	[sflag:s6] =	ssyncset.done $0x0  }
0xa0: {  	[sflag:s6] =	ssyncadd.s32 s4;
	_ =	sdelay $0x1  }
0xa1: {  	s23 =	simm.s32 $0x1B8B  }
0xa2: {  	_ =	swait.ge [sflag:s23], $0x1  }
0xa3: {  	[sflag:s23] =	ssyncset.done $0x0  }
0xa4: {  	[sflag:s23] =	ssyncadd.s32 $0xFFFFFFFF  }
0xa5: {  	s4 =	sld [smem:$0x0]  }
0xa6: {  	s5 =	sand.u32 $0xFFFFFFFE, s1  }
0xa7: {  	p0 =	sne.s32 s1, s5  }
0xa8: {  	s5 =	sshll.u32 @p0 s5, $0xE  }
0xa9: {  	s5 =	sadd.s32 @p0 $0x11B8D, s5;
	s6 =	sshll.u32 @p0 s4, $0x11  }
0xaa: {  	s5 =	sor.u32 @p0 s6, s5  }
0xab: {  	[sflag:s5] =	ssyncadd.remote.s32 @p0 $0x1;
	_ =	sdelay $0x1  }
0xac: {  	s5 =	simm.s32 @p0 $0x1B8D  }
0xad: {  	_ =	swait.eq @p0 [sflag:s5], $0x1  }
0xae: {  	[sflag:s5] =	ssyncadd.s32 @p0 $0xFFFFFFFF  }
0xaf: {  	s6 =	sshll.u32 @!p0 s1, $0xE  }
0xb0: {  	s6 =	sor.u32 @!p0 $0x4000, s6;
	s5 =	simm.s32 @!p0 $0x1B8D  }
0xb1: {  	s4 =	sshll.u32 @!p0 s4, $0x11;
	s6 =	sadd.s32 @!p0 $0x11B8D, s6;
	_ =	swait.eq @!p0 [sflag:s5], $0x1  }
0xb2: {  	s4 =	sor.u32 @!p0 s4, s6;
	[sflag:s5] =	ssyncadd.s32 @!p0 $0xFFFFFFFF  }
0xb3: {  	s25 =	simm.s32 $0x1B8E;
	s24 =	sld [smem:$0x3FFE];
	[sflag:s4] =	ssyncadd.remote.s32 @!p0 $0x1  }
0xb4: {  	s26 =	simm.s32 $execute0_lowered;
	[smem:$0x3FD2] =	sst s25  }
0xb5: {  	s5 =	sshll.u32 s26, $0x1;
	_ =	strace $0x8000004F;
	[dreg:$0x1] =	wrdreg $0xFFFFFFFF  }
0xb6: {  	s28 =	simm.s32 $_size_execute0_lowered;
	s3 =	sadd.s32 s3, s5;
	[dreg:$0x0] =	wrdreg $0x0  }
0xb7: {  	s5 =	sshll.u32 s28, $0x1;
	[dreg:$0x2] =	wrdreg s3  }
0xb8: {  	[dreg:$0x3] =	wrdreg s5  }
0xb9: {  	[dreg:$0x4] =	wrdreg $0xC0  }
0xba: {  	_ =	task [dreg:s22], $0x5FFFF  }
0xbb: {  	[dreg:$0x1] =	wrdreg $0xFFFFFFFF  }
0xbc: {  	[dreg:$0x0] =	wrdreg $0x60  }
0xbd: {  	[dreg:$0x2] =	wrdreg s24  }
0xbe: {  	[dreg:$0x3] =	wrdreg $0xC0800  }
0xbf: {  	[dreg:$0x4] =	wrdreg $0xA  }
0xc0: {  	_ =	task.clear_ibuf [dreg:s22], $0x5FFFF;
	_ =	strace $0x9000004F  }
0xc1: {  	s29 =	simm.s32 $0xA;
	_ =	strace $0x80000051  }
0xc2: {  	_ =	swait.ge [sflag:s29], $0x1  }
0xc3: {  	[sflag:s29] =	ssyncadd.s32 $0xFFFFFFFF  }
0xc4: {  	_ =	strace $0x90000051  }
0xc5: {  	_ =	sfence  }
0xc6: {  	s30 =	sld [smem:$0x0];
	_ =	sdelay $0x2  }
0xc7: {  	s31 =	sshll.u32 s1, $0xD;
	s1 =	sshrl.u32 s1, $0x2  }
0xc8: {  	s4 =	sand.u32 $0x4000, s31;
	s1 =	sadd.s32 s1, s30  }
0xc9: {  	s0 =	sor.u32 s4, s0;
	s1 =	sshll.u32 s1, $0x11  }
0xca: {  	s0 =	sor.u32 s1, s0  }
0xcb: {  	s0 =	sadd.s32 $0x8F2B, s0  }
0xcc: {  	[sflag:s0] =	ssyncadd.remote.s32 $0x1  }
0xcd: {  	_ =	sfence.sel $0xFFFF  }
0xce: {  	[dreg:$0x0] =	wrdreg $0xFFFFFFFF;
	(pc) =	sbr.abs _section_cstart, $3  }
0xcf: {  	[dreg:$0x1] =	wrdreg $0xFFFFFFFF  }
0xd0: {  	_ =	task.clear_ibuf [dreg:s22], $0x2FFFF;
	_ =	strace $0x9FFFFFFF  }
0xd1: {  	(tm) =	ssettm $0x7FFFFFFF  }
tec
execute0_lowered:
.L_overlay_start_1:
0x0: {  	(tag) =	ssettag $0x1  }
0x1: {  	s5 =	rddreg [dreg:$0x0]  }
0x2: {  	s2 =	rddreg [dreg:$0x1]  }
0x3: {  	s0 =	rddreg [dreg:$0x2]  }
0x4: {  	s3 =	simm.s32 $0x0;
	s1 =	stileid.u32;
	s4 =	srdreg.scid  }
0x5: {  	s13 =	simm.s32 $0x4080;
	s14 =	simm.s32 $0x1;
	s15 =	simm.s32 $0x80  }
0x6: {  	s17 =	simm.s32 $0x8080;
	s18 =	simm.s32 $0x0;
	[smem:$0x7FF] =	sst s3  }
0x7: {  	s6 =	sshll.u32 s1, $0x12;
	s7 =	sshll.u32 s1, $0xB;
	s8 =	sand.u32 $0x1, s4  }
0x8: {  	s4 =	sadd.s32 $0xB600, s5;
	s29 =	sshll.u32 s1, $0xD;
	s31 =	sshll.u32 s1, $0x6  }
0x9: {  	_ =	strace $0x80000050;
	s9 =	sadd.s32 s6, s5;
	s7 =	sadd.s32 s7, s5  }
0xa: {  	s10 =	sshll.u32 s8, $0x11;
	s11 =	ssub.s32 $0x2, s8;
	s16 =	sshll.u32 s8, $0xD  }
0xb: {  	s6 =	sshrl.u32 s6, $0x2;
	s10 =	sadd.s32 s10, s5;
	s28 =	sshrl.u32 s11, $0x1  }
0xc: {  	s5 =	sadd.s32 $0x521E00, s7;
	s12 =	sadd.s32 s6, s2;
	s6 =	sadd.s32 $0x1129E00, s9  }
0xd: {  	s9 =	sadd.s32 $0x112A600, s9;
	v0 =	vmov s16;
	s16 =	simm.s32 $0x4000;
	s11 =	ssub.s32 s11, s28  }
0xe: {  	s30 =	sadd.s32 s29, s10;
	s10 =	simm.s32 $0x2;
	s12 =	sshrl.u32 s12, $0x3  }
0xf: {  	s7 =	sadd.s32 $0x969E00, s30;
	s8 =	smax.u32 s11, $0x1;
	s11 =	sor.u32 $0x1C02, s31  }
.LBB2_1:
0x10: {  	[tilespmem:s3], [sflag:$0x2] =	stream.linear.gather [hbm4b:s5+s3], $0x4000, $0x38;
	[tilespmem:$0x1C0C0] =	vst v63  }
0x11: {  	_ =	swait.ge [sflag:s10], $0x4000  }
0x12: {  	[sflag:s10] =	ssyncset.done $0x0  }
0x13: {  	[sflag:s10] =	ssyncadd.s32 $0xFFFFC000  }
0x14: {  	[spmem:s12], [sflag:s11] =	dma.local [hbm:s4], $0x2000  }
0x15: {  	_ =	swait.ge [sflag:s10], $0x2000  }
0x16: {  	s19 =	simm.s32 $0x10000;
	[sflag:s10] =	ssyncset.done $0x0  }
0x17: {  	s19 =	sand.u32 $0x10000, s19;
	[sflag:s10] =	ssyncadd.s32 $0xFFFFE000  }
0x18: {  	s19 =	sshrl.u32 s19, $0x2;
	[bflag:$0x0] =	sbarrier.arrive $0xFFFF  }
0x19: {  	[tilespmem:s13], [sflag:$0x1] =	stream.linear.gather [hbm4b:s6+s3], $0x4000, $0x38;
	[tilespmem:$0x1C0C0] =	vst v63  }
0x1a: {  	s20 =	simm.s32 $0x40;
	s19 =	sadd.s32 $0x4080, s19  }
0x1b: {  	[tilespmem:s19], [sflag:$0x1] =	stream.linear.gather [hbm4b:s9+s3], $0x4000, $0x38;
	[tilespmem:$0x1C0C0] =	vst v63  }
0x1c: {  	v1 =	vld [tilespmem:s20+$0xFFFFFFC0];
	_ =	sdelay $0x4  }
0x1d: {  	v1 =	vsub.s32 v1, v0  }
0x1e: {  	v1 =	vmin.u32 v1, $0x2000  }
0x1f: {  	[tilespmem:$0x4000] =	vst v1  }
0x20: {  	v1 =	vld [tilespmem:s20+$0xFFFFFFD0];
	_ =	sdelay $0x4  }
0x21: {  	v1 =	vsub.s32 v1, v0  }
0x22: {  	v1 =	vmin.u32 v1, $0x2000  }
0x23: {  	[tilespmem:$0x4010] =	vst v1  }
0x24: {  	v1 =	vld [tilespmem:s20+$0xFFFFFFE0];
	_ =	sdelay $0x4  }
0x25: {  	v1 =	vsub.s32 v1, v0  }
0x26: {  	v1 =	vmin.u32 v1, $0x2000  }
0x27: {  	[tilespmem:$0x4020] =	vst v1  }
0x28: {  	v1 =	vld [tilespmem:s20+$0xFFFFFFF0];
	_ =	sdelay $0x4  }
0x29: {  	v1 =	vsub.s32 v1, v0  }
0x2a: {  	v1 =	vmin.u32 v1, $0x2000  }
0x2b: {  	[tilespmem:$0x4030] =	vst v1  }
0x2c: {  	v1 =	vld [tilespmem:s20+$0x0];
	_ =	sdelay $0x4  }
0x2d: {  	v1 =	vsub.s32 v1, v0  }
0x2e: {  	v1 =	vmin.u32 v1, $0x2000  }
0x2f: {  	[tilespmem:$0x4040] =	vst v1  }
0x30: {  	v1 =	vld [tilespmem:s20+$0x10];
	_ =	sdelay $0x4  }
0x31: {  	v1 =	vsub.s32 v1, v0  }
0x32: {  	v1 =	vmin.u32 v1, $0x2000  }
0x33: {  	[tilespmem:$0x4050] =	vst v1  }
0x34: {  	v1 =	vld [tilespmem:s20+$0x20];
	_ =	sdelay $0x4  }
0x35: {  	v1 =	vsub.s32 v1, v0  }
0x36: {  	v1 =	vmin.u32 v1, $0x2000  }
0x37: {  	[tilespmem:$0x4060] =	vst v1  }
0x38: {  	v1 =	vld [tilespmem:s20+$0x30];
	_ =	sdelay $0x4  }
0x39: {  	v1 =	vsub.s32 v1, v0  }
0x3a: {  	v1 =	vmin.u32 v1, $0x2000  }
0x3b: {  	s30 =	simm.s32 $0x0;
	[tilespmem:$0x4070] =	vst v1  }
0x3c: {  	s31 =	sand.u32 $0x10000, s30;
	_ =	swait.ge [sflag:s14], $0x4000  }
0x3d: {  	s19 =	simm.s32 $0x20000;
	s20 =	sshrl.u32 s31, $0x2;
	[sflag:s14] =	ssyncset.done $0x0  }
0x3e: {  	s21 =	sand.u32 $0x10000, s19;
	s20 =	sadd.s32 $0x4080, s20;
	[sflag:s14] =	ssyncadd.s32 $0xFFFFC000  }
0x3f: {  	[spmem:s2] =	stream.indirect.scatter.add.f32 [tilespmem:s20], [sflag:$0x2], $0x80, s16, s15, $0xb8;
	[tilespmem:$0x1C0C0] =	vst v63  }
0x40: {  	s24 =	simm.s32 $0x30000;
	s23 =	sshrl.u32 s21, $0x2;
	_ =	swait.ge [sflag:s10], $0x4000  }
0x41: {  	s21 =	sadd.s32 $0x800, s9;
	s20 =	simm.s32 $0xC0;
	[sflag:s10] =	ssyncset.done $0x0  }
.LBB2_2:
0x42: {  	s25 =	sadd.s32 $0x4080, s23  }
0x43: {  	[sflag:s10] =	ssyncadd.s32 $0xFFFFC000;
	s23 =	smov.u32 s24;
	s22 =	sadd.s32 $0x10000, s24  }
0x44: {  	[tilespmem:s25], [sflag:$0x1] =	stream.linear.gather [hbm4b:s21+s3], $0x4000, $0x38;
	[tilespmem:$0x1C0C0] =	vst v63  }
0x45: {  	p0 =	sne.s32 s24, $0x7F0000;
	v1 =	vld [tilespmem:s20+$0xFFFFFFC0];
	_ =	sdelay $0x4  }
0x46: {  	v1 =	vsub.s32 v1, v0  }
0x47: {  	v1 =	vmin.u32 v1, $0x2000  }
0x48: {  	[tilespmem:$0x4000] =	vst v1  }
0x49: {  	v1 =	vld [tilespmem:s20+$0xFFFFFFD0];
	_ =	sdelay $0x4  }
0x4a: {  	v1 =	vsub.s32 v1, v0  }
0x4b: {  	v1 =	vmin.u32 v1, $0x2000  }
0x4c: {  	[tilespmem:$0x4010] =	vst v1  }
0x4d: {  	v1 =	vld [tilespmem:s20+$0xFFFFFFE0];
	_ =	sdelay $0x4  }
0x4e: {  	v1 =	vsub.s32 v1, v0  }
0x4f: {  	v1 =	vmin.u32 v1, $0x2000  }
0x50: {  	[tilespmem:$0x4020] =	vst v1  }
0x51: {  	v1 =	vld [tilespmem:s20+$0xFFFFFFF0];
	_ =	sdelay $0x4  }
0x52: {  	v1 =	vsub.s32 v1, v0  }
0x53: {  	v1 =	vmin.u32 v1, $0x2000  }
0x54: {  	[tilespmem:$0x4030] =	vst v1  }
0x55: {  	v1 =	vld [tilespmem:s20+$0x0];
	_ =	sdelay $0x4  }
0x56: {  	v1 =	vsub.s32 v1, v0  }
0x57: {  	v1 =	vmin.u32 v1, $0x2000  }
0x58: {  	[tilespmem:$0x4040] =	vst v1  }
0x59: {  	v1 =	vld [tilespmem:s20+$0x10];
	_ =	sdelay $0x4  }
0x5a: {  	v1 =	vsub.s32 v1, v0  }
0x5b: {  	v1 =	vmin.u32 v1, $0x2000  }
0x5c: {  	[tilespmem:$0x4050] =	vst v1  }
0x5d: {  	v1 =	vld [tilespmem:s20+$0x20];
	_ =	sdelay $0x4  }
0x5e: {  	v1 =	vsub.s32 v1, v0  }
0x5f: {  	v1 =	vmin.u32 v1, $0x2000  }
0x60: {  	[tilespmem:$0x4060] =	vst v1  }
0x61: {  	v1 =	vld [tilespmem:s20+$0x30];
	_ =	sdelay $0x4  }
0x62: {  	v1 =	vsub.s32 v1, v0  }
0x63: {  	v1 =	vmin.u32 v1, $0x2000  }
0x64: {  	s24 =	sadd.s32 $0xFFFF0000, s19;
	s19 =	smov.u32 s23;
	[tilespmem:$0x4070] =	vst v1  }
0x65: {  	s23 =	sand.u32 $0x10000, s24;
	_ =	swait.ge [sflag:s14], $0x4000  }
.Ltmp0:
0x66: {  	s23 =	sshrl.u32 s23, $0x2;
	[sflag:s14] =	ssyncset.done $0x0;
	(pc) =	sbr.rel @p0 .LBB2_2-.Ltmp0, $4  }
0x67: {  	s21 =	sadd.s32 $0x800, s21;
	s23 =	sadd.s32 $0x4080, s23;
	[sflag:s14] =	ssyncadd.s32 $0xFFFFC000  }
0x68: {  	[spmem:s2] =	stream.indirect.scatter.add.f32 [tilespmem:s23], [sflag:$0x2], $0x80, s16, s15, $0xb8;
	[tilespmem:$0x1C0C0] =	vst v63  }
0x69: {  	s20 =	sadd.s32 $0x80, s20;
	s23 =	sand.u32 $0x10000, s19;
	_ =	swait.ge [sflag:s10], $0x4000  }
0x6a: {  	s24 =	smov.u32 s22;
	s23 =	sshrl.u32 s23, $0x2;
	[sflag:s10] =	ssyncset.done $0x0  }
0x6b: {  	s22 =	sadd.s32 $0x4080, s23;
	[sflag:s10] =	ssyncadd.s32 $0xFFFFC000  }
0x6c: {  	[tilespmem:s22], [sflag:$0x1] =	stream.linear.gather [hbm4b:s21+s3], $0x4000, $0x38;
	[tilespmem:$0x1C0C0] =	vst v63  }
0x6d: {  	v1 =	vld [tilespmem:s20+$0xFFFFFFC0];
	_ =	sdelay $0x4  }
0x6e: {  	v1 =	vsub.s32 v1, v0  }
0x6f: {  	v1 =	vmin.u32 v1, $0x2000  }
0x70: {  	[tilespmem:$0x4000] =	vst v1  }
0x71: {  	v1 =	vld [tilespmem:s20+$0xFFFFFFD0];
	_ =	sdelay $0x4  }
0x72: {  	v1 =	vsub.s32 v1, v0  }
0x73: {  	v1 =	vmin.u32 v1, $0x2000  }
0x74: {  	[tilespmem:$0x4010] =	vst v1  }
0x75: {  	v1 =	vld [tilespmem:s20+$0xFFFFFFE0];
	_ =	sdelay $0x4  }
0x76: {  	v1 =	vsub.s32 v1, v0  }
0x77: {  	v1 =	vmin.u32 v1, $0x2000  }
0x78: {  	[tilespmem:$0x4020] =	vst v1  }
0x79: {  	v1 =	vld [tilespmem:s20+$0xFFFFFFF0];
	_ =	sdelay $0x4  }
0x7a: {  	v1 =	vsub.s32 v1, v0  }
0x7b: {  	v1 =	vmin.u32 v1, $0x2000  }
0x7c: {  	[tilespmem:$0x4030] =	vst v1  }
0x7d: {  	v1 =	vld [tilespmem:s20+$0x0];
	_ =	sdelay $0x4  }
0x7e: {  	v1 =	vsub.s32 v1, v0  }
0x7f: {  	v1 =	vmin.u32 v1, $0x2000  }
0x80: {  	[tilespmem:$0x4040] =	vst v1  }
0x81: {  	v1 =	vld [tilespmem:s20+$0x10];
	_ =	sdelay $0x4  }
0x82: {  	v1 =	vsub.s32 v1, v0  }
0x83: {  	v1 =	vmin.u32 v1, $0x2000  }
0x84: {  	[tilespmem:$0x4050] =	vst v1  }
0x85: {  	v1 =	vld [tilespmem:s20+$0x20];
	_ =	sdelay $0x4  }
0x86: {  	v1 =	vsub.s32 v1, v0  }
0x87: {  	v1 =	vmin.u32 v1, $0x2000  }
0x88: {  	[tilespmem:$0x4060] =	vst v1  }
0x89: {  	v1 =	vld [tilespmem:s20+$0x30];
	_ =	sdelay $0x4  }
0x8a: {  	v1 =	vsub.s32 v1, v0  }
0x8b: {  	v1 =	vmin.u32 v1, $0x2000  }
0x8c: {  	s19 =	sadd.s32 $0xFFFF0000, s19;
	[tilespmem:$0x4070] =	vst v1  }
0x8d: {  	s19 =	sand.u32 $0x10000, s19;
	_ =	swait.ge [sflag:s14], $0x4000  }
0x8e: {  	s19 =	sshrl.u32 s19, $0x2;
	[sflag:s14] =	ssyncset.done $0x0  }
0x8f: {  	s19 =	sadd.s32 $0x4080, s19;
	[sflag:s14] =	ssyncadd.s32 $0xFFFFC000  }
0x90: {  	[spmem:s2] =	stream.indirect.scatter.add.f32 [tilespmem:s19], [sflag:$0x2], $0x80, s16, s15, $0xb8;
	[tilespmem:$0x1C0C0] =	vst v63  }
0x91: {  	_ =	swait.ge [sflag:s10], $0x4000  }
0x92: {  	[sflag:s10] =	ssyncset.done $0x0  }
0x93: {  	[sflag:s10] =	ssyncadd.s32 $0xFFFFC000  }
0x94: {  	v1 =	vld [tilespmem:$0x3F80]  }
0x95: {  	v2 =	vld [tilespmem:$0x3F90]  }
0x96: {  	v3 =	vld [tilespmem:$0x3FA0]  }
0x97: {  	v4 =	vld [tilespmem:$0x3FB0]  }
0x98: {  	v5 =	vld [tilespmem:$0x3FC0]  }
0x99: {  	v6 =	vld [tilespmem:$0x3FD0];
	v1 =	vsub.s32 v1, v0  }
0x9a: {  	v7 =	vld [tilespmem:$0x3FE0];
	v2 =	vsub.s32 v2, v0;
	v1 =	vmin.u32 v1, $0x2000  }
0x9b: {  	[tilespmem:$0x4000] =	vst v1;
	v1 =	vmin.u32 v2, $0x2000;
	v2 =	vsub.s32 v3, v0;
	v3 =	vld [tilespmem:$0x3FF0]  }
0x9c: {  	[tilespmem:$0x4010] =	vst v1;
	v1 =	vmin.u32 v2, $0x2000;
	v2 =	vsub.s32 v4, v0  }
0x9d: {  	[tilespmem:$0x4020] =	vst v1;
	v1 =	vmin.u32 v2, $0x2000;
	v2 =	vsub.s32 v5, v0  }
0x9e: {  	[tilespmem:$0x4030] =	vst v1;
	v1 =	vmin.u32 v2, $0x2000;
	v2 =	vsub.s32 v6, v0  }
0x9f: {  	[tilespmem:$0x4040] =	vst v1;
	v1 =	vmin.u32 v2, $0x2000;
	v2 =	vsub.s32 v7, v0  }
0xa0: {  	[tilespmem:$0x4050] =	vst v1;
	v1 =	vmin.u32 v2, $0x2000;
	v2 =	vsub.s32 v3, v0  }
0xa1: {  	[tilespmem:$0x4060] =	vst v1;
	v1 =	vmin.u32 v2, $0x2000  }
0xa2: {  	[tilespmem:$0x4070] =	vst v1  }
0xa3: {  	_ =	swait.ge [sflag:s14], $0x4000  }
0xa4: {  	[sflag:s14] =	ssyncset.done $0x0  }
0xa5: {  	[sflag:s14] =	ssyncadd.s32 $0xFFFFC000  }
0xa6: {  	[spmem:s2] =	stream.indirect.scatter.add.f32 [tilespmem:s17], [sflag:$0x2], $0x80, s16, s15, $0xb8;
	[tilespmem:$0x1C0C0] =	vst v63  }
0xa7: {  	_ =	swait.ge [sflag:s10], $0x4000  }
0xa8: {  	s18 =	sadd.s32 $0x1, s18;
	[sflag:s10] =	ssyncset.done $0x0  }
0xa9: {  	p0 =	sne.s32 s18, s8;
	[sflag:s10] =	ssyncadd.s32 $0xFFFFC000  }
.Ltmp1:
0xaa: {  	[bflag:$0x0] =	sbarrier.arrive $0xFFFF;
	(pc) =	sbr.rel @p0 .LBB2_1-.Ltmp1, $4  }
0xab: {  	[hbm:s7], [sflag:s11] =	dma.local [spmem:s12], $0x2000  }
0xac: {  	_ =	swait.ge [sflag:s10], $0x2000  }
0xad: {  	[sflag:s10] =	ssyncset.done $0x0  }
0xae: {  	[sflag:s10] =	ssyncadd.s32 $0xFFFFE000  }
0xaf: {  	_ =	sfence.sel $0x180000  }
0xb0: {  	[bflag:$0x0] =	sbarrier.arrive $0xFFFF  }
0xb1: {  	p0 =	sne.s32 s1, $0x0;
	_ =	strace $0x90000050  }
0xb2: {  	s0 =	sadd.s32 @!p0 $0x100000, s0;
	[bflag:$0x2] =	sbarrier.arrive $0xFFFF  }
0xb3: {  	[sflag:s0] =	ssyncadd.tile.s32 @!p0 $0x1;
	_ =	shalt  }
.Lfunc_end2:
_tile_overlayer_lowered:
.L_overlay_start_2:
0xb4: {  	(tag) =	ssettag $0x2  }
0xb5: {  	s0 =	rddreg [dreg:$0x0];
	s2 =	stileid.u32  }
0xb6: {  	s1 =	rddreg [dreg:$0x1];
	p0 =	sne.s32 s2, $0x0  }
0xb7: {  	s3 =	rddreg [dreg:$0x2];
	[bflag:$0x3] =	sbarrier.arrive $0xFFFF;
	s2 =	simm.s32 @!p0 $0x1C02  }
0xb8: {  	[timem:s3], [sflag:s2] =	dma.local @!p0 [hbm:s0], s1  }
0xb9: {  	s0 =	simm.s32 @!p0 $0x2  }
0xba: {  	_ =	swait.ge @!p0 [sflag:s0], s1  }
0xbb: {  	s1 =	ssub.s32 @!p0 $0x0, s1;
	[sflag:s0] =	ssyncset.done @!p0 $0x0  }
0xbc: {  	[sflag:s0] =	ssyncadd.s32 @!p0 s1  }
0xbd: {  	[bflag:$0x3] =	sbarrier.arrive $0xFFFF  }
0xbe: {  	_ =	shalt  }

</sc_bundles>
